<compile_context>
chip_gen: v7x
topology: tpu7x:2x2x1
jax: 0.10.2.dev20260603
libtpu: 0.0.44.dev20260713+nightly
codegen_flags: <defaults>
</compile_context>

<pallas_src>
import jax
import jax.numpy as jnp
from jax import lax
from jax.experimental import pallas as pl
from jax.experimental.pallas import tpu as pltpu
from jax.experimental.pallas import tpu_sc as plsc

D = 64
SEQ = 200
NB = 1024

_info = plsc.get_sparse_core_info()
_NC, _NS, _L = _info.num_cores, _info.num_subcores, _info.num_lanes
NW = _NC * _NS
BPW = NB // NW
SPC = 4
CHUNK = SPC * BPW
NCHUNK = SEQ // SPC
NBUF = 2
NIDX = 2 * NBUF
NG = NCHUNK // NBUF


def _sc_body(x_hbm, cos_hbm, sin_hbm, table_hbm, out_hbm,
             x_v, idx_v, oidx_v, cos_v, sin_v,
             in0, in1, out0, out1, si0, si1, so0, so1):
    wid = lax.axis_index("s") * _NC + lax.axis_index("c")
    base = wid * BPW * SEQ
    pltpu.sync_copy(x_hbm.at[pl.ds(wid * BPW, BPW), :], x_v)
    pltpu.sync_copy(cos_hbm, cos_v)
    pltpu.sync_copy(sin_hbm, sin_v)
    iota = lax.iota(jnp.int32, _L)
    perm = iota ^ 1

    bufs = ((in0, out0, si0, so0), (in1, out1, si1, so1))

    def build_idx(c):
        slot = lax.rem(c, NIDX)
        for j in range(SPC):
            pos = c * SPC + j
            psplat = jnp.full((_L,), pos, jnp.int32)
            for h in range(BPW // _L):
                bvec = iota + (_L * h)
                vals = plsc.load_gather(x_v, [bvec, psplat])
                idx_v[slot, pl.ds(j * BPW + _L * h, _L)] = vals
                oidx_v[slot, pl.ds(j * BPW + _L * h, _L)] = (
                    base + bvec * SEQ + pos)

    def gather(c, b):
        pltpu.async_copy(table_hbm.at[idx_v.at[lax.rem(c, NIDX)]],
                         bufs[b][0], bufs[b][2])

    def gather_wait(c, b):
        pltpu.make_async_copy(table_hbm.at[idx_v.at[lax.rem(c, NIDX)]],
                              bufs[b][0], bufs[b][2]).wait()

    def wb(c, b):
        pltpu.async_copy(bufs[b][1], out_hbm.at[oidx_v.at[lax.rem(c, NIDX)]],
                         bufs[b][3])

    def wb_wait(c, b):
        pltpu.make_async_copy(bufs[b][1],
                              out_hbm.at[oidx_v.at[lax.rem(c, NIDX)]],
                              bufs[b][3]).wait()

    for b in range(NBUF):
        build_idx(b)
        gather(b, b)

    def group_body(g, carry):
        for b in range(NBUF):
            c = g * NBUF + b
            in_v, out_v = bufs[b][0], bufs[b][1]
            gather_wait(c, b)

            @pl.when(g >= 1)
            def _():
                wb_wait(c - NBUF, b)

            for j in range(SPC):
                s = c * SPC + j
                cc = [cos_v[s, pl.ds(_L * k, _L)] for k in range(D // _L)]
                ss = [sin_v[s, pl.ds(_L * k, _L)] for k in range(D // _L)]

                def row_body(i, carry2, j=j, cc=cc, ss=ss):
                    r = j * BPW + i
                    for k in range(D // _L):
                        xv = in_v[r, pl.ds(_L * k, _L)]
                        sw = jnp.take_along_axis(xv, perm, axis=0,
                                                 mode="promise_in_bounds")
                        out_v[r, pl.ds(_L * k, _L)] = xv * cc[k] + sw * ss[k]
                    return carry2

                lax.fori_loop(0, BPW, row_body, 0, unroll=2)

            wb(c, b)

            @pl.when(c + NBUF < NCHUNK)
            def _():
                build_idx(c + NBUF)
                gather(c + NBUF, b)
        return carry

    lax.fori_loop(0, NG, group_body, 0)
    for b in range(NBUF):
        wb_wait(NCHUNK - NBUF + b, b)


def kernel(x, table):
    nb, seq = x.shape
    x_i = x.astype(jnp.int32)

    inv_freq = 1.0 / (10000.0 ** (jnp.arange(0, D, 2, dtype=jnp.float32) / D))
    pos = jnp.arange(SEQ, dtype=jnp.float32)
    freqs = pos[:, None] * inv_freq[None, :]
    cos_t = jnp.repeat(jnp.cos(freqs), 2, axis=1)
    sign = jnp.tile(jnp.array([-1.0, 1.0], jnp.float32), D // 2)
    sin_t = jnp.repeat(jnp.sin(freqs), 2, axis=1) * sign

    mesh = plsc.VectorSubcoreMesh(core_axis_name="c", subcore_axis_name="s")
    f = pl.kernel(
        _sc_body,
        out_type=jax.ShapeDtypeStruct((NB * SEQ, D), jnp.float32),
        mesh=mesh,
        compiler_params=pltpu.CompilerParams(needs_layout_passes=False,
                                             use_tc_tiling_on_sc=False,
                                             skip_device_barrier=True),
        scratch_types=[
            pltpu.VMEM((BPW, SEQ), jnp.int32),
            pltpu.VMEM((NIDX, CHUNK), jnp.int32),
            pltpu.VMEM((NIDX, CHUNK), jnp.int32),
            pltpu.VMEM((SEQ, D), jnp.float32),
            pltpu.VMEM((SEQ, D), jnp.float32),
            pltpu.VMEM((CHUNK, D), jnp.float32),
            pltpu.VMEM((CHUNK, D), jnp.float32),
            pltpu.VMEM((CHUNK, D), jnp.float32),
            pltpu.VMEM((CHUNK, D), jnp.float32),
            pltpu.SemaphoreType.DMA,
            pltpu.SemaphoreType.DMA,
            pltpu.SemaphoreType.DMA,
            pltpu.SemaphoreType.DMA,
        ],
    )
    out = f(x_i, cos_t, sin_t, table)
    return out.reshape(nb, seq, D)

# --- scband reference (transcript-rebuilt; emitter-appended) ---
"""Pipeline reference for scband-sentence-embedding-78666620993946 (READ-ONLY COPY).

The authoritative reference and input builder live on the scoring server;
editing this copy changes nothing except your own understanding.
"""

import jax, jax.numpy as jnp
import numpy as np

VOCAB = 1000000
EMBED_DIM = 64

def _apply_rotary(x):
    b, s, d = x.shape
    inv_freq = 1.0 / (10000.0 ** (jnp.arange(0, d, 2, dtype=jnp.float32) / d))
    positions = jnp.arange(s, dtype=jnp.float32)
    freqs = positions[:, None] * inv_freq[None, :]  # [s, d//2]
    sin = jnp.sin(freqs)[None, :, :]  # [1, s, d//2]
    cos = jnp.cos(freqs)[None, :, :]
    x1 = x[..., ::2]
    x2 = x[..., 1::2]
    even = x1 * cos - x2 * sin
    odd = x1 * sin + x2 * cos
    stacked = jnp.stack((even, odd), axis=-1)
    return stacked.reshape(b, s, d)

def setup_inputs(seed: int = 0) -> dict:
    key = jax.random.key(seed)
    k1, k2 = jax.random.split(key)
    x = jax.random.randint(k1, (1024, 200), 0, VOCAB, dtype=jnp.int64)
    table = jax.random.normal(k2, (VOCAB, EMBED_DIM), dtype=jnp.float32)
    return {"x": x, "table": table}

def reference(x, table):
    embedded = jnp.take(table, x, axis=0)  # [B, L, D]
    return _apply_rotary(embedded)

if __name__ == "__main__":
    import jax
    _d = setup_inputs()
    print(jax.jit(kernel)(*tuple(_d.values())))

</pallas_src>

<mosaic_0001>
#map = affine_map<(d0, d1) -> (0, 0)>
module attributes {stable_mosaic.version = 14 : i64} {
  func.func @_sc_body(%arg0: i32, %arg1: i32, %arg2: memref<1024x200xi32, #tpu.memory_space<hbm>>, %arg3: memref<200x64xf32, #tpu.memory_space<hbm>>, %arg4: memref<200x64xf32, #tpu.memory_space<hbm>>, %arg5: memref<1000000x64xf32, #tpu.memory_space<hbm>>, %arg6: memref<204800x64xf32, #tpu.memory_space<hbm>>, %arg7: memref<32x200xi32, #tpu.memory_space<vmem>>, %arg8: memref<4x128xi32, #tpu.memory_space<vmem>>, %arg9: memref<4x128xi32, #tpu.memory_space<vmem>>, %arg10: memref<200x64xf32, #tpu.memory_space<vmem>>, %arg11: memref<200x64xf32, #tpu.memory_space<vmem>>, %arg12: memref<128x64xf32, #tpu.memory_space<vmem>>, %arg13: memref<128x64xf32, #tpu.memory_space<vmem>>, %arg14: memref<128x64xf32, #tpu.memory_space<vmem>>, %arg15: memref<128x64xf32, #tpu.memory_space<vmem>>, %arg16: memref<!tpu.dma_semaphore, #tpu.memory_space<semaphore_mem>>, %arg17: memref<!tpu.dma_semaphore, #tpu.memory_space<semaphore_mem>>, %arg18: memref<!tpu.dma_semaphore, #tpu.memory_space<semaphore_mem>>, %arg19: memref<!tpu.dma_semaphore, #tpu.memory_space<semaphore_mem>>) attributes {dimension_semantics = [#tpu.dimension_semantics<core_parallel>, #tpu.dimension_semantics<subcore_parallel>], iteration_bounds = array<i64: 2, 16>, scalar_prefetch = 0 : i64, scratch_operands = 13 : i64, tpu.core_type = #tpu.core_type<sc_vector_subcore>, window_params = [{transform_indices = #map}, {transform_indices = #map}, {transform_indices = #map}, {transform_indices = #map}, {transform_indices = #map}]} {
    %mul3A = arith.constant 2 : i32
    %mul3A_0 = arith.muli %arg1, %mul3A : i32
    %add3A = arith.addi %mul3A_0, %arg0 : i32
    %mul3A_1 = arith.constant 32 : i32
    %mul3A_2 = arith.muli %add3A, %mul3A_1 : i32
    %mul3A_3 = arith.constant 200 : i32
    %mul3A_4 = arith.muli %mul3A_2, %mul3A_3 : i32
    %mul3A_5 = arith.constant 32 : i32
    %mul3A_6 = arith.muli %add3A, %mul3A_5 : i32
    "tpu.region"() ({
      %run_scoped3A = tpu.sem_alloc : memref<!tpu.dma_semaphore, #tpu.memory_space<semaphore_mem>>
      %dma_start3A_354 = arith.constant 0 : i32
      %dma_start3A_355 = tpu.memref_slice %arg2[%mul3A_6, %dma_start3A_354] : memref<1024x200xi32, #tpu.memory_space<hbm>> -> memref<32x200xi32, #tpu.memory_space<hbm>>
      %dma_start3A_356 = arith.constant 0 : i32
      %dma_start3A_357 = tpu.memref_slice %arg2[%mul3A_6, %dma_start3A_356] : memref<1024x200xi32, #tpu.memory_space<hbm>> -> memref<32x200xi32, #tpu.memory_space<hbm>>
      tpu.enqueue_dma source(%dma_start3A_357 : memref<32x200xi32, #tpu.memory_space<hbm>>) target(%arg7 : memref<32x200xi32, #tpu.memory_space<vmem>>) target_semaphore(%run_scoped3A : memref<!tpu.dma_semaphore, #tpu.memory_space<semaphore_mem>>)
      %dma_wait3A_358 = arith.constant 0 : i32
      %dma_wait3A_359 = tpu.memref_slice %arg2[%mul3A_6, %dma_wait3A_358] : memref<1024x200xi32, #tpu.memory_space<hbm>> -> memref<32x200xi32, #tpu.memory_space<hbm>>
      %dma_wait3A_360 = arith.constant 0 : i32
      %dma_wait3A_361 = tpu.memref_slice %arg2[%mul3A_6, %dma_wait3A_360] : memref<1024x200xi32, #tpu.memory_space<hbm>> -> memref<32x200xi32, #tpu.memory_space<hbm>>
      tpu.wait_dma2 semaphore(%run_scoped3A : memref<!tpu.dma_semaphore, #tpu.memory_space<semaphore_mem>>) src(%dma_wait3A_361 : memref<32x200xi32, #tpu.memory_space<hbm>>) dst(%arg7 : memref<32x200xi32, #tpu.memory_space<vmem>>)
      tpu.yield
    }) : () -> ()
    "tpu.region"() ({
      %run_scoped3A = tpu.sem_alloc : memref<!tpu.dma_semaphore, #tpu.memory_space<semaphore_mem>>
      tpu.enqueue_dma source(%arg3 : memref<200x64xf32, #tpu.memory_space<hbm>>) target(%arg10 : memref<200x64xf32, #tpu.memory_space<vmem>>) target_semaphore(%run_scoped3A : memref<!tpu.dma_semaphore, #tpu.memory_space<semaphore_mem>>)
      tpu.wait_dma2 semaphore(%run_scoped3A : memref<!tpu.dma_semaphore, #tpu.memory_space<semaphore_mem>>) src(%arg3 : memref<200x64xf32, #tpu.memory_space<hbm>>) dst(%arg10 : memref<200x64xf32, #tpu.memory_space<vmem>>)
      tpu.yield
    }) : () -> ()
    "tpu.region"() ({
      %run_scoped3A = tpu.sem_alloc : memref<!tpu.dma_semaphore, #tpu.memory_space<semaphore_mem>>
      tpu.enqueue_dma source(%arg4 : memref<200x64xf32, #tpu.memory_space<hbm>>) target(%arg11 : memref<200x64xf32, #tpu.memory_space<vmem>>) target_semaphore(%run_scoped3A : memref<!tpu.dma_semaphore, #tpu.memory_space<semaphore_mem>>)
      tpu.wait_dma2 semaphore(%run_scoped3A : memref<!tpu.dma_semaphore, #tpu.memory_space<semaphore_mem>>) src(%arg4 : memref<200x64xf32, #tpu.memory_space<hbm>>) dst(%arg11 : memref<200x64xf32, #tpu.memory_space<vmem>>)
      tpu.yield
    }) : () -> ()
    %iota3A = tpu.iota {dimensions = array<i32: 0>} : vector<16xi32>
    %xor3A = arith.constant 1 : i32
    %xor3A_7 = vector.broadcast %xor3A : i32 to vector<16xi32>
    %xor3A_8 = arith.xori %iota3A, %xor3A_7 : vector<16xi32>
    %rem3A = arith.constant 0 : i32
    %rem3A_9 = arith.constant 4 : i32
    %rem3A_10 = arith.remsi %rem3A, %rem3A_9 : i32
    %broadcast_in_dim3A = arith.constant 0 : i32
    %broadcast_in_dim3A_11 = vector.broadcast %broadcast_in_dim3A : i32 to vector<16xi32>
    %add3A_12 = arith.constant 0 : i32
    %add3A_13 = vector.broadcast %add3A_12 : i32 to vector<16xi32>
    %add3A_14 = arith.addi %iota3A, %add3A_13 : vector<16xi32>
    %gather3A = tpu.vector_load_idx %arg7[%add3A_14, %broadcast_in_dim3A_11] : memref<32x200xi32, #tpu.memory_space<vmem>>[vector<16xi32>, vector<16xi32>], vector<16xi32>,
    %swap3A = arith.index_cast %rem3A_10 : i32 to index
    %swap3A_15 = arith.constant 0 : index
    %swap3A_16 = tpu.vector_load %arg8[%swap3A, %swap3A_15] {strides = array<i32>} : memref<4x128xi32, #tpu.memory_space<vmem>>, vector<16xi32>,
    tpu.vector_store %arg8[%swap3A, %swap3A_15], %gather3A {strides = array<i32>} : memref<4x128xi32, #tpu.memory_space<vmem>>, vector<16xi32>,
    %mul3A_17 = arith.constant 200 : i32
    %mul3A_18 = vector.broadcast %mul3A_17 : i32 to vector<16xi32>
    %mul3A_19 = arith.muli %add3A_14, %mul3A_18 : vector<16xi32>
    %add3A_20 = vector.broadcast %mul3A_4 : i32 to vector<16xi32>
    %add3A_21 = arith.addi %add3A_20, %mul3A_19 : vector<16xi32>
    %add3A_22 = arith.constant 0 : i32
    %add3A_23 = vector.broadcast %add3A_22 : i32 to vector<16xi32>
    %add3A_24 = arith.addi %add3A_21, %add3A_23 : vector<16xi32>
    %swap3A_25 = arith.index_cast %rem3A_10 : i32 to index
    %swap3A_26 = arith.constant 0 : index
    %swap3A_27 = tpu.vector_load %arg9[%swap3A_25, %swap3A_26] {strides = array<i32>} : memref<4x128xi32, #tpu.memory_space<vmem>>, vector<16xi32>,
    tpu.vector_store %arg9[%swap3A_25, %swap3A_26], %add3A_24 {strides = array<i32>} : memref<4x128xi32, #tpu.memory_space<vmem>>, vector<16xi32>,
    %add3A_28 = arith.constant 16 : i32
    %add3A_29 = vector.broadcast %add3A_28 : i32 to vector<16xi32>
    %add3A_30 = arith.addi %iota3A, %add3A_29 : vector<16xi32>
    %gather3A_31 = tpu.vector_load_idx %arg7[%add3A_30, %broadcast_in_dim3A_11] : memref<32x200xi32, #tpu.memory_space<vmem>>[vector<16xi32>, vector<16xi32>], vector<16xi32>,
    %swap3A_32 = arith.index_cast %rem3A_10 : i32 to index
    %swap3A_33 = arith.constant 16 : index
    %swap3A_34 = tpu.vector_load %arg8[%swap3A_32, %swap3A_33] {strides = array<i32>} : memref<4x128xi32, #tpu.memory_space<vmem>>, vector<16xi32>,
    tpu.vector_store %arg8[%swap3A_32, %swap3A_33], %gather3A_31 {strides = array<i32>} : memref<4x128xi32, #tpu.memory_space<vmem>>, vector<16xi32>,
    %mul3A_35 = arith.constant 200 : i32
    %mul3A_36 = vector.broadcast %mul3A_35 : i32 to vector<16xi32>
    %mul3A_37 = arith.muli %add3A_30, %mul3A_36 : vector<16xi32>
    %add3A_38 = vector.broadcast %mul3A_4 : i32 to vector<16xi32>
    %add3A_39 = arith.addi %add3A_38, %mul3A_37 : vector<16xi32>
    %add3A_40 = arith.constant 0 : i32
    %add3A_41 = vector.broadcast %add3A_40 : i32 to vector<16xi32>
    %add3A_42 = arith.addi %add3A_39, %add3A_41 : vector<16xi32>
    %swap3A_43 = arith.index_cast %rem3A_10 : i32 to index
    %swap3A_44 = arith.constant 16 : index
    %swap3A_45 = tpu.vector_load %arg9[%swap3A_43, %swap3A_44] {strides = array<i32>} : memref<4x128xi32, #tpu.memory_space<vmem>>, vector<16xi32>,
    tpu.vector_store %arg9[%swap3A_43, %swap3A_44], %add3A_42 {strides = array<i32>} : memref<4x128xi32, #tpu.memory_space<vmem>>, vector<16xi32>,
    %broadcast_in_dim3A_46 = arith.constant 1 : i32
    %broadcast_in_dim3A_47 = vector.broadcast %broadcast_in_dim3A_46 : i32 to vector<16xi32>
    %add3A_48 = arith.constant 0 : i32
    %add3A_49 = vector.broadcast %add3A_48 : i32 to vector<16xi32>
    %add3A_50 = arith.addi %iota3A, %add3A_49 : vector<16xi32>
    %gather3A_51 = tpu.vector_load_idx %arg7[%add3A_50, %broadcast_in_dim3A_47] : memref<32x200xi32, #tpu.memory_space<vmem>>[vector<16xi32>, vector<16xi32>], vector<16xi32>,
    %swap3A_52 = arith.index_cast %rem3A_10 : i32 to index
    %swap3A_53 = arith.constant 32 : index
    %swap3A_54 = tpu.vector_load %arg8[%swap3A_52, %swap3A_53] {strides = array<i32>} : memref<4x128xi32, #tpu.memory_space<vmem>>, vector<16xi32>,
    tpu.vector_store %arg8[%swap3A_52, %swap3A_53], %gather3A_51 {strides = array<i32>} : memref<4x128xi32, #tpu.memory_space<vmem>>, vector<16xi32>,
    %mul3A_55 = arith.constant 200 : i32
    %mul3A_56 = vector.broadcast %mul3A_55 : i32 to vector<16xi32>
    %mul3A_57 = arith.muli %add3A_50, %mul3A_56 : vector<16xi32>
    %add3A_58 = vector.broadcast %mul3A_4 : i32 to vector<16xi32>
    %add3A_59 = arith.addi %add3A_58, %mul3A_57 : vector<16xi32>
    %add3A_60 = arith.constant 1 : i32
    %add3A_61 = vector.broadcast %add3A_60 : i32 to vector<16xi32>
    %add3A_62 = arith.addi %add3A_59, %add3A_61 : vector<16xi32>
    %swap3A_63 = arith.index_cast %rem3A_10 : i32 to index
    %swap3A_64 = arith.constant 32 : index
    %swap3A_65 = tpu.vector_load %arg9[%swap3A_63, %swap3A_64] {strides = array<i32>} : memref<4x128xi32, #tpu.memory_space<vmem>>, vector<16xi32>,
    tpu.vector_store %arg9[%swap3A_63, %swap3A_64], %add3A_62 {strides = array<i32>} : memref<4x128xi32, #tpu.memory_space<vmem>>, vector<16xi32>,
    %add3A_66 = arith.constant 16 : i32
    %add3A_67 = vector.broadcast %add3A_66 : i32 to vector<16xi32>
    %add3A_68 = arith.addi %iota3A, %add3A_67 : vector<16xi32>
    %gather3A_69 = tpu.vector_load_idx %arg7[%add3A_68, %broadcast_in_dim3A_47] : memref<32x200xi32, #tpu.memory_space<vmem>>[vector<16xi32>, vector<16xi32>], vector<16xi32>,
    %swap3A_70 = arith.index_cast %rem3A_10 : i32 to index
    %swap3A_71 = arith.constant 48 : index
    %swap3A_72 = tpu.vector_load %arg8[%swap3A_70, %swap3A_71] {strides = array<i32>} : memref<4x128xi32, #tpu.memory_space<vmem>>, vector<16xi32>,
    tpu.vector_store %arg8[%swap3A_70, %swap3A_71], %gather3A_69 {strides = array<i32>} : memref<4x128xi32, #tpu.memory_space<vmem>>, vector<16xi32>,
    %mul3A_73 = arith.constant 200 : i32
    %mul3A_74 = vector.broadcast %mul3A_73 : i32 to vector<16xi32>
    %mul3A_75 = arith.muli %add3A_68, %mul3A_74 : vector<16xi32>
    %add3A_76 = vector.broadcast %mul3A_4 : i32 to vector<16xi32>
    %add3A_77 = arith.addi %add3A_76, %mul3A_75 : vector<16xi32>
    %add3A_78 = arith.constant 1 : i32
    %add3A_79 = vector.broadcast %add3A_78 : i32 to vector<16xi32>
    %add3A_80 = arith.addi %add3A_77, %add3A_79 : vector<16xi32>
    %swap3A_81 = arith.index_cast %rem3A_10 : i32 to index
    %swap3A_82 = arith.constant 48 : index
    %swap3A_83 = tpu.vector_load %arg9[%swap3A_81, %swap3A_82] {strides = array<i32>} : memref<4x128xi32, #tpu.memory_space<vmem>>, vector<16xi32>,
    tpu.vector_store %arg9[%swap3A_81, %swap3A_82], %add3A_80 {strides = array<i32>} : memref<4x128xi32, #tpu.memory_space<vmem>>, vector<16xi32>,
    %broadcast_in_dim3A_84 = arith.constant 2 : i32
    %broadcast_in_dim3A_85 = vector.broadcast %broadcast_in_dim3A_84 : i32 to vector<16xi32>
    %add3A_86 = arith.constant 0 : i32
    %add3A_87 = vector.broadcast %add3A_86 : i32 to vector<16xi32>
    %add3A_88 = arith.addi %iota3A, %add3A_87 : vector<16xi32>
    %gather3A_89 = tpu.vector_load_idx %arg7[%add3A_88, %broadcast_in_dim3A_85] : memref<32x200xi32, #tpu.memory_space<vmem>>[vector<16xi32>, vector<16xi32>], vector<16xi32>,
    %swap3A_90 = arith.index_cast %rem3A_10 : i32 to index
    %swap3A_91 = arith.constant 64 : index
    %swap3A_92 = tpu.vector_load %arg8[%swap3A_90, %swap3A_91] {strides = array<i32>} : memref<4x128xi32, #tpu.memory_space<vmem>>, vector<16xi32>,
    tpu.vector_store %arg8[%swap3A_90, %swap3A_91], %gather3A_89 {strides = array<i32>} : memref<4x128xi32, #tpu.memory_space<vmem>>, vector<16xi32>,
    %mul3A_93 = arith.constant 200 : i32
    %mul3A_94 = vector.broadcast %mul3A_93 : i32 to vector<16xi32>
    %mul3A_95 = arith.muli %add3A_88, %mul3A_94 : vector<16xi32>
    %add3A_96 = vector.broadcast %mul3A_4 : i32 to vector<16xi32>
    %add3A_97 = arith.addi %add3A_96, %mul3A_95 : vector<16xi32>
    %add3A_98 = arith.constant 2 : i32
    %add3A_99 = vector.broadcast %add3A_98 : i32 to vector<16xi32>
    %add3A_100 = arith.addi %add3A_97, %add3A_99 : vector<16xi32>
    %swap3A_101 = arith.index_cast %rem3A_10 : i32 to index
    %swap3A_102 = arith.constant 64 : index
    %swap3A_103 = tpu.vector_load %arg9[%swap3A_101, %swap3A_102] {strides = array<i32>} : memref<4x128xi32, #tpu.memory_space<vmem>>, vector<16xi32>,
    tpu.vector_store %arg9[%swap3A_101, %swap3A_102], %add3A_100 {strides = array<i32>} : memref<4x128xi32, #tpu.memory_space<vmem>>, vector<16xi32>,
    %add3A_104 = arith.constant 16 : i32
    %add3A_105 = vector.broadcast %add3A_104 : i32 to vector<16xi32>
    %add3A_106 = arith.addi %iota3A, %add3A_105 : vector<16xi32>
    %gather3A_107 = tpu.vector_load_idx %arg7[%add3A_106, %broadcast_in_dim3A_85] : memref<32x200xi32, #tpu.memory_space<vmem>>[vector<16xi32>, vector<16xi32>], vector<16xi32>,
    %swap3A_108 = arith.index_cast %rem3A_10 : i32 to index
    %swap3A_109 = arith.constant 80 : index
    %swap3A_110 = tpu.vector_load %arg8[%swap3A_108, %swap3A_109] {strides = array<i32>} : memref<4x128xi32, #tpu.memory_space<vmem>>, vector<16xi32>,
    tpu.vector_store %arg8[%swap3A_108, %swap3A_109], %gather3A_107 {strides = array<i32>} : memref<4x128xi32, #tpu.memory_space<vmem>>, vector<16xi32>,
    %mul3A_111 = arith.constant 200 : i32
    %mul3A_112 = vector.broadcast %mul3A_111 : i32 to vector<16xi32>
    %mul3A_113 = arith.muli %add3A_106, %mul3A_112 : vector<16xi32>
    %add3A_114 = vector.broadcast %mul3A_4 : i32 to vector<16xi32>
    %add3A_115 = arith.addi %add3A_114, %mul3A_113 : vector<16xi32>
    %add3A_116 = arith.constant 2 : i32
    %add3A_117 = vector.broadcast %add3A_116 : i32 to vector<16xi32>
    %add3A_118 = arith.addi %add3A_115, %add3A_117 : vector<16xi32>
    %swap3A_119 = arith.index_cast %rem3A_10 : i32 to index
    %swap3A_120 = arith.constant 80 : index
    %swap3A_121 = tpu.vector_load %arg9[%swap3A_119, %swap3A_120] {strides = array<i32>} : memref<4x128xi32, #tpu.memory_space<vmem>>, vector<16xi32>,
    tpu.vector_store %arg9[%swap3A_119, %swap3A_120], %add3A_118 {strides = array<i32>} : memref<4x128xi32, #tpu.memory_space<vmem>>, vector<16xi32>,
    %broadcast_in_dim3A_122 = arith.constant 3 : i32
    %broadcast_in_dim3A_123 = vector.broadcast %broadcast_in_dim3A_122 : i32 to vector<16xi32>
    %add3A_124 = arith.constant 0 : i32
    %add3A_125 = vector.broadcast %add3A_124 : i32 to vector<16xi32>
    %add3A_126 = arith.addi %iota3A, %add3A_125 : vector<16xi32>
    %gather3A_127 = tpu.vector_load_idx %arg7[%add3A_126, %broadcast_in_dim3A_123] : memref<32x200xi32, #tpu.memory_space<vmem>>[vector<16xi32>, vector<16xi32>], vector<16xi32>,
    %swap3A_128 = arith.index_cast %rem3A_10 : i32 to index
    %swap3A_129 = arith.constant 96 : index
    %swap3A_130 = tpu.vector_load %arg8[%swap3A_128, %swap3A_129] {strides = array<i32>} : memref<4x128xi32, #tpu.memory_space<vmem>>, vector<16xi32>,
    tpu.vector_store %arg8[%swap3A_128, %swap3A_129], %gather3A_127 {strides = array<i32>} : memref<4x128xi32, #tpu.memory_space<vmem>>, vector<16xi32>,
    %mul3A_131 = arith.constant 200 : i32
    %mul3A_132 = vector.broadcast %mul3A_131 : i32 to vector<16xi32>
    %mul3A_133 = arith.muli %add3A_126, %mul3A_132 : vector<16xi32>
    %add3A_134 = vector.broadcast %mul3A_4 : i32 to vector<16xi32>
    %add3A_135 = arith.addi %add3A_134, %mul3A_133 : vector<16xi32>
    %add3A_136 = arith.constant 3 : i32
    %add3A_137 = vector.broadcast %add3A_136 : i32 to vector<16xi32>
    %add3A_138 = arith.addi %add3A_135, %add3A_137 : vector<16xi32>
    %swap3A_139 = arith.index_cast %rem3A_10 : i32 to index
    %swap3A_140 = arith.constant 96 : index
    %swap3A_141 = tpu.vector_load %arg9[%swap3A_139, %swap3A_140] {strides = array<i32>} : memref<4x128xi32, #tpu.memory_space<vmem>>, vector<16xi32>,
    tpu.vector_store %arg9[%swap3A_139, %swap3A_140], %add3A_138 {strides = array<i32>} : memref<4x128xi32, #tpu.memory_space<vmem>>, vector<16xi32>,
    %add3A_142 = arith.constant 16 : i32
    %add3A_143 = vector.broadcast %add3A_142 : i32 to vector<16xi32>
    %add3A_144 = arith.addi %iota3A, %add3A_143 : vector<16xi32>
    %gather3A_145 = tpu.vector_load_idx %arg7[%add3A_144, %broadcast_in_dim3A_123] : memref<32x200xi32, #tpu.memory_space<vmem>>[vector<16xi32>, vector<16xi32>], vector<16xi32>,
    %swap3A_146 = arith.index_cast %rem3A_10 : i32 to index
    %swap3A_147 = arith.constant 112 : index
    %swap3A_148 = tpu.vector_load %arg8[%swap3A_146, %swap3A_147] {strides = array<i32>} : memref<4x128xi32, #tpu.memory_space<vmem>>, vector<16xi32>,
    tpu.vector_store %arg8[%swap3A_146, %swap3A_147], %gather3A_145 {strides = array<i32>} : memref<4x128xi32, #tpu.memory_space<vmem>>, vector<16xi32>,
    %mul3A_149 = arith.constant 200 : i32
    %mul3A_150 = vector.broadcast %mul3A_149 : i32 to vector<16xi32>
    %mul3A_151 = arith.muli %add3A_144, %mul3A_150 : vector<16xi32>
    %add3A_152 = vector.broadcast %mul3A_4 : i32 to vector<16xi32>
    %add3A_153 = arith.addi %add3A_152, %mul3A_151 : vector<16xi32>
    %add3A_154 = arith.constant 3 : i32
    %add3A_155 = vector.broadcast %add3A_154 : i32 to vector<16xi32>
    %add3A_156 = arith.addi %add3A_153, %add3A_155 : vector<16xi32>
    %swap3A_157 = arith.index_cast %rem3A_10 : i32 to index
    %swap3A_158 = arith.constant 112 : index
    %swap3A_159 = tpu.vector_load %arg9[%swap3A_157, %swap3A_158] {strides = array<i32>} : memref<4x128xi32, #tpu.memory_space<vmem>>, vector<16xi32>,
    tpu.vector_store %arg9[%swap3A_157, %swap3A_158], %add3A_156 {strides = array<i32>} : memref<4x128xi32, #tpu.memory_space<vmem>>, vector<16xi32>,
    %rem3A_160 = arith.constant 0 : i32
    %rem3A_161 = arith.constant 4 : i32
    %rem3A_162 = arith.remsi %rem3A_160, %rem3A_161 : i32
    %dma_start3A = arith.constant 0 : i32
    %dma_start3A_163 = tpu.memref_slice %arg8[%rem3A_162, %dma_start3A] : memref<4x128xi32, #tpu.memory_space<vmem>> -> memref<1x128xi32, #tpu.memory_space<vmem>>
    %dma_start3A_164 = tpu.memref_squeeze %dma_start3A_163 : memref<1x128xi32, #tpu.memory_space<vmem>> -> memref<128xi32, #tpu.memory_space<vmem>>
    %dma_start3A_165 = arith.constant 0 : i32
    %dma_start3A_166 = arith.constant 0 : i32
    %dma_start3A_167 = tpu.memref_slice %arg5[%dma_start3A_165, %dma_start3A_166] : memref<1000000x64xf32, #tpu.memory_space<hbm>> -> memref<1000000x64xf32, #tpu.memory_space<hbm>>
    tpu.enqueue_indirect_dma source(%dma_start3A_167 : memref<1000000x64xf32, #tpu.memory_space<hbm>>) target(%arg12 : memref<128x64xf32, #tpu.memory_space<vmem>>) offsets(%dma_start3A_164 : memref<128xi32, #tpu.memory_space<vmem>>) semaphore(%arg16 : memref<!tpu.dma_semaphore, #tpu.memory_space<semaphore_mem>>)
    %rem3A_168 = arith.constant 1 : i32
    %rem3A_169 = arith.constant 4 : i32
    %rem3A_170 = arith.remsi %rem3A_168, %rem3A_169 : i32
    %broadcast_in_dim3A_171 = arith.constant 4 : i32
    %broadcast_in_dim3A_172 = vector.broadcast %broadcast_in_dim3A_171 : i32 to vector<16xi32>
    %add3A_173 = arith.constant 0 : i32
    %add3A_174 = vector.broadcast %add3A_173 : i32 to vector<16xi32>
    %add3A_175 = arith.addi %iota3A, %add3A_174 : vector<16xi32>
    %gather3A_176 = tpu.vector_load_idx %arg7[%add3A_175, %broadcast_in_dim3A_172] : memref<32x200xi32, #tpu.memory_space<vmem>>[vector<16xi32>, vector<16xi32>], vector<16xi32>,
    %swap3A_177 = arith.index_cast %rem3A_170 : i32 to index
    %swap3A_178 = arith.constant 0 : index
    %swap3A_179 = tpu.vector_load %arg8[%swap3A_177, %swap3A_178] {strides = array<i32>} : memref<4x128xi32, #tpu.memory_space<vmem>>, vector<16xi32>,
    tpu.vector_store %arg8[%swap3A_177, %swap3A_178], %gather3A_176 {strides = array<i32>} : memref<4x128xi32, #tpu.memory_space<vmem>>, vector<16xi32>,
    %mul3A_180 = arith.constant 200 : i32
    %mul3A_181 = vector.broadcast %mul3A_180 : i32 to vector<16xi32>
    %mul3A_182 = arith.muli %add3A_175, %mul3A_181 : vector<16xi32>
    %add3A_183 = vector.broadcast %mul3A_4 : i32 to vector<16xi32>
    %add3A_184 = arith.addi %add3A_183, %mul3A_182 : vector<16xi32>
    %add3A_185 = arith.constant 4 : i32
    %add3A_186 = vector.broadcast %add3A_185 : i32 to vector<16xi32>
    %add3A_187 = arith.addi %add3A_184, %add3A_186 : vector<16xi32>
    %swap3A_188 = arith.index_cast %rem3A_170 : i32 to index
    %swap3A_189 = arith.constant 0 : index
    %swap3A_190 = tpu.vector_load %arg9[%swap3A_188, %swap3A_189] {strides = array<i32>} : memref<4x128xi32, #tpu.memory_space<vmem>>, vector<16xi32>,
    tpu.vector_store %arg9[%swap3A_188, %swap3A_189], %add3A_187 {strides = array<i32>} : memref<4x128xi32, #tpu.memory_space<vmem>>, vector<16xi32>,
    %add3A_191 = arith.constant 16 : i32
    %add3A_192 = vector.broadcast %add3A_191 : i32 to vector<16xi32>
    %add3A_193 = arith.addi %iota3A, %add3A_192 : vector<16xi32>
    %gather3A_194 = tpu.vector_load_idx %arg7[%add3A_193, %broadcast_in_dim3A_172] : memref<32x200xi32, #tpu.memory_space<vmem>>[vector<16xi32>, vector<16xi32>], vector<16xi32>,
    %swap3A_195 = arith.index_cast %rem3A_170 : i32 to index
    %swap3A_196 = arith.constant 16 : index
    %swap3A_197 = tpu.vector_load %arg8[%swap3A_195, %swap3A_196] {strides = array<i32>} : memref<4x128xi32, #tpu.memory_space<vmem>>, vector<16xi32>,
    tpu.vector_store %arg8[%swap3A_195, %swap3A_196], %gather3A_194 {strides = array<i32>} : memref<4x128xi32, #tpu.memory_space<vmem>>, vector<16xi32>,
    %mul3A_198 = arith.constant 200 : i32
    %mul3A_199 = vector.broadcast %mul3A_198 : i32 to vector<16xi32>
    %mul3A_200 = arith.muli %add3A_193, %mul3A_199 : vector<16xi32>
    %add3A_201 = vector.broadcast %mul3A_4 : i32 to vector<16xi32>
    %add3A_202 = arith.addi %add3A_201, %mul3A_200 : vector<16xi32>
    %add3A_203 = arith.constant 4 : i32
    %add3A_204 = vector.broadcast %add3A_203 : i32 to vector<16xi32>
    %add3A_205 = arith.addi %add3A_202, %add3A_204 : vector<16xi32>
    %swap3A_206 = arith.index_cast %rem3A_170 : i32 to index
    %swap3A_207 = arith.constant 16 : index
    %swap3A_208 = tpu.vector_load %arg9[%swap3A_206, %swap3A_207] {strides = array<i32>} : memref<4x128xi32, #tpu.memory_space<vmem>>, vector<16xi32>,
    tpu.vector_store %arg9[%swap3A_206, %swap3A_207], %add3A_205 {strides = array<i32>} : memref<4x128xi32, #tpu.memory_space<vmem>>, vector<16xi32>,
    %broadcast_in_dim3A_209 = arith.constant 5 : i32
    %broadcast_in_dim3A_210 = vector.broadcast %broadcast_in_dim3A_209 : i32 to vector<16xi32>
    %add3A_211 = arith.constant 0 : i32
    %add3A_212 = vector.broadcast %add3A_211 : i32 to vector<16xi32>
    %add3A_213 = arith.addi %iota3A, %add3A_212 : vector<16xi32>
    %gather3A_214 = tpu.vector_load_idx %arg7[%add3A_213, %broadcast_in_dim3A_210] : memref<32x200xi32, #tpu.memory_space<vmem>>[vector<16xi32>, vector<16xi32>], vector<16xi32>,
    %swap3A_215 = arith.index_cast %rem3A_170 : i32 to index
    %swap3A_216 = arith.constant 32 : index
    %swap3A_217 = tpu.vector_load %arg8[%swap3A_215, %swap3A_216] {strides = array<i32>} : memref<4x128xi32, #tpu.memory_space<vmem>>, vector<16xi32>,
    tpu.vector_store %arg8[%swap3A_215, %swap3A_216], %gather3A_214 {strides = array<i32>} : memref<4x128xi32, #tpu.memory_space<vmem>>, vector<16xi32>,
    %mul3A_218 = arith.constant 200 : i32
    %mul3A_219 = vector.broadcast %mul3A_218 : i32 to vector<16xi32>
    %mul3A_220 = arith.muli %add3A_213, %mul3A_219 : vector<16xi32>
    %add3A_221 = vector.broadcast %mul3A_4 : i32 to vector<16xi32>
    %add3A_222 = arith.addi %add3A_221, %mul3A_220 : vector<16xi32>
    %add3A_223 = arith.constant 5 : i32
    %add3A_224 = vector.broadcast %add3A_223 : i32 to vector<16xi32>
    %add3A_225 = arith.addi %add3A_222, %add3A_224 : vector<16xi32>
    %swap3A_226 = arith.index_cast %rem3A_170 : i32 to index
    %swap3A_227 = arith.constant 32 : index
    %swap3A_228 = tpu.vector_load %arg9[%swap3A_226, %swap3A_227] {strides = array<i32>} : memref<4x128xi32, #tpu.memory_space<vmem>>, vector<16xi32>,
    tpu.vector_store %arg9[%swap3A_226, %swap3A_227], %add3A_225 {strides = array<i32>} : memref<4x128xi32, #tpu.memory_space<vmem>>, vector<16xi32>,
    %add3A_229 = arith.constant 16 : i32
    %add3A_230 = vector.broadcast %add3A_229 : i32 to vector<16xi32>
    %add3A_231 = arith.addi %iota3A, %add3A_230 : vector<16xi32>
    %gather3A_232 = tpu.vector_load_idx %arg7[%add3A_231, %broadcast_in_dim3A_210] : memref<32x200xi32, #tpu.memory_space<vmem>>[vector<16xi32>, vector<16xi32>], vector<16xi32>,
    %swap3A_233 = arith.index_cast %rem3A_170 : i32 to index
    %swap3A_234 = arith.constant 48 : index
    %swap3A_235 = tpu.vector_load %arg8[%swap3A_233, %swap3A_234] {strides = array<i32>} : memref<4x128xi32, #tpu.memory_space<vmem>>, vector<16xi32>,
    tpu.vector_store %arg8[%swap3A_233, %swap3A_234], %gather3A_232 {strides = array<i32>} : memref<4x128xi32, #tpu.memory_space<vmem>>, vector<16xi32>,
    %mul3A_236 = arith.constant 200 : i32
    %mul3A_237 = vector.broadcast %mul3A_236 : i32 to vector<16xi32>
    %mul3A_238 = arith.muli %add3A_231, %mul3A_237 : vector<16xi32>
    %add3A_239 = vector.broadcast %mul3A_4 : i32 to vector<16xi32>
    %add3A_240 = arith.addi %add3A_239, %mul3A_238 : vector<16xi32>
    %add3A_241 = arith.constant 5 : i32
    %add3A_242 = vector.broadcast %add3A_241 : i32 to vector<16xi32>
    %add3A_243 = arith.addi %add3A_240, %add3A_242 : vector<16xi32>
    %swap3A_244 = arith.index_cast %rem3A_170 : i32 to index
    %swap3A_245 = arith.constant 48 : index
    %swap3A_246 = tpu.vector_load %arg9[%swap3A_244, %swap3A_245] {strides = array<i32>} : memref<4x128xi32, #tpu.memory_space<vmem>>, vector<16xi32>,
    tpu.vector_store %arg9[%swap3A_244, %swap3A_245], %add3A_243 {strides = array<i32>} : memref<4x128xi32, #tpu.memory_space<vmem>>, vector<16xi32>,
    %broadcast_in_dim3A_247 = arith.constant 6 : i32
    %broadcast_in_dim3A_248 = vector.broadcast %broadcast_in_dim3A_247 : i32 to vector<16xi32>
    %add3A_249 = arith.constant 0 : i32
    %add3A_250 = vector.broadcast %add3A_249 : i32 to vector<16xi32>
    %add3A_251 = arith.addi %iota3A, %add3A_250 : vector<16xi32>
    %gather3A_252 = tpu.vector_load_idx %arg7[%add3A_251, %broadcast_in_dim3A_248] : memref<32x200xi32, #tpu.memory_space<vmem>>[vector<16xi32>, vector<16xi32>], vector<16xi32>,
    %swap3A_253 = arith.index_cast %rem3A_170 : i32 to index
    %swap3A_254 = arith.constant 64 : index
    %swap3A_255 = tpu.vector_load %arg8[%swap3A_253, %swap3A_254] {strides = array<i32>} : memref<4x128xi32, #tpu.memory_space<vmem>>, vector<16xi32>,
    tpu.vector_store %arg8[%swap3A_253, %swap3A_254], %gather3A_252 {strides = array<i32>} : memref<4x128xi32, #tpu.memory_space<vmem>>, vector<16xi32>,
    %mul3A_256 = arith.constant 200 : i32
    %mul3A_257 = vector.broadcast %mul3A_256 : i32 to vector<16xi32>
    %mul3A_258 = arith.muli %add3A_251, %mul3A_257 : vector<16xi32>
    %add3A_259 = vector.broadcast %mul3A_4 : i32 to vector<16xi32>
    %add3A_260 = arith.addi %add3A_259, %mul3A_258 : vector<16xi32>
    %add3A_261 = arith.constant 6 : i32
    %add3A_262 = vector.broadcast %add3A_261 : i32 to vector<16xi32>
    %add3A_263 = arith.addi %add3A_260, %add3A_262 : vector<16xi32>
    %swap3A_264 = arith.index_cast %rem3A_170 : i32 to index
    %swap3A_265 = arith.constant 64 : index
    %swap3A_266 = tpu.vector_load %arg9[%swap3A_264, %swap3A_265] {strides = array<i32>} : memref<4x128xi32, #tpu.memory_space<vmem>>, vector<16xi32>,
    tpu.vector_store %arg9[%swap3A_264, %swap3A_265], %add3A_263 {strides = array<i32>} : memref<4x128xi32, #tpu.memory_space<vmem>>, vector<16xi32>,
    %add3A_267 = arith.constant 16 : i32
    %add3A_268 = vector.broadcast %add3A_267 : i32 to vector<16xi32>
    %add3A_269 = arith.addi %iota3A, %add3A_268 : vector<16xi32>
    %gather3A_270 = tpu.vector_load_idx %arg7[%add3A_269, %broadcast_in_dim3A_248] : memref<32x200xi32, #tpu.memory_space<vmem>>[vector<16xi32>, vector<16xi32>], vector<16xi32>,
    %swap3A_271 = arith.index_cast %rem3A_170 : i32 to index
    %swap3A_272 = arith.constant 80 : index
    %swap3A_273 = tpu.vector_load %arg8[%swap3A_271, %swap3A_272] {strides = array<i32>} : memref<4x128xi32, #tpu.memory_space<vmem>>, vector<16xi32>,
    tpu.vector_store %arg8[%swap3A_271, %swap3A_272], %gather3A_270 {strides = array<i32>} : memref<4x128xi32, #tpu.memory_space<vmem>>, vector<16xi32>,
    %mul3A_274 = arith.constant 200 : i32
    %mul3A_275 = vector.broadcast %mul3A_274 : i32 to vector<16xi32>
    %mul3A_276 = arith.muli %add3A_269, %mul3A_275 : vector<16xi32>
    %add3A_277 = vector.broadcast %mul3A_4 : i32 to vector<16xi32>
    %add3A_278 = arith.addi %add3A_277, %mul3A_276 : vector<16xi32>
    %add3A_279 = arith.constant 6 : i32
    %add3A_280 = vector.broadcast %add3A_279 : i32 to vector<16xi32>
    %add3A_281 = arith.addi %add3A_278, %add3A_280 : vector<16xi32>
    %swap3A_282 = arith.index_cast %rem3A_170 : i32 to index
    %swap3A_283 = arith.constant 80 : index
    %swap3A_284 = tpu.vector_load %arg9[%swap3A_282, %swap3A_283] {strides = array<i32>} : memref<4x128xi32, #tpu.memory_space<vmem>>, vector<16xi32>,
    tpu.vector_store %arg9[%swap3A_282, %swap3A_283], %add3A_281 {strides = array<i32>} : memref<4x128xi32, #tpu.memory_space<vmem>>, vector<16xi32>,
    %broadcast_in_dim3A_285 = arith.constant 7 : i32
    %broadcast_in_dim3A_286 = vector.broadcast %broadcast_in_dim3A_285 : i32 to vector<16xi32>
    %add3A_287 = arith.constant 0 : i32
    %add3A_288 = vector.broadcast %add3A_287 : i32 to vector<16xi32>
    %add3A_289 = arith.addi %iota3A, %add3A_288 : vector<16xi32>
    %gather3A_290 = tpu.vector_load_idx %arg7[%add3A_289, %broadcast_in_dim3A_286] : memref<32x200xi32, #tpu.memory_space<vmem>>[vector<16xi32>, vector<16xi32>], vector<16xi32>,
    %swap3A_291 = arith.index_cast %rem3A_170 : i32 to index
    %swap3A_292 = arith.constant 96 : index
    %swap3A_293 = tpu.vector_load %arg8[%swap3A_291, %swap3A_292] {strides = array<i32>} : memref<4x128xi32, #tpu.memory_space<vmem>>, vector<16xi32>,
    tpu.vector_store %arg8[%swap3A_291, %swap3A_292], %gather3A_290 {strides = array<i32>} : memref<4x128xi32, #tpu.memory_space<vmem>>, vector<16xi32>,
    %mul3A_294 = arith.constant 200 : i32
    %mul3A_295 = vector.broadcast %mul3A_294 : i32 to vector<16xi32>
    %mul3A_296 = arith.muli %add3A_289, %mul3A_295 : vector<16xi32>
    %add3A_297 = vector.broadcast %mul3A_4 : i32 to vector<16xi32>
    %add3A_298 = arith.addi %add3A_297, %mul3A_296 : vector<16xi32>
    %add3A_299 = arith.constant 7 : i32
    %add3A_300 = vector.broadcast %add3A_299 : i32 to vector<16xi32>
    %add3A_301 = arith.addi %add3A_298, %add3A_300 : vector<16xi32>
    %swap3A_302 = arith.index_cast %rem3A_170 : i32 to index
    %swap3A_303 = arith.constant 96 : index
    %swap3A_304 = tpu.vector_load %arg9[%swap3A_302, %swap3A_303] {strides = array<i32>} : memref<4x128xi32, #tpu.memory_space<vmem>>, vector<16xi32>,
    tpu.vector_store %arg9[%swap3A_302, %swap3A_303], %add3A_301 {strides = array<i32>} : memref<4x128xi32, #tpu.memory_space<vmem>>, vector<16xi32>,
    %add3A_305 = arith.constant 16 : i32
    %add3A_306 = vector.broadcast %add3A_305 : i32 to vector<16xi32>
    %add3A_307 = arith.addi %iota3A, %add3A_306 : vector<16xi32>
    %gather3A_308 = tpu.vector_load_idx %arg7[%add3A_307, %broadcast_in_dim3A_286] : memref<32x200xi32, #tpu.memory_space<vmem>>[vector<16xi32>, vector<16xi32>], vector<16xi32>,
    %swap3A_309 = arith.index_cast %rem3A_170 : i32 to index
    %swap3A_310 = arith.constant 112 : index
    %swap3A_311 = tpu.vector_load %arg8[%swap3A_309, %swap3A_310] {strides = array<i32>} : memref<4x128xi32, #tpu.memory_space<vmem>>, vector<16xi32>,
    tpu.vector_store %arg8[%swap3A_309, %swap3A_310], %gather3A_308 {strides = array<i32>} : memref<4x128xi32, #tpu.memory_space<vmem>>, vector<16xi32>,
    %mul3A_312 = arith.constant 200 : i32
    %mul3A_313 = vector.broadcast %mul3A_312 : i32 to vector<16xi32>
    %mul3A_314 = arith.muli %add3A_307, %mul3A_313 : vector<16xi32>
    %add3A_315 = vector.broadcast %mul3A_4 : i32 to vector<16xi32>
    %add3A_316 = arith.addi %add3A_315, %mul3A_314 : vector<16xi32>
    %add3A_317 = arith.constant 7 : i32
    %add3A_318 = vector.broadcast %add3A_317 : i32 to vector<16xi32>
    %add3A_319 = arith.addi %add3A_316, %add3A_318 : vector<16xi32>
    %swap3A_320 = arith.index_cast %rem3A_170 : i32 to index
    %swap3A_321 = arith.constant 112 : index
    %swap3A_322 = tpu.vector_load %arg9[%swap3A_320, %swap3A_321] {strides = array<i32>} : memref<4x128xi32, #tpu.memory_space<vmem>>, vector<16xi32>,
    tpu.vector_store %arg9[%swap3A_320, %swap3A_321], %add3A_319 {strides = array<i32>} : memref<4x128xi32, #tpu.memory_space<vmem>>, vector<16xi32>,
    %rem3A_323 = arith.constant 1 : i32
    %rem3A_324 = arith.constant 4 : i32
    %rem3A_325 = arith.remsi %rem3A_323, %rem3A_324 : i32
    %dma_start3A_326 = arith.constant 0 : i32
    %dma_start3A_327 = tpu.memref_slice %arg8[%rem3A_325, %dma_start3A_326] : memref<4x128xi32, #tpu.memory_space<vmem>> -> memref<1x128xi32, #tpu.memory_space<vmem>>
    %dma_start3A_328 = tpu.memref_squeeze %dma_start3A_327 : memref<1x128xi32, #tpu.memory_space<vmem>> -> memref<128xi32, #tpu.memory_space<vmem>>
    %dma_start3A_329 = arith.constant 0 : i32
    %dma_start3A_330 = arith.constant 0 : i32
    %dma_start3A_331 = tpu.memref_slice %arg5[%dma_start3A_329, %dma_start3A_330] : memref<1000000x64xf32, #tpu.memory_space<hbm>> -> memref<1000000x64xf32, #tpu.memory_space<hbm>>
    tpu.enqueue_indirect_dma source(%dma_start3A_331 : memref<1000000x64xf32, #tpu.memory_space<hbm>>) target(%arg13 : memref<128x64xf32, #tpu.memory_space<vmem>>) offsets(%dma_start3A_328 : memref<128xi32, #tpu.memory_space<vmem>>) semaphore(%arg17 : memref<!tpu.dma_semaphore, #tpu.memory_space<semaphore_mem>>)
    %scan3A = arith.constant 0 : i32
    %scan3A_332 = arith.constant 0 : i32
    %scan3A_333 = arith.constant 25 : i32
    %scan3A_334 = arith.addi %scan3A_332, %scan3A_333 : i32
    %scan3A_335 = arith.constant 1 : i32
    scf.for %scan3A_354 = %scan3A_332 to %scan3A_334 step %scan3A_335  : i32 {
      %mul3A_355 = arith.constant 2 : i32
      %mul3A_356 = arith.muli %scan3A_354, %mul3A_355 : i32
      %add3A_357 = arith.constant 0 : i32
      %add3A_358 = arith.addi %mul3A_356, %add3A_357 : i32
      %rem3A_359 = arith.constant 4 : i32
      %rem3A_360 = arith.remsi %add3A_358, %rem3A_359 : i32
      %dma_wait3A_361 = arith.constant 0 : i32
      %dma_wait3A_362 = tpu.memref_slice %arg8[%rem3A_360, %dma_wait3A_361] : memref<4x128xi32, #tpu.memory_space<vmem>> -> memref<1x128xi32, #tpu.memory_space<vmem>>
      %dma_wait3A_363 = tpu.memref_squeeze %dma_wait3A_362 : memref<1x128xi32, #tpu.memory_space<vmem>> -> memref<128xi32, #tpu.memory_space<vmem>>
      %dma_wait3A_364 = arith.constant 0 : i32
      %dma_wait3A_365 = arith.constant 0 : i32
      %dma_wait3A_366 = tpu.memref_slice %arg5[%dma_wait3A_364, %dma_wait3A_365] : memref<1000000x64xf32, #tpu.memory_space<hbm>> -> memref<1000000x64xf32, #tpu.memory_space<hbm>>
      tpu.wait_indirect_dma semaphore(%arg16 : memref<!tpu.dma_semaphore, #tpu.memory_space<semaphore_mem>>) src(%dma_wait3A_366 : memref<1000000x64xf32, #tpu.memory_space<hbm>>) dst(%arg12 : memref<128x64xf32, #tpu.memory_space<vmem>>)
      %ge3A = arith.constant 1 : i32
      %ge3A_367 = arith.cmpi sge, %scan3A_354, %ge3A : i32
      %convert_element_type3A = arith.extui %ge3A_367 : i1 to i32
      %cond3A = arith.constant 0 : i32
      %cond3A_368 = arith.cmpi ne, %convert_element_type3A, %cond3A : i32
      scf.if %cond3A_368 {
        %sub3A = arith.constant 2 : i32
        %sub3A_686 = arith.subi %add3A_358, %sub3A : i32
        %rem3A_687 = arith.constant 4 : i32
        %rem3A_688 = arith.remsi %sub3A_686, %rem3A_687 : i32
        %dma_wait3A_689 = arith.constant 0 : i32
        %dma_wait3A_690 = tpu.memref_slice %arg9[%rem3A_688, %dma_wait3A_689] : memref<4x128xi32, #tpu.memory_space<vmem>> -> memref<1x128xi32, #tpu.memory_space<vmem>>
        %dma_wait3A_691 = tpu.memref_squeeze %dma_wait3A_690 : memref<1x128xi32, #tpu.memory_space<vmem>> -> memref<128xi32, #tpu.memory_space<vmem>>
        %dma_wait3A_692 = arith.constant 0 : i32
        %dma_wait3A_693 = arith.constant 0 : i32
        %dma_wait3A_694 = tpu.memref_slice %arg6[%dma_wait3A_692, %dma_wait3A_693] : memref<204800x64xf32, #tpu.memory_space<hbm>> -> memref<204800x64xf32, #tpu.memory_space<hbm>>
        tpu.wait_indirect_dma semaphore(%arg18 : memref<!tpu.dma_semaphore, #tpu.memory_space<semaphore_mem>>) src(%arg14 : memref<128x64xf32, #tpu.memory_space<vmem>>) dst(%dma_wait3A_694 : memref<204800x64xf32, #tpu.memory_space<hbm>>)
      } else {
      }
      %mul3A_369 = arith.constant 4 : i32
      %mul3A_370 = arith.muli %add3A_358, %mul3A_369 : i32
      %add3A_371 = arith.constant 0 : i32
      %add3A_372 = arith.addi %mul3A_370, %add3A_371 : i32
      %get3A = arith.index_cast %add3A_372 : i32 to index
      %get3A_373 = arith.constant 0 : index
      %get3A_374 = tpu.vector_load %arg10[%get3A, %get3A_373] {strides = array<i32>} : memref<200x64xf32, #tpu.memory_space<vmem>>, vector<16xf32>,
      %get3A_375 = arith.index_cast %add3A_372 : i32 to index
      %get3A_376 = arith.constant 16 : index
      %get3A_377 = tpu.vector_load %arg10[%get3A_375, %get3A_376] {strides = array<i32>} : memref<200x64xf32, #tpu.memory_space<vmem>>, vector<16xf32>,
      %get3A_378 = arith.index_cast %add3A_372 : i32 to index
      %get3A_379 = arith.constant 32 : index
      %get3A_380 = tpu.vector_load %arg10[%get3A_378, %get3A_379] {strides = array<i32>} : memref<200x64xf32, #tpu.memory_space<vmem>>, vector<16xf32>,
      %get3A_381 = arith.index_cast %add3A_372 : i32 to index
      %get3A_382 = arith.constant 48 : index
      %get3A_383 = tpu.vector_load %arg10[%get3A_381, %get3A_382] {strides = array<i32>} : memref<200x64xf32, #tpu.memory_space<vmem>>, vector<16xf32>,
      %get3A_384 = arith.index_cast %add3A_372 : i32 to index
      %get3A_385 = arith.constant 0 : index
      %get3A_386 = tpu.vector_load %arg11[%get3A_384, %get3A_385] {strides = array<i32>} : memref<200x64xf32, #tpu.memory_space<vmem>>, vector<16xf32>,
      %get3A_387 = arith.index_cast %add3A_372 : i32 to index
      %get3A_388 = arith.constant 16 : index
      %get3A_389 = tpu.vector_load %arg11[%get3A_387, %get3A_388] {strides = array<i32>} : memref<200x64xf32, #tpu.memory_space<vmem>>, vector<16xf32>,
      %get3A_390 = arith.index_cast %add3A_372 : i32 to index
      %get3A_391 = arith.constant 32 : index
      %get3A_392 = tpu.vector_load %arg11[%get3A_390, %get3A_391] {strides = array<i32>} : memref<200x64xf32, #tpu.memory_space<vmem>>, vector<16xf32>,
      %get3A_393 = arith.index_cast %add3A_372 : i32 to index
      %get3A_394 = arith.constant 48 : index
      %get3A_395 = tpu.vector_load %arg11[%get3A_393, %get3A_394] {strides = array<i32>} : memref<200x64xf32, #tpu.memory_space<vmem>>, vector<16xf32>,
      %scan3A_396 = arith.constant 0 : i32
      %scan3A_397 = arith.constant 0 : i32
      %scan3A_398 = arith.constant 32 : i32
      %scan3A_399 = arith.addi %scan3A_397, %scan3A_398 : i32
      %scan3A_400 = arith.constant 2 : i32
      scf.for %scan3A_686 = %scan3A_397 to %scan3A_399 step %scan3A_400  : i32 {
        %add3A_687 = arith.constant 0 : i32
        %add3A_688 = arith.addi %add3A_687, %scan3A_686 : i32
        %get3A_689 = arith.index_cast %add3A_688 : i32 to index
        %get3A_690 = arith.constant 0 : index
        %get3A_691 = tpu.vector_load %arg12[%get3A_689, %get3A_690] {strides = array<i32>} : memref<128x64xf32, #tpu.memory_space<vmem>>, vector<16xf32>,
        %reshape3A = vector.shape_cast %xor3A_8 : vector<16xi32> to vector<16x1xi32>
        %gather3A_692 = vector.shape_cast %reshape3A : vector<16x1xi32> to vector<16xi32>
        %gather3A_693 = tpu.dynamic_gather %get3A_691[%gather3A_692] in [0] : vector<16xf32>, vector<16xi32> -> vector<16xf32>
        %mul3A_694 = arith.mulf %get3A_691, %get3A_374 : vector<16xf32>
        %mul3A_695 = arith.mulf %gather3A_693, %get3A_386 : vector<16xf32>
        %add3A_696 = arith.addf %mul3A_694, %mul3A_695 : vector<16xf32>
        %swap3A_697 = arith.index_cast %add3A_688 : i32 to index
        %swap3A_698 = arith.constant 0 : index
        %swap3A_699 = tpu.vector_load %arg14[%swap3A_697, %swap3A_698] {strides = array<i32>} : memref<128x64xf32, #tpu.memory_space<vmem>>, vector<16xf32>,
        tpu.vector_store %arg14[%swap3A_697, %swap3A_698], %add3A_696 {strides = array<i32>} : memref<128x64xf32, #tpu.memory_space<vmem>>, vector<16xf32>,
        %get3A_700 = arith.index_cast %add3A_688 : i32 to index
        %get3A_701 = arith.constant 16 : index
        %get3A_702 = tpu.vector_load %arg12[%get3A_700, %get3A_701] {strides = array<i32>} : memref<128x64xf32, #tpu.memory_space<vmem>>, vector<16xf32>,
        %reshape3A_703 = vector.shape_cast %xor3A_8 : vector<16xi32> to vector<16x1xi32>
        %gather3A_704 = vector.shape_cast %reshape3A_703 : vector<16x1xi32> to vector<16xi32>
        %gather3A_705 = tpu.dynamic_gather %get3A_702[%gather3A_704] in [0] : vector<16xf32>, vector<16xi32> -> vector<16xf32>
        %mul3A_706 = arith.mulf %get3A_702, %get3A_377 : vector<16xf32>
        %mul3A_707 = arith.mulf %gather3A_705, %get3A_389 : vector<16xf32>
        %add3A_708 = arith.addf %mul3A_706, %mul3A_707 : vector<16xf32>
        %swap3A_709 = arith.index_cast %add3A_688 : i32 to index
        %swap3A_710 = arith.constant 16 : index
        %swap3A_711 = tpu.vector_load %arg14[%swap3A_709, %swap3A_710] {strides = array<i32>} : memref<128x64xf32, #tpu.memory_space<vmem>>, vector<16xf32>,
        tpu.vector_store %arg14[%swap3A_709, %swap3A_710], %add3A_708 {strides = array<i32>} : memref<128x64xf32, #tpu.memory_space<vmem>>, vector<16xf32>,
        %get3A_712 = arith.index_cast %add3A_688 : i32 to index
        %get3A_713 = arith.constant 32 : index
        %get3A_714 = tpu.vector_load %arg12[%get3A_712, %get3A_713] {strides = array<i32>} : memref<128x64xf32, #tpu.memory_space<vmem>>, vector<16xf32>,
        %reshape3A_715 = vector.shape_cast %xor3A_8 : vector<16xi32> to vector<16x1xi32>
        %gather3A_716 = vector.shape_cast %reshape3A_715 : vector<16x1xi32> to vector<16xi32>
        %gather3A_717 = tpu.dynamic_gather %get3A_714[%gather3A_716] in [0] : vector<16xf32>, vector<16xi32> -> vector<16xf32>
        %mul3A_718 = arith.mulf %get3A_714, %get3A_380 : vector<16xf32>
        %mul3A_719 = arith.mulf %gather3A_717, %get3A_392 : vector<16xf32>
        %add3A_720 = arith.addf %mul3A_718, %mul3A_719 : vector<16xf32>
        %swap3A_721 = arith.index_cast %add3A_688 : i32 to index
        %swap3A_722 = arith.constant 32 : index
        %swap3A_723 = tpu.vector_load %arg14[%swap3A_721, %swap3A_722] {strides = array<i32>} : memref<128x64xf32, #tpu.memory_space<vmem>>, vector<16xf32>,
        tpu.vector_store %arg14[%swap3A_721, %swap3A_722], %add3A_720 {strides = array<i32>} : memref<128x64xf32, #tpu.memory_space<vmem>>, vector<16xf32>,
        %get3A_724 = arith.index_cast %add3A_688 : i32 to index
        %get3A_725 = arith.constant 48 : index
        %get3A_726 = tpu.vector_load %arg12[%get3A_724, %get3A_725] {strides = array<i32>} : memref<128x64xf32, #tpu.memory_space<vmem>>, vector<16xf32>,
        %reshape3A_727 = vector.shape_cast %xor3A_8 : vector<16xi32> to vector<16x1xi32>
        %gather3A_728 = vector.shape_cast %reshape3A_727 : vector<16x1xi32> to vector<16xi32>
        %gather3A_729 = tpu.dynamic_gather %get3A_726[%gather3A_728] in [0] : vector<16xf32>, vector<16xi32> -> vector<16xf32>
        %mul3A_730 = arith.mulf %get3A_726, %get3A_383 : vector<16xf32>
        %mul3A_731 = arith.mulf %gather3A_729, %get3A_395 : vector<16xf32>
        %add3A_732 = arith.addf %mul3A_730, %mul3A_731 : vector<16xf32>
        %swap3A_733 = arith.index_cast %add3A_688 : i32 to index
        %swap3A_734 = arith.constant 48 : index
        %swap3A_735 = tpu.vector_load %arg14[%swap3A_733, %swap3A_734] {strides = array<i32>} : memref<128x64xf32, #tpu.memory_space<vmem>>, vector<16xf32>,
        tpu.vector_store %arg14[%swap3A_733, %swap3A_734], %add3A_732 {strides = array<i32>} : memref<128x64xf32, #tpu.memory_space<vmem>>, vector<16xf32>,
        %scan3A_736 = arith.constant 1 : i32
        %scan3A_737 = arith.addi %scan3A_686, %scan3A_736 : i32
        %add3A_738 = arith.constant 0 : i32
        %add3A_739 = arith.addi %add3A_738, %scan3A_737 : i32
        %get3A_740 = arith.index_cast %add3A_739 : i32 to index
        %get3A_741 = arith.constant 0 : index
        %get3A_742 = tpu.vector_load %arg12[%get3A_740, %get3A_741] {strides = array<i32>} : memref<128x64xf32, #tpu.memory_space<vmem>>, vector<16xf32>,
        %reshape3A_743 = vector.shape_cast %xor3A_8 : vector<16xi32> to vector<16x1xi32>
        %gather3A_744 = vector.shape_cast %reshape3A_743 : vector<16x1xi32> to vector<16xi32>
        %gather3A_745 = tpu.dynamic_gather %get3A_742[%gather3A_744] in [0] : vector<16xf32>, vector<16xi32> -> vector<16xf32>
        %mul3A_746 = arith.mulf %get3A_742, %get3A_374 : vector<16xf32>
        %mul3A_747 = arith.mulf %gather3A_745, %get3A_386 : vector<16xf32>
        %add3A_748 = arith.addf %mul3A_746, %mul3A_747 : vector<16xf32>
        %swap3A_749 = arith.index_cast %add3A_739 : i32 to index
        %swap3A_750 = arith.constant 0 : index
        %swap3A_751 = tpu.vector_load %arg14[%swap3A_749, %swap3A_750] {strides = array<i32>} : memref<128x64xf32, #tpu.memory_space<vmem>>, vector<16xf32>,
        tpu.vector_store %arg14[%swap3A_749, %swap3A_750], %add3A_748 {strides = array<i32>} : memref<128x64xf32, #tpu.memory_space<vmem>>, vector<16xf32>,
        %get3A_752 = arith.index_cast %add3A_739 : i32 to index
        %get3A_753 = arith.constant 16 : index
        %get3A_754 = tpu.vector_load %arg12[%get3A_752, %get3A_753] {strides = array<i32>} : memref<128x64xf32, #tpu.memory_space<vmem>>, vector<16xf32>,
        %reshape3A_755 = vector.shape_cast %xor3A_8 : vector<16xi32> to vector<16x1xi32>
        %gather3A_756 = vector.shape_cast %reshape3A_755 : vector<16x1xi32> to vector<16xi32>
        %gather3A_757 = tpu.dynamic_gather %get3A_754[%gather3A_756] in [0] : vector<16xf32>, vector<16xi32> -> vector<16xf32>
        %mul3A_758 = arith.mulf %get3A_754, %get3A_377 : vector<16xf32>
        %mul3A_759 = arith.mulf %gather3A_757, %get3A_389 : vector<16xf32>
        %add3A_760 = arith.addf %mul3A_758, %mul3A_759 : vector<16xf32>
        %swap3A_761 = arith.index_cast %add3A_739 : i32 to index
        %swap3A_762 = arith.constant 16 : index
        %swap3A_763 = tpu.vector_load %arg14[%swap3A_761, %swap3A_762] {strides = array<i32>} : memref<128x64xf32, #tpu.memory_space<vmem>>, vector<16xf32>,
        tpu.vector_store %arg14[%swap3A_761, %swap3A_762], %add3A_760 {strides = array<i32>} : memref<128x64xf32, #tpu.memory_space<vmem>>, vector<16xf32>,
        %get3A_764 = arith.index_cast %add3A_739 : i32 to index
        %get3A_765 = arith.constant 32 : index
        %get3A_766 = tpu.vector_load %arg12[%get3A_764, %get3A_765] {strides = array<i32>} : memref<128x64xf32, #tpu.memory_space<vmem>>, vector<16xf32>,
        %reshape3A_767 = vector.shape_cast %xor3A_8 : vector<16xi32> to vector<16x1xi32>
        %gather3A_768 = vector.shape_cast %reshape3A_767 : vector<16x1xi32> to vector<16xi32>
        %gather3A_769 = tpu.dynamic_gather %get3A_766[%gather3A_768] in [0] : vector<16xf32>, vector<16xi32> -> vector<16xf32>
        %mul3A_770 = arith.mulf %get3A_766, %get3A_380 : vector<16xf32>
        %mul3A_771 = arith.mulf %gather3A_769, %get3A_392 : vector<16xf32>
        %add3A_772 = arith.addf %mul3A_770, %mul3A_771 : vector<16xf32>
        %swap3A_773 = arith.index_cast %add3A_739 : i32 to index
        %swap3A_774 = arith.constant 32 : index
        %swap3A_775 = tpu.vector_load %arg14[%swap3A_773, %swap3A_774] {strides = array<i32>} : memref<128x64xf32, #tpu.memory_space<vmem>>, vector<16xf32>,
        tpu.vector_store %arg14[%swap3A_773, %swap3A_774], %add3A_772 {strides = array<i32>} : memref<128x64xf32, #tpu.memory_space<vmem>>, vector<16xf32>,
        %get3A_776 = arith.index_cast %add3A_739 : i32 to index
        %get3A_777 = arith.constant 48 : index
        %get3A_778 = tpu.vector_load %arg12[%get3A_776, %get3A_777] {strides = array<i32>} : memref<128x64xf32, #tpu.memory_space<vmem>>, vector<16xf32>,
        %reshape3A_779 = vector.shape_cast %xor3A_8 : vector<16xi32> to vector<16x1xi32>
        %gather3A_780 = vector.shape_cast %reshape3A_779 : vector<16x1xi32> to vector<16xi32>
        %gather3A_781 = tpu.dynamic_gather %get3A_778[%gather3A_780] in [0] : vector<16xf32>, vector<16xi32> -> vector<16xf32>
        %mul3A_782 = arith.mulf %get3A_778, %get3A_383 : vector<16xf32>
        %mul3A_783 = arith.mulf %gather3A_781, %get3A_395 : vector<16xf32>
        %add3A_784 = arith.addf %mul3A_782, %mul3A_783 : vector<16xf32>
        %swap3A_785 = arith.index_cast %add3A_739 : i32 to index
        %swap3A_786 = arith.constant 48 : index
        %swap3A_787 = tpu.vector_load %arg14[%swap3A_785, %swap3A_786] {strides = array<i32>} : memref<128x64xf32, #tpu.memory_space<vmem>>, vector<16xf32>,
        tpu.vector_store %arg14[%swap3A_785, %swap3A_786], %add3A_784 {strides = array<i32>} : memref<128x64xf32, #tpu.memory_space<vmem>>, vector<16xf32>,
      }
      %scan3A_401 = arith.constant 32 : i32
      %mul3A_402 = arith.constant 4 : i32
      %mul3A_403 = arith.muli %add3A_358, %mul3A_402 : i32
      %add3A_404 = arith.constant 1 : i32
      %add3A_405 = arith.addi %mul3A_403, %add3A_404 : i32
      %get3A_406 = arith.index_cast %add3A_405 : i32 to index
      %get3A_407 = arith.constant 0 : index
      %get3A_408 = tpu.vector_load %arg10[%get3A_406, %get3A_407] {strides = array<i32>} : memref<200x64xf32, #tpu.memory_space<vmem>>, vector<16xf32>,
      %get3A_409 = arith.index_cast %add3A_405 : i32 to index
      %get3A_410 = arith.constant 16 : index
      %get3A_411 = tpu.vector_load %arg10[%get3A_409, %get3A_410] {strides = array<i32>} : memref<200x64xf32, #tpu.memory_space<vmem>>, vector<16xf32>,
      %get3A_412 = arith.index_cast %add3A_405 : i32 to index
      %get3A_413 = arith.constant 32 : index
      %get3A_414 = tpu.vector_load %arg10[%get3A_412, %get3A_413] {strides = array<i32>} : memref<200x64xf32, #tpu.memory_space<vmem>>, vector<16xf32>,
      %get3A_415 = arith.index_cast %add3A_405 : i32 to index
      %get3A_416 = arith.constant 48 : index
      %get3A_417 = tpu.vector_load %arg10[%get3A_415, %get3A_416] {strides = array<i32>} : memref<200x64xf32, #tpu.memory_space<vmem>>, vector<16xf32>,
      %get3A_418 = arith.index_cast %add3A_405 : i32 to index
      %get3A_419 = arith.constant 0 : index
      %get3A_420 = tpu.vector_load %arg11[%get3A_418, %get3A_419] {strides = array<i32>} : memref<200x64xf32, #tpu.memory_space<vmem>>, vector<16xf32>,
      %get3A_421 = arith.index_cast %add3A_405 : i32 to index
      %get3A_422 = arith.constant 16 : index
      %get3A_423 = tpu.vector_load %arg11[%get3A_421, %get3A_422] {strides = array<i32>} : memref<200x64xf32, #tpu.memory_space<vmem>>, vector<16xf32>,
      %get3A_424 = arith.index_cast %add3A_405 : i32 to index
      %get3A_425 = arith.constant 32 : index
      %get3A_426 = tpu.vector_load %arg11[%get3A_424, %get3A_425] {strides = array<i32>} : memref<200x64xf32, #tpu.memory_space<vmem>>, vector<16xf32>,
      %get3A_427 = arith.index_cast %add3A_405 : i32 to index
      %get3A_428 = arith.constant 48 : index
      %get3A_429 = tpu.vector_load %arg11[%get3A_427, %get3A_428] {strides = array<i32>} : memref<200x64xf32, #tpu.memory_space<vmem>>, vector<16xf32>,
      %scan3A_430 = arith.constant 0 : i32
      %scan3A_431 = arith.constant 0 : i32
      %scan3A_432 = arith.constant 32 : i32
      %scan3A_433 = arith.addi %scan3A_431, %scan3A_432 : i32
      %scan3A_434 = arith.constant 2 : i32
      scf.for %scan3A_686 = %scan3A_431 to %scan3A_433 step %scan3A_434  : i32 {
        %add3A_687 = arith.constant 32 : i32
        %add3A_688 = arith.addi %add3A_687, %scan3A_686 : i32
        %get3A_689 = arith.index_cast %add3A_688 : i32 to index
        %get3A_690 = arith.constant 0 : index
        %get3A_691 = tpu.vector_load %arg12[%get3A_689, %get3A_690] {strides = array<i32>} : memref<128x64xf32, #tpu.memory_space<vmem>>, vector<16xf32>,
        %reshape3A = vector.shape_cast %xor3A_8 : vector<16xi32> to vector<16x1xi32>
        %gather3A_692 = vector.shape_cast %reshape3A : vector<16x1xi32> to vector<16xi32>
        %gather3A_693 = tpu.dynamic_gather %get3A_691[%gather3A_692] in [0] : vector<16xf32>, vector<16xi32> -> vector<16xf32>
        %mul3A_694 = arith.mulf %get3A_691, %get3A_408 : vector<16xf32>
        %mul3A_695 = arith.mulf %gather3A_693, %get3A_420 : vector<16xf32>
        %add3A_696 = arith.addf %mul3A_694, %mul3A_695 : vector<16xf32>
        %swap3A_697 = arith.index_cast %add3A_688 : i32 to index
        %swap3A_698 = arith.constant 0 : index
        %swap3A_699 = tpu.vector_load %arg14[%swap3A_697, %swap3A_698] {strides = array<i32>} : memref<128x64xf32, #tpu.memory_space<vmem>>, vector<16xf32>,
        tpu.vector_store %arg14[%swap3A_697, %swap3A_698], %add3A_696 {strides = array<i32>} : memref<128x64xf32, #tpu.memory_space<vmem>>, vector<16xf32>,
        %get3A_700 = arith.index_cast %add3A_688 : i32 to index
        %get3A_701 = arith.constant 16 : index
        %get3A_702 = tpu.vector_load %arg12[%get3A_700, %get3A_701] {strides = array<i32>} : memref<128x64xf32, #tpu.memory_space<vmem>>, vector<16xf32>,
        %reshape3A_703 = vector.shape_cast %xor3A_8 : vector<16xi32> to vector<16x1xi32>
        %gather3A_704 = vector.shape_cast %reshape3A_703 : vector<16x1xi32> to vector<16xi32>
        %gather3A_705 = tpu.dynamic_gather %get3A_702[%gather3A_704] in [0] : vector<16xf32>, vector<16xi32> -> vector<16xf32>
        %mul3A_706 = arith.mulf %get3A_702, %get3A_411 : vector<16xf32>
        %mul3A_707 = arith.mulf %gather3A_705, %get3A_423 : vector<16xf32>
        %add3A_708 = arith.addf %mul3A_706, %mul3A_707 : vector<16xf32>
        %swap3A_709 = arith.index_cast %add3A_688 : i32 to index
        %swap3A_710 = arith.constant 16 : index
        %swap3A_711 = tpu.vector_load %arg14[%swap3A_709, %swap3A_710] {strides = array<i32>} : memref<128x64xf32, #tpu.memory_space<vmem>>, vector<16xf32>,
        tpu.vector_store %arg14[%swap3A_709, %swap3A_710], %add3A_708 {strides = array<i32>} : memref<128x64xf32, #tpu.memory_space<vmem>>, vector<16xf32>,
        %get3A_712 = arith.index_cast %add3A_688 : i32 to index
        %get3A_713 = arith.constant 32 : index
        %get3A_714 = tpu.vector_load %arg12[%get3A_712, %get3A_713] {strides = array<i32>} : memref<128x64xf32, #tpu.memory_space<vmem>>, vector<16xf32>,
        %reshape3A_715 = vector.shape_cast %xor3A_8 : vector<16xi32> to vector<16x1xi32>
        %gather3A_716 = vector.shape_cast %reshape3A_715 : vector<16x1xi32> to vector<16xi32>
        %gather3A_717 = tpu.dynamic_gather %get3A_714[%gather3A_716] in [0] : vector<16xf32>, vector<16xi32> -> vector<16xf32>
        %mul3A_718 = arith.mulf %get3A_714, %get3A_414 : vector<16xf32>
        %mul3A_719 = arith.mulf %gather3A_717, %get3A_426 : vector<16xf32>
        %add3A_720 = arith.addf %mul3A_718, %mul3A_719 : vector<16xf32>
        %swap3A_721 = arith.index_cast %add3A_688 : i32 to index
        %swap3A_722 = arith.constant 32 : index
        %swap3A_723 = tpu.vector_load %arg14[%swap3A_721, %swap3A_722] {strides = array<i32>} : memref<128x64xf32, #tpu.memory_space<vmem>>, vector<16xf32>,
        tpu.vector_store %arg14[%swap3A_721, %swap3A_722], %add3A_720 {strides = array<i32>} : memref<128x64xf32, #tpu.memory_space<vmem>>, vector<16xf32>,
        %get3A_724 = arith.index_cast %add3A_688 : i32 to index
        %get3A_725 = arith.constant 48 : index
        %get3A_726 = tpu.vector_load %arg12[%get3A_724, %get3A_725] {strides = array<i32>} : memref<128x64xf32, #tpu.memory_space<vmem>>, vector<16xf32>,
        %reshape3A_727 = vector.shape_cast %xor3A_8 : vector<16xi32> to vector<16x1xi32>
        %gather3A_728 = vector.shape_cast %reshape3A_727 : vector<16x1xi32> to vector<16xi32>
        %gather3A_729 = tpu.dynamic_gather %get3A_726[%gather3A_728] in [0] : vector<16xf32>, vector<16xi32> -> vector<16xf32>
        %mul3A_730 = arith.mulf %get3A_726, %get3A_417 : vector<16xf32>
        %mul3A_731 = arith.mulf %gather3A_729, %get3A_429 : vector<16xf32>
        %add3A_732 = arith.addf %mul3A_730, %mul3A_731 : vector<16xf32>
        %swap3A_733 = arith.index_cast %add3A_688 : i32 to index
        %swap3A_734 = arith.constant 48 : index
        %swap3A_735 = tpu.vector_load %arg14[%swap3A_733, %swap3A_734] {strides = array<i32>} : memref<128x64xf32, #tpu.memory_space<vmem>>, vector<16xf32>,
        tpu.vector_store %arg14[%swap3A_733, %swap3A_734], %add3A_732 {strides = array<i32>} : memref<128x64xf32, #tpu.memory_space<vmem>>, vector<16xf32>,
        %scan3A_736 = arith.constant 1 : i32
        %scan3A_737 = arith.addi %scan3A_686, %scan3A_736 : i32
        %add3A_738 = arith.constant 32 : i32
        %add3A_739 = arith.addi %add3A_738, %scan3A_737 : i32
        %get3A_740 = arith.index_cast %add3A_739 : i32 to index
        %get3A_741 = arith.constant 0 : index
        %get3A_742 = tpu.vector_load %arg12[%get3A_740, %get3A_741] {strides = array<i32>} : memref<128x64xf32, #tpu.memory_space<vmem>>, vector<16xf32>,
        %reshape3A_743 = vector.shape_cast %xor3A_8 : vector<16xi32> to vector<16x1xi32>
        %gather3A_744 = vector.shape_cast %reshape3A_743 : vector<16x1xi32> to vector<16xi32>
        %gather3A_745 = tpu.dynamic_gather %get3A_742[%gather3A_744] in [0] : vector<16xf32>, vector<16xi32> -> vector<16xf32>
        %mul3A_746 = arith.mulf %get3A_742, %get3A_408 : vector<16xf32>
        %mul3A_747 = arith.mulf %gather3A_745, %get3A_420 : vector<16xf32>
        %add3A_748 = arith.addf %mul3A_746, %mul3A_747 : vector<16xf32>
        %swap3A_749 = arith.index_cast %add3A_739 : i32 to index
        %swap3A_750 = arith.constant 0 : index
        %swap3A_751 = tpu.vector_load %arg14[%swap3A_749, %swap3A_750] {strides = array<i32>} : memref<128x64xf32, #tpu.memory_space<vmem>>, vector<16xf32>,
        tpu.vector_store %arg14[%swap3A_749, %swap3A_750], %add3A_748 {strides = array<i32>} : memref<128x64xf32, #tpu.memory_space<vmem>>, vector<16xf32>,
        %get3A_752 = arith.index_cast %add3A_739 : i32 to index
        %get3A_753 = arith.constant 16 : index
        %get3A_754 = tpu.vector_load %arg12[%get3A_752, %get3A_753] {strides = array<i32>} : memref<128x64xf32, #tpu.memory_space<vmem>>, vector<16xf32>,
        %reshape3A_755 = vector.shape_cast %xor3A_8 : vector<16xi32> to vector<16x1xi32>
        %gather3A_756 = vector.shape_cast %reshape3A_755 : vector<16x1xi32> to vector<16xi32>
        %gather3A_757 = tpu.dynamic_gather %get3A_754[%gather3A_756] in [0] : vector<16xf32>, vector<16xi32> -> vector<16xf32>
        %mul3A_758 = arith.mulf %get3A_754, %get3A_411 : vector<16xf32>
        %mul3A_759 = arith.mulf %gather3A_757, %get3A_423 : vector<16xf32>
        %add3A_760 = arith.addf %mul3A_758, %mul3A_759 : vector<16xf32>
        %swap3A_761 = arith.index_cast %add3A_739 : i32 to index
        %swap3A_762 = arith.constant 16 : index
        %swap3A_763 = tpu.vector_load %arg14[%swap3A_761, %swap3A_762] {strides = array<i32>} : memref<128x64xf32, #tpu.memory_space<vmem>>, vector<16xf32>,
        tpu.vector_store %arg14[%swap3A_761, %swap3A_762], %add3A_760 {strides = array<i32>} : memref<128x64xf32, #tpu.memory_space<vmem>>, vector<16xf32>,
        %get3A_764 = arith.index_cast %add3A_739 : i32 to index
        %get3A_765 = arith.constant 32 : index
        %get3A_766 = tpu.vector_load %arg12[%get3A_764, %get3A_765] {strides = array<i32>} : memref<128x64xf32, #tpu.memory_space<vmem>>, vector<16xf32>,
        %reshape3A_767 = vector.shape_cast %xor3A_8 : vector<16xi32> to vector<16x1xi32>
        %gather3A_768 = vector.shape_cast %reshape3A_767 : vector<16x1xi32> to vector<16xi32>
        %gather3A_769 = tpu.dynamic_gather %get3A_766[%gather3A_768] in [0] : vector<16xf32>, vector<16xi32> -> vector<16xf32>
        %mul3A_770 = arith.mulf %get3A_766, %get3A_414 : vector<16xf32>
        %mul3A_771 = arith.mulf %gather3A_769, %get3A_426 : vector<16xf32>
        %add3A_772 = arith.addf %mul3A_770, %mul3A_771 : vector<16xf32>
        %swap3A_773 = arith.index_cast %add3A_739 : i32 to index
        %swap3A_774 = arith.constant 32 : index
        %swap3A_775 = tpu.vector_load %arg14[%swap3A_773, %swap3A_774] {strides = array<i32>} : memref<128x64xf32, #tpu.memory_space<vmem>>, vector<16xf32>,
        tpu.vector_store %arg14[%swap3A_773, %swap3A_774], %add3A_772 {strides = array<i32>} : memref<128x64xf32, #tpu.memory_space<vmem>>, vector<16xf32>,
        %get3A_776 = arith.index_cast %add3A_739 : i32 to index
        %get3A_777 = arith.constant 48 : index
        %get3A_778 = tpu.vector_load %arg12[%get3A_776, %get3A_777] {strides = array<i32>} : memref<128x64xf32, #tpu.memory_space<vmem>>, vector<16xf32>,
        %reshape3A_779 = vector.shape_cast %xor3A_8 : vector<16xi32> to vector<16x1xi32>
        %gather3A_780 = vector.shape_cast %reshape3A_779 : vector<16x1xi32> to vector<16xi32>
        %gather3A_781 = tpu.dynamic_gather %get3A_778[%gather3A_780] in [0] : vector<16xf32>, vector<16xi32> -> vector<16xf32>
        %mul3A_782 = arith.mulf %get3A_778, %get3A_417 : vector<16xf32>
        %mul3A_783 = arith.mulf %gather3A_781, %get3A_429 : vector<16xf32>
        %add3A_784 = arith.addf %mul3A_782, %mul3A_783 : vector<16xf32>
        %swap3A_785 = arith.index_cast %add3A_739 : i32 to index
        %swap3A_786 = arith.constant 48 : index
        %swap3A_787 = tpu.vector_load %arg14[%swap3A_785, %swap3A_786] {strides = array<i32>} : memref<128x64xf32, #tpu.memory_space<vmem>>, vector<16xf32>,
        tpu.vector_store %arg14[%swap3A_785, %swap3A_786], %add3A_784 {strides = array<i32>} : memref<128x64xf32, #tpu.memory_space<vmem>>, vector<16xf32>,
      }
      %scan3A_435 = arith.constant 32 : i32
      %mul3A_436 = arith.constant 4 : i32
      %mul3A_437 = arith.muli %add3A_358, %mul3A_436 : i32
      %add3A_438 = arith.constant 2 : i32
      %add3A_439 = arith.addi %mul3A_437, %add3A_438 : i32
      %get3A_440 = arith.index_cast %add3A_439 : i32 to index
      %get3A_441 = arith.constant 0 : index
      %get3A_442 = tpu.vector_load %arg10[%get3A_440, %get3A_441] {strides = array<i32>} : memref<200x64xf32, #tpu.memory_space<vmem>>, vector<16xf32>,
      %get3A_443 = arith.index_cast %add3A_439 : i32 to index
      %get3A_444 = arith.constant 16 : index
      %get3A_445 = tpu.vector_load %arg10[%get3A_443, %get3A_444] {strides = array<i32>} : memref<200x64xf32, #tpu.memory_space<vmem>>, vector<16xf32>,
      %get3A_446 = arith.index_cast %add3A_439 : i32 to index
      %get3A_447 = arith.constant 32 : index
      %get3A_448 = tpu.vector_load %arg10[%get3A_446, %get3A_447] {strides = array<i32>} : memref<200x64xf32, #tpu.memory_space<vmem>>, vector<16xf32>,
      %get3A_449 = arith.index_cast %add3A_439 : i32 to index
      %get3A_450 = arith.constant 48 : index
      %get3A_451 = tpu.vector_load %arg10[%get3A_449, %get3A_450] {strides = array<i32>} : memref<200x64xf32, #tpu.memory_space<vmem>>, vector<16xf32>,
      %get3A_452 = arith.index_cast %add3A_439 : i32 to index
      %get3A_453 = arith.constant 0 : index
      %get3A_454 = tpu.vector_load %arg11[%get3A_452, %get3A_453] {strides = array<i32>} : memref<200x64xf32, #tpu.memory_space<vmem>>, vector<16xf32>,
      %get3A_455 = arith.index_cast %add3A_439 : i32 to index
      %get3A_456 = arith.constant 16 : index
      %get3A_457 = tpu.vector_load %arg11[%get3A_455, %get3A_456] {strides = array<i32>} : memref<200x64xf32, #tpu.memory_space<vmem>>, vector<16xf32>,
      %get3A_458 = arith.index_cast %add3A_439 : i32 to index
      %get3A_459 = arith.constant 32 : index
      %get3A_460 = tpu.vector_load %arg11[%get3A_458, %get3A_459] {strides = array<i32>} : memref<200x64xf32, #tpu.memory_space<vmem>>, vector<16xf32>,
      %get3A_461 = arith.index_cast %add3A_439 : i32 to index
      %get3A_462 = arith.constant 48 : index
      %get3A_463 = tpu.vector_load %arg11[%get3A_461, %get3A_462] {strides = array<i32>} : memref<200x64xf32, #tpu.memory_space<vmem>>, vector<16xf32>,
      %scan3A_464 = arith.constant 0 : i32
      %scan3A_465 = arith.constant 0 : i32
      %scan3A_466 = arith.constant 32 : i32
      %scan3A_467 = arith.addi %scan3A_465, %scan3A_466 : i32
      %scan3A_468 = arith.constant 2 : i32
      scf.for %scan3A_686 = %scan3A_465 to %scan3A_467 step %scan3A_468  : i32 {
        %add3A_687 = arith.constant 64 : i32
        %add3A_688 = arith.addi %add3A_687, %scan3A_686 : i32
        %get3A_689 = arith.index_cast %add3A_688 : i32 to index
        %get3A_690 = arith.constant 0 : index
        %get3A_691 = tpu.vector_load %arg12[%get3A_689, %get3A_690] {strides = array<i32>} : memref<128x64xf32, #tpu.memory_space<vmem>>, vector<16xf32>,
        %reshape3A = vector.shape_cast %xor3A_8 : vector<16xi32> to vector<16x1xi32>
        %gather3A_692 = vector.shape_cast %reshape3A : vector<16x1xi32> to vector<16xi32>
        %gather3A_693 = tpu.dynamic_gather %get3A_691[%gather3A_692] in [0] : vector<16xf32>, vector<16xi32> -> vector<16xf32>
        %mul3A_694 = arith.mulf %get3A_691, %get3A_442 : vector<16xf32>
        %mul3A_695 = arith.mulf %gather3A_693, %get3A_454 : vector<16xf32>
        %add3A_696 = arith.addf %mul3A_694, %mul3A_695 : vector<16xf32>
        %swap3A_697 = arith.index_cast %add3A_688 : i32 to index
        %swap3A_698 = arith.constant 0 : index
        %swap3A_699 = tpu.vector_load %arg14[%swap3A_697, %swap3A_698] {strides = array<i32>} : memref<128x64xf32, #tpu.memory_space<vmem>>, vector<16xf32>,
        tpu.vector_store %arg14[%swap3A_697, %swap3A_698], %add3A_696 {strides = array<i32>} : memref<128x64xf32, #tpu.memory_space<vmem>>, vector<16xf32>,
        %get3A_700 = arith.index_cast %add3A_688 : i32 to index
        %get3A_701 = arith.constant 16 : index
        %get3A_702 = tpu.vector_load %arg12[%get3A_700, %get3A_701] {strides = array<i32>} : memref<128x64xf32, #tpu.memory_space<vmem>>, vector<16xf32>,
        %reshape3A_703 = vector.shape_cast %xor3A_8 : vector<16xi32> to vector<16x1xi32>
        %gather3A_704 = vector.shape_cast %reshape3A_703 : vector<16x1xi32> to vector<16xi32>
        %gather3A_705 = tpu.dynamic_gather %get3A_702[%gather3A_704] in [0] : vector<16xf32>, vector<16xi32> -> vector<16xf32>
        %mul3A_706 = arith.mulf %get3A_702, %get3A_445 : vector<16xf32>
        %mul3A_707 = arith.mulf %gather3A_705, %get3A_457 : vector<16xf32>
        %add3A_708 = arith.addf %mul3A_706, %mul3A_707 : vector<16xf32>
        %swap3A_709 = arith.index_cast %add3A_688 : i32 to index
        %swap3A_710 = arith.constant 16 : index
        %swap3A_711 = tpu.vector_load %arg14[%swap3A_709, %swap3A_710] {strides = array<i32>} : memref<128x64xf32, #tpu.memory_space<vmem>>, vector<16xf32>,
        tpu.vector_store %arg14[%swap3A_709, %swap3A_710], %add3A_708 {strides = array<i32>} : memref<128x64xf32, #tpu.memory_space<vmem>>, vector<16xf32>,
        %get3A_712 = arith.index_cast %add3A_688 : i32 to index
        %get3A_713 = arith.constant 32 : index
        %get3A_714 = tpu.vector_load %arg12[%get3A_712, %get3A_713] {strides = array<i32>} : memref<128x64xf32, #tpu.memory_space<vmem>>, vector<16xf32>,
        %reshape3A_715 = vector.shape_cast %xor3A_8 : vector<16xi32> to vector<16x1xi32>
        %gather3A_716 = vector.shape_cast %reshape3A_715 : vector<16x1xi32> to vector<16xi32>
        %gather3A_717 = tpu.dynamic_gather %get3A_714[%gather3A_716] in [0] : vector<16xf32>, vector<16xi32> -> vector<16xf32>
        %mul3A_718 = arith.mulf %get3A_714, %get3A_448 : vector<16xf32>
        %mul3A_719 = arith.mulf %gather3A_717, %get3A_460 : vector<16xf32>
        %add3A_720 = arith.addf %mul3A_718, %mul3A_719 : vector<16xf32>
        %swap3A_721 = arith.index_cast %add3A_688 : i32 to index
        %swap3A_722 = arith.constant 32 : index
        %swap3A_723 = tpu.vector_load %arg14[%swap3A_721, %swap3A_722] {strides = array<i32>} : memref<128x64xf32, #tpu.memory_space<vmem>>, vector<16xf32>,
        tpu.vector_store %arg14[%swap3A_721, %swap3A_722], %add3A_720 {strides = array<i32>} : memref<128x64xf32, #tpu.memory_space<vmem>>, vector<16xf32>,
        %get3A_724 = arith.index_cast %add3A_688 : i32 to index
        %get3A_725 = arith.constant 48 : index
        %get3A_726 = tpu.vector_load %arg12[%get3A_724, %get3A_725] {strides = array<i32>} : memref<128x64xf32, #tpu.memory_space<vmem>>, vector<16xf32>,
        %reshape3A_727 = vector.shape_cast %xor3A_8 : vector<16xi32> to vector<16x1xi32>
        %gather3A_728 = vector.shape_cast %reshape3A_727 : vector<16x1xi32> to vector<16xi32>
        %gather3A_729 = tpu.dynamic_gather %get3A_726[%gather3A_728] in [0] : vector<16xf32>, vector<16xi32> -> vector<16xf32>
        %mul3A_730 = arith.mulf %get3A_726, %get3A_451 : vector<16xf32>
        %mul3A_731 = arith.mulf %gather3A_729, %get3A_463 : vector<16xf32>
        %add3A_732 = arith.addf %mul3A_730, %mul3A_731 : vector<16xf32>
        %swap3A_733 = arith.index_cast %add3A_688 : i32 to index
        %swap3A_734 = arith.constant 48 : index
        %swap3A_735 = tpu.vector_load %arg14[%swap3A_733, %swap3A_734] {strides = array<i32>} : memref<128x64xf32, #tpu.memory_space<vmem>>, vector<16xf32>,
        tpu.vector_store %arg14[%swap3A_733, %swap3A_734], %add3A_732 {strides = array<i32>} : memref<128x64xf32, #tpu.memory_space<vmem>>, vector<16xf32>,
        %scan3A_736 = arith.constant 1 : i32
        %scan3A_737 = arith.addi %scan3A_686, %scan3A_736 : i32
        %add3A_738 = arith.constant 64 : i32
        %add3A_739 = arith.addi %add3A_738, %scan3A_737 : i32
        %get3A_740 = arith.index_cast %add3A_739 : i32 to index
        %get3A_741 = arith.constant 0 : index
        %get3A_742 = tpu.vector_load %arg12[%get3A_740, %get3A_741] {strides = array<i32>} : memref<128x64xf32, #tpu.memory_space<vmem>>, vector<16xf32>,
        %reshape3A_743 = vector.shape_cast %xor3A_8 : vector<16xi32> to vector<16x1xi32>
        %gather3A_744 = vector.shape_cast %reshape3A_743 : vector<16x1xi32> to vector<16xi32>
        %gather3A_745 = tpu.dynamic_gather %get3A_742[%gather3A_744] in [0] : vector<16xf32>, vector<16xi32> -> vector<16xf32>
        %mul3A_746 = arith.mulf %get3A_742, %get3A_442 : vector<16xf32>
        %mul3A_747 = arith.mulf %gather3A_745, %get3A_454 : vector<16xf32>
        %add3A_748 = arith.addf %mul3A_746, %mul3A_747 : vector<16xf32>
        %swap3A_749 = arith.index_cast %add3A_739 : i32 to index
        %swap3A_750 = arith.constant 0 : index
        %swap3A_751 = tpu.vector_load %arg14[%swap3A_749, %swap3A_750] {strides = array<i32>} : memref<128x64xf32, #tpu.memory_space<vmem>>, vector<16xf32>,
        tpu.vector_store %arg14[%swap3A_749, %swap3A_750], %add3A_748 {strides = array<i32>} : memref<128x64xf32, #tpu.memory_space<vmem>>, vector<16xf32>,
        %get3A_752 = arith.index_cast %add3A_739 : i32 to index
        %get3A_753 = arith.constant 16 : index
        %get3A_754 = tpu.vector_load %arg12[%get3A_752, %get3A_753] {strides = array<i32>} : memref<128x64xf32, #tpu.memory_space<vmem>>, vector<16xf32>,
        %reshape3A_755 = vector.shape_cast %xor3A_8 : vector<16xi32> to vector<16x1xi32>
        %gather3A_756 = vector.shape_cast %reshape3A_755 : vector<16x1xi32> to vector<16xi32>
        %gather3A_757 = tpu.dynamic_gather %get3A_754[%gather3A_756] in [0] : vector<16xf32>, vector<16xi32> -> vector<16xf32>
        %mul3A_758 = arith.mulf %get3A_754, %get3A_445 : vector<16xf32>
        %mul3A_759 = arith.mulf %gather3A_757, %get3A_457 : vector<16xf32>
        %add3A_760 = arith.addf %mul3A_758, %mul3A_759 : vector<16xf32>
        %swap3A_761 = arith.index_cast %add3A_739 : i32 to index
        %swap3A_762 = arith.constant 16 : index
        %swap3A_763 = tpu.vector_load %arg14[%swap3A_761, %swap3A_762] {strides = array<i32>} : memref<128x64xf32, #tpu.memory_space<vmem>>, vector<16xf32>,
        tpu.vector_store %arg14[%swap3A_761, %swap3A_762], %add3A_760 {strides = array<i32>} : memref<128x64xf32, #tpu.memory_space<vmem>>, vector<16xf32>,
        %get3A_764 = arith.index_cast %add3A_739 : i32 to index
        %get3A_765 = arith.constant 32 : index
        %get3A_766 = tpu.vector_load %arg12[%get3A_764, %get3A_765] {strides = array<i32>} : memref<128x64xf32, #tpu.memory_space<vmem>>, vector<16xf32>,
        %reshape3A_767 = vector.shape_cast %xor3A_8 : vector<16xi32> to vector<16x1xi32>
        %gather3A_768 = vector.shape_cast %reshape3A_767 : vector<16x1xi32> to vector<16xi32>
        %gather3A_769 = tpu.dynamic_gather %get3A_766[%gather3A_768] in [0] : vector<16xf32>, vector<16xi32> -> vector<16xf32>
        %mul3A_770 = arith.mulf %get3A_766, %get3A_448 : vector<16xf32>
        %mul3A_771 = arith.mulf %gather3A_769, %get3A_460 : vector<16xf32>
        %add3A_772 = arith.addf %mul3A_770, %mul3A_771 : vector<16xf32>
        %swap3A_773 = arith.index_cast %add3A_739 : i32 to index
        %swap3A_774 = arith.constant 32 : index
        %swap3A_775 = tpu.vector_load %arg14[%swap3A_773, %swap3A_774] {strides = array<i32>} : memref<128x64xf32, #tpu.memory_space<vmem>>, vector<16xf32>,
        tpu.vector_store %arg14[%swap3A_773, %swap3A_774], %add3A_772 {strides = array<i32>} : memref<128x64xf32, #tpu.memory_space<vmem>>, vector<16xf32>,
        %get3A_776 = arith.index_cast %add3A_739 : i32 to index
        %get3A_777 = arith.constant 48 : index
        %get3A_778 = tpu.vector_load %arg12[%get3A_776, %get3A_777] {strides = array<i32>} : memref<128x64xf32, #tpu.memory_space<vmem>>, vector<16xf32>,
        %reshape3A_779 = vector.shape_cast %xor3A_8 : vector<16xi32> to vector<16x1xi32>
        %gather3A_780 = vector.shape_cast %reshape3A_779 : vector<16x1xi32> to vector<16xi32>
        %gather3A_781 = tpu.dynamic_gather %get3A_778[%gather3A_780] in [0] : vector<16xf32>, vector<16xi32> -> vector<16xf32>
        %mul3A_782 = arith.mulf %get3A_778, %get3A_451 : vector<16xf32>
        %mul3A_783 = arith.mulf %gather3A_781, %get3A_463 : vector<16xf32>
        %add3A_784 = arith.addf %mul3A_782, %mul3A_783 : vector<16xf32>
        %swap3A_785 = arith.index_cast %add3A_739 : i32 to index
        %swap3A_786 = arith.constant 48 : index
        %swap3A_787 = tpu.vector_load %arg14[%swap3A_785, %swap3A_786] {strides = array<i32>} : memref<128x64xf32, #tpu.memory_space<vmem>>, vector<16xf32>,
        tpu.vector_store %arg14[%swap3A_785, %swap3A_786], %add3A_784 {strides = array<i32>} : memref<128x64xf32, #tpu.memory_space<vmem>>, vector<16xf32>,
      }
      %scan3A_469 = arith.constant 32 : i32
      %mul3A_470 = arith.constant 4 : i32
      %mul3A_471 = arith.muli %add3A_358, %mul3A_470 : i32
      %add3A_472 = arith.constant 3 : i32
      %add3A_473 = arith.addi %mul3A_471, %add3A_472 : i32
      %get3A_474 = arith.index_cast %add3A_473 : i32 to index
      %get3A_475 = arith.constant 0 : index
      %get3A_476 = tpu.vector_load %arg10[%get3A_474, %get3A_475] {strides = array<i32>} : memref<200x64xf32, #tpu.memory_space<vmem>>, vector<16xf32>,
      %get3A_477 = arith.index_cast %add3A_473 : i32 to index
      %get3A_478 = arith.constant 16 : index
      %get3A_479 = tpu.vector_load %arg10[%get3A_477, %get3A_478] {strides = array<i32>} : memref<200x64xf32, #tpu.memory_space<vmem>>, vector<16xf32>,
      %get3A_480 = arith.index_cast %add3A_473 : i32 to index
      %get3A_481 = arith.constant 32 : index
      %get3A_482 = tpu.vector_load %arg10[%get3A_480, %get3A_481] {strides = array<i32>} : memref<200x64xf32, #tpu.memory_space<vmem>>, vector<16xf32>,
      %get3A_483 = arith.index_cast %add3A_473 : i32 to index
      %get3A_484 = arith.constant 48 : index
      %get3A_485 = tpu.vector_load %arg10[%get3A_483, %get3A_484] {strides = array<i32>} : memref<200x64xf32, #tpu.memory_space<vmem>>, vector<16xf32>,
      %get3A_486 = arith.index_cast %add3A_473 : i32 to index
      %get3A_487 = arith.constant 0 : index
      %get3A_488 = tpu.vector_load %arg11[%get3A_486, %get3A_487] {strides = array<i32>} : memref<200x64xf32, #tpu.memory_space<vmem>>, vector<16xf32>,
      %get3A_489 = arith.index_cast %add3A_473 : i32 to index
      %get3A_490 = arith.constant 16 : index
      %get3A_491 = tpu.vector_load %arg11[%get3A_489, %get3A_490] {strides = array<i32>} : memref<200x64xf32, #tpu.memory_space<vmem>>, vector<16xf32>,
      %get3A_492 = arith.index_cast %add3A_473 : i32 to index
      %get3A_493 = arith.constant 32 : index
      %get3A_494 = tpu.vector_load %arg11[%get3A_492, %get3A_493] {strides = array<i32>} : memref<200x64xf32, #tpu.memory_space<vmem>>, vector<16xf32>,
      %get3A_495 = arith.index_cast %add3A_473 : i32 to index
      %get3A_496 = arith.constant 48 : index
      %get3A_497 = tpu.vector_load %arg11[%get3A_495, %get3A_496] {strides = array<i32>} : memref<200x64xf32, #tpu.memory_space<vmem>>, vector<16xf32>,
      %scan3A_498 = arith.constant 0 : i32
      %scan3A_499 = arith.constant 0 : i32
      %scan3A_500 = arith.constant 32 : i32
      %scan3A_501 = arith.addi %scan3A_499, %scan3A_500 : i32
      %scan3A_502 = arith.constant 2 : i32
      scf.for %scan3A_686 = %scan3A_499 to %scan3A_501 step %scan3A_502  : i32 {
        %add3A_687 = arith.constant 96 : i32
        %add3A_688 = arith.addi %add3A_687, %scan3A_686 : i32
        %get3A_689 = arith.index_cast %add3A_688 : i32 to index
        %get3A_690 = arith.constant 0 : index
        %get3A_691 = tpu.vector_load %arg12[%get3A_689, %get3A_690] {strides = array<i32>} : memref<128x64xf32, #tpu.memory_space<vmem>>, vector<16xf32>,
        %reshape3A = vector.shape_cast %xor3A_8 : vector<16xi32> to vector<16x1xi32>
        %gather3A_692 = vector.shape_cast %reshape3A : vector<16x1xi32> to vector<16xi32>
        %gather3A_693 = tpu.dynamic_gather %get3A_691[%gather3A_692] in [0] : vector<16xf32>, vector<16xi32> -> vector<16xf32>
        %mul3A_694 = arith.mulf %get3A_691, %get3A_476 : vector<16xf32>
        %mul3A_695 = arith.mulf %gather3A_693, %get3A_488 : vector<16xf32>
        %add3A_696 = arith.addf %mul3A_694, %mul3A_695 : vector<16xf32>
        %swap3A_697 = arith.index_cast %add3A_688 : i32 to index
        %swap3A_698 = arith.constant 0 : index
        %swap3A_699 = tpu.vector_load %arg14[%swap3A_697, %swap3A_698] {strides = array<i32>} : memref<128x64xf32, #tpu.memory_space<vmem>>, vector<16xf32>,
        tpu.vector_store %arg14[%swap3A_697, %swap3A_698], %add3A_696 {strides = array<i32>} : memref<128x64xf32, #tpu.memory_space<vmem>>, vector<16xf32>,
        %get3A_700 = arith.index_cast %add3A_688 : i32 to index
        %get3A_701 = arith.constant 16 : index
        %get3A_702 = tpu.vector_load %arg12[%get3A_700, %get3A_701] {strides = array<i32>} : memref<128x64xf32, #tpu.memory_space<vmem>>, vector<16xf32>,
        %reshape3A_703 = vector.shape_cast %xor3A_8 : vector<16xi32> to vector<16x1xi32>
        %gather3A_704 = vector.shape_cast %reshape3A_703 : vector<16x1xi32> to vector<16xi32>
        %gather3A_705 = tpu.dynamic_gather %get3A_702[%gather3A_704] in [0] : vector<16xf32>, vector<16xi32> -> vector<16xf32>
        %mul3A_706 = arith.mulf %get3A_702, %get3A_479 : vector<16xf32>
        %mul3A_707 = arith.mulf %gather3A_705, %get3A_491 : vector<16xf32>
        %add3A_708 = arith.addf %mul3A_706, %mul3A_707 : vector<16xf32>
        %swap3A_709 = arith.index_cast %add3A_688 : i32 to index
        %swap3A_710 = arith.constant 16 : index
        %swap3A_711 = tpu.vector_load %arg14[%swap3A_709, %swap3A_710] {strides = array<i32>} : memref<128x64xf32, #tpu.memory_space<vmem>>, vector<16xf32>,
        tpu.vector_store %arg14[%swap3A_709, %swap3A_710], %add3A_708 {strides = array<i32>} : memref<128x64xf32, #tpu.memory_space<vmem>>, vector<16xf32>,
        %get3A_712 = arith.index_cast %add3A_688 : i32 to index
        %get3A_713 = arith.constant 32 : index
        %get3A_714 = tpu.vector_load %arg12[%get3A_712, %get3A_713] {strides = array<i32>} : memref<128x64xf32, #tpu.memory_space<vmem>>, vector<16xf32>,
        %reshape3A_715 = vector.shape_cast %xor3A_8 : vector<16xi32> to vector<16x1xi32>
        %gather3A_716 = vector.shape_cast %reshape3A_715 : vector<16x1xi32> to vector<16xi32>
        %gather3A_717 = tpu.dynamic_gather %get3A_714[%gather3A_716] in [0] : vector<16xf32>, vector<16xi32> -> vector<16xf32>
        %mul3A_718 = arith.mulf %get3A_714, %get3A_482 : vector<16xf32>
        %mul3A_719 = arith.mulf %gather3A_717, %get3A_494 : vector<16xf32>
        %add3A_720 = arith.addf %mul3A_718, %mul3A_719 : vector<16xf32>
        %swap3A_721 = arith.index_cast %add3A_688 : i32 to index
        %swap3A_722 = arith.constant 32 : index
        %swap3A_723 = tpu.vector_load %arg14[%swap3A_721, %swap3A_722] {strides = array<i32>} : memref<128x64xf32, #tpu.memory_space<vmem>>, vector<16xf32>,
        tpu.vector_store %arg14[%swap3A_721, %swap3A_722], %add3A_720 {strides = array<i32>} : memref<128x64xf32, #tpu.memory_space<vmem>>, vector<16xf32>,
        %get3A_724 = arith.index_cast %add3A_688 : i32 to index
        %get3A_725 = arith.constant 48 : index
        %get3A_726 = tpu.vector_load %arg12[%get3A_724, %get3A_725] {strides = array<i32>} : memref<128x64xf32, #tpu.memory_space<vmem>>, vector<16xf32>,
        %reshape3A_727 = vector.shape_cast %xor3A_8 : vector<16xi32> to vector<16x1xi32>
        %gather3A_728 = vector.shape_cast %reshape3A_727 : vector<16x1xi32> to vector<16xi32>
        %gather3A_729 = tpu.dynamic_gather %get3A_726[%gather3A_728] in [0] : vector<16xf32>, vector<16xi32> -> vector<16xf32>
        %mul3A_730 = arith.mulf %get3A_726, %get3A_485 : vector<16xf32>
        %mul3A_731 = arith.mulf %gather3A_729, %get3A_497 : vector<16xf32>
        %add3A_732 = arith.addf %mul3A_730, %mul3A_731 : vector<16xf32>
        %swap3A_733 = arith.index_cast %add3A_688 : i32 to index
        %swap3A_734 = arith.constant 48 : index
        %swap3A_735 = tpu.vector_load %arg14[%swap3A_733, %swap3A_734] {strides = array<i32>} : memref<128x64xf32, #tpu.memory_space<vmem>>, vector<16xf32>,
        tpu.vector_store %arg14[%swap3A_733, %swap3A_734], %add3A_732 {strides = array<i32>} : memref<128x64xf32, #tpu.memory_space<vmem>>, vector<16xf32>,
        %scan3A_736 = arith.constant 1 : i32
        %scan3A_737 = arith.addi %scan3A_686, %scan3A_736 : i32
        %add3A_738 = arith.constant 96 : i32
        %add3A_739 = arith.addi %add3A_738, %scan3A_737 : i32
        %get3A_740 = arith.index_cast %add3A_739 : i32 to index
        %get3A_741 = arith.constant 0 : index
        %get3A_742 = tpu.vector_load %arg12[%get3A_740, %get3A_741] {strides = array<i32>} : memref<128x64xf32, #tpu.memory_space<vmem>>, vector<16xf32>,
        %reshape3A_743 = vector.shape_cast %xor3A_8 : vector<16xi32> to vector<16x1xi32>
        %gather3A_744 = vector.shape_cast %reshape3A_743 : vector<16x1xi32> to vector<16xi32>
        %gather3A_745 = tpu.dynamic_gather %get3A_742[%gather3A_744] in [0] : vector<16xf32>, vector<16xi32> -> vector<16xf32>
        %mul3A_746 = arith.mulf %get3A_742, %get3A_476 : vector<16xf32>
        %mul3A_747 = arith.mulf %gather3A_745, %get3A_488 : vector<16xf32>
        %add3A_748 = arith.addf %mul3A_746, %mul3A_747 : vector<16xf32>
        %swap3A_749 = arith.index_cast %add3A_739 : i32 to index
        %swap3A_750 = arith.constant 0 : index
        %swap3A_751 = tpu.vector_load %arg14[%swap3A_749, %swap3A_750] {strides = array<i32>} : memref<128x64xf32, #tpu.memory_space<vmem>>, vector<16xf32>,
        tpu.vector_store %arg14[%swap3A_749, %swap3A_750], %add3A_748 {strides = array<i32>} : memref<128x64xf32, #tpu.memory_space<vmem>>, vector<16xf32>,
        %get3A_752 = arith.index_cast %add3A_739 : i32 to index
        %get3A_753 = arith.constant 16 : index
        %get3A_754 = tpu.vector_load %arg12[%get3A_752, %get3A_753] {strides = array<i32>} : memref<128x64xf32, #tpu.memory_space<vmem>>, vector<16xf32>,
        %reshape3A_755 = vector.shape_cast %xor3A_8 : vector<16xi32> to vector<16x1xi32>
        %gather3A_756 = vector.shape_cast %reshape3A_755 : vector<16x1xi32> to vector<16xi32>
        %gather3A_757 = tpu.dynamic_gather %get3A_754[%gather3A_756] in [0] : vector<16xf32>, vector<16xi32> -> vector<16xf32>
        %mul3A_758 = arith.mulf %get3A_754, %get3A_479 : vector<16xf32>
        %mul3A_759 = arith.mulf %gather3A_757, %get3A_491 : vector<16xf32>
        %add3A_760 = arith.addf %mul3A_758, %mul3A_759 : vector<16xf32>
        %swap3A_761 = arith.index_cast %add3A_739 : i32 to index
        %swap3A_762 = arith.constant 16 : index
        %swap3A_763 = tpu.vector_load %arg14[%swap3A_761, %swap3A_762] {strides = array<i32>} : memref<128x64xf32, #tpu.memory_space<vmem>>, vector<16xf32>,
        tpu.vector_store %arg14[%swap3A_761, %swap3A_762], %add3A_760 {strides = array<i32>} : memref<128x64xf32, #tpu.memory_space<vmem>>, vector<16xf32>,
        %get3A_764 = arith.index_cast %add3A_739 : i32 to index
        %get3A_765 = arith.constant 32 : index
        %get3A_766 = tpu.vector_load %arg12[%get3A_764, %get3A_765] {strides = array<i32>} : memref<128x64xf32, #tpu.memory_space<vmem>>, vector<16xf32>,
        %reshape3A_767 = vector.shape_cast %xor3A_8 : vector<16xi32> to vector<16x1xi32>
        %gather3A_768 = vector.shape_cast %reshape3A_767 : vector<16x1xi32> to vector<16xi32>
        %gather3A_769 = tpu.dynamic_gather %get3A_766[%gather3A_768] in [0] : vector<16xf32>, vector<16xi32> -> vector<16xf32>
        %mul3A_770 = arith.mulf %get3A_766, %get3A_482 : vector<16xf32>
        %mul3A_771 = arith.mulf %gather3A_769, %get3A_494 : vector<16xf32>
        %add3A_772 = arith.addf %mul3A_770, %mul3A_771 : vector<16xf32>
        %swap3A_773 = arith.index_cast %add3A_739 : i32 to index
        %swap3A_774 = arith.constant 32 : index
        %swap3A_775 = tpu.vector_load %arg14[%swap3A_773, %swap3A_774] {strides = array<i32>} : memref<128x64xf32, #tpu.memory_space<vmem>>, vector<16xf32>,
        tpu.vector_store %arg14[%swap3A_773, %swap3A_774], %add3A_772 {strides = array<i32>} : memref<128x64xf32, #tpu.memory_space<vmem>>, vector<16xf32>,
        %get3A_776 = arith.index_cast %add3A_739 : i32 to index
        %get3A_777 = arith.constant 48 : index
        %get3A_778 = tpu.vector_load %arg12[%get3A_776, %get3A_777] {strides = array<i32>} : memref<128x64xf32, #tpu.memory_space<vmem>>, vector<16xf32>,
        %reshape3A_779 = vector.shape_cast %xor3A_8 : vector<16xi32> to vector<16x1xi32>
        %gather3A_780 = vector.shape_cast %reshape3A_779 : vector<16x1xi32> to vector<16xi32>
        %gather3A_781 = tpu.dynamic_gather %get3A_778[%gather3A_780] in [0] : vector<16xf32>, vector<16xi32> -> vector<16xf32>
        %mul3A_782 = arith.mulf %get3A_778, %get3A_485 : vector<16xf32>
        %mul3A_783 = arith.mulf %gather3A_781, %get3A_497 : vector<16xf32>
        %add3A_784 = arith.addf %mul3A_782, %mul3A_783 : vector<16xf32>
        %swap3A_785 = arith.index_cast %add3A_739 : i32 to index
        %swap3A_786 = arith.constant 48 : index
        %swap3A_787 = tpu.vector_load %arg14[%swap3A_785, %swap3A_786] {strides = array<i32>} : memref<128x64xf32, #tpu.memory_space<vmem>>, vector<16xf32>,
        tpu.vector_store %arg14[%swap3A_785, %swap3A_786], %add3A_784 {strides = array<i32>} : memref<128x64xf32, #tpu.memory_space<vmem>>, vector<16xf32>,
      }
      %scan3A_503 = arith.constant 32 : i32
      %rem3A_504 = arith.constant 4 : i32
      %rem3A_505 = arith.remsi %add3A_358, %rem3A_504 : i32
      %dma_start3A_506 = arith.constant 0 : i32
      %dma_start3A_507 = tpu.memref_slice %arg9[%rem3A_505, %dma_start3A_506] : memref<4x128xi32, #tpu.memory_space<vmem>> -> memref<1x128xi32, #tpu.memory_space<vmem>>
      %dma_start3A_508 = tpu.memref_squeeze %dma_start3A_507 : memref<1x128xi32, #tpu.memory_space<vmem>> -> memref<128xi32, #tpu.memory_space<vmem>>
      %dma_start3A_509 = arith.constant 0 : i32
      %dma_start3A_510 = arith.constant 0 : i32
      %dma_start3A_511 = tpu.memref_slice %arg6[%dma_start3A_509, %dma_start3A_510] : memref<204800x64xf32, #tpu.memory_space<hbm>> -> memref<204800x64xf32, #tpu.memory_space<hbm>>
      tpu.enqueue_indirect_dma source(%arg14 : memref<128x64xf32, #tpu.memory_space<vmem>>) target(%dma_start3A_511 : memref<204800x64xf32, #tpu.memory_space<hbm>>) offsets(%dma_start3A_508 : memref<128xi32, #tpu.memory_space<vmem>>) semaphore(%arg18 : memref<!tpu.dma_semaphore, #tpu.memory_space<semaphore_mem>>)
      %add3A_512 = arith.constant 2 : i32
      %add3A_513 = arith.addi %add3A_358, %add3A_512 : i32
      %lt3A = arith.constant 50 : i32
      %lt3A_514 = arith.cmpi slt, %add3A_513, %lt3A : i32
      %convert_element_type3A_515 = arith.extui %lt3A_514 : i1 to i32
      %cond3A_516 = arith.constant 0 : i32
      %cond3A_517 = arith.cmpi ne, %convert_element_type3A_515, %cond3A_516 : i32
      scf.if %cond3A_517 {
        %add3A_686 = arith.constant 2 : i32
        %add3A_687 = arith.addi %add3A_358, %add3A_686 : i32
        %rem3A_688 = arith.constant 4 : i32
        %rem3A_689 = arith.remsi %add3A_687, %rem3A_688 : i32
        %mul3A_690 = arith.constant 4 : i32
        %mul3A_691 = arith.muli %add3A_687, %mul3A_690 : i32
        %add3A_692 = arith.constant 0 : i32
        %add3A_693 = arith.addi %mul3A_691, %add3A_692 : i32
        %broadcast_in_dim3A_694 = vector.broadcast %add3A_693 : i32 to vector<16xi32>
        %add3A_695 = arith.constant 0 : i32
        %add3A_696 = vector.broadcast %add3A_695 : i32 to vector<16xi32>
        %add3A_697 = arith.addi %iota3A, %add3A_696 : vector<16xi32>
        %gather3A_698 = tpu.vector_load_idx %arg7[%add3A_697, %broadcast_in_dim3A_694] : memref<32x200xi32, #tpu.memory_space<vmem>>[vector<16xi32>, vector<16xi32>], vector<16xi32>,
        %swap3A_699 = arith.index_cast %rem3A_689 : i32 to index
        %swap3A_700 = arith.constant 0 : index
        %swap3A_701 = tpu.vector_load %arg8[%swap3A_699, %swap3A_700] {strides = array<i32>} : memref<4x128xi32, #tpu.memory_space<vmem>>, vector<16xi32>,
        tpu.vector_store %arg8[%swap3A_699, %swap3A_700], %gather3A_698 {strides = array<i32>} : memref<4x128xi32, #tpu.memory_space<vmem>>, vector<16xi32>,
        %mul3A_702 = arith.constant 200 : i32
        %mul3A_703 = vector.broadcast %mul3A_702 : i32 to vector<16xi32>
        %mul3A_704 = arith.muli %add3A_697, %mul3A_703 : vector<16xi32>
        %add3A_705 = vector.broadcast %mul3A_4 : i32 to vector<16xi32>
        %add3A_706 = arith.addi %add3A_705, %mul3A_704 : vector<16xi32>
        %add3A_707 = vector.broadcast %add3A_693 : i32 to vector<16xi32>
        %add3A_708 = arith.addi %add3A_706, %add3A_707 : vector<16xi32>
        %swap3A_709 = arith.index_cast %rem3A_689 : i32 to index
        %swap3A_710 = arith.constant 0 : index
        %swap3A_711 = tpu.vector_load %arg9[%swap3A_709, %swap3A_710] {strides = array<i32>} : memref<4x128xi32, #tpu.memory_space<vmem>>, vector<16xi32>,
        tpu.vector_store %arg9[%swap3A_709, %swap3A_710], %add3A_708 {strides = array<i32>} : memref<4x128xi32, #tpu.memory_space<vmem>>, vector<16xi32>,
        %add3A_712 = arith.constant 16 : i32
        %add3A_713 = vector.broadcast %add3A_712 : i32 to vector<16xi32>
        %add3A_714 = arith.addi %iota3A, %add3A_713 : vector<16xi32>
        %gather3A_715 = tpu.vector_load_idx %arg7[%add3A_714, %broadcast_in_dim3A_694] : memref<32x200xi32, #tpu.memory_space<vmem>>[vector<16xi32>, vector<16xi32>], vector<16xi32>,
        %swap3A_716 = arith.index_cast %rem3A_689 : i32 to index
        %swap3A_717 = arith.constant 16 : index
        %swap3A_718 = tpu.vector_load %arg8[%swap3A_716, %swap3A_717] {strides = array<i32>} : memref<4x128xi32, #tpu.memory_space<vmem>>, vector<16xi32>,
        tpu.vector_store %arg8[%swap3A_716, %swap3A_717], %gather3A_715 {strides = array<i32>} : memref<4x128xi32, #tpu.memory_space<vmem>>, vector<16xi32>,
        %mul3A_719 = arith.constant 200 : i32
        %mul3A_720 = vector.broadcast %mul3A_719 : i32 to vector<16xi32>
        %mul3A_721 = arith.muli %add3A_714, %mul3A_720 : vector<16xi32>
        %add3A_722 = vector.broadcast %mul3A_4 : i32 to vector<16xi32>
        %add3A_723 = arith.addi %add3A_722, %mul3A_721 : vector<16xi32>
        %add3A_724 = vector.broadcast %add3A_693 : i32 to vector<16xi32>
        %add3A_725 = arith.addi %add3A_723, %add3A_724 : vector<16xi32>
        %swap3A_726 = arith.index_cast %rem3A_689 : i32 to index
        %swap3A_727 = arith.constant 16 : index
        %swap3A_728 = tpu.vector_load %arg9[%swap3A_726, %swap3A_727] {strides = array<i32>} : memref<4x128xi32, #tpu.memory_space<vmem>>, vector<16xi32>,
        tpu.vector_store %arg9[%swap3A_726, %swap3A_727], %add3A_725 {strides = array<i32>} : memref<4x128xi32, #tpu.memory_space<vmem>>, vector<16xi32>,
        %mul3A_729 = arith.constant 4 : i32
        %mul3A_730 = arith.muli %add3A_687, %mul3A_729 : i32
        %add3A_731 = arith.constant 1 : i32
        %add3A_732 = arith.addi %mul3A_730, %add3A_731 : i32
        %broadcast_in_dim3A_733 = vector.broadcast %add3A_732 : i32 to vector<16xi32>
        %add3A_734 = arith.constant 0 : i32
        %add3A_735 = vector.broadcast %add3A_734 : i32 to vector<16xi32>
        %add3A_736 = arith.addi %iota3A, %add3A_735 : vector<16xi32>
        %gather3A_737 = tpu.vector_load_idx %arg7[%add3A_736, %broadcast_in_dim3A_733] : memref<32x200xi32, #tpu.memory_space<vmem>>[vector<16xi32>, vector<16xi32>], vector<16xi32>,
        %swap3A_738 = arith.index_cast %rem3A_689 : i32 to index
        %swap3A_739 = arith.constant 32 : index
        %swap3A_740 = tpu.vector_load %arg8[%swap3A_738, %swap3A_739] {strides = array<i32>} : memref<4x128xi32, #tpu.memory_space<vmem>>, vector<16xi32>,
        tpu.vector_store %arg8[%swap3A_738, %swap3A_739], %gather3A_737 {strides = array<i32>} : memref<4x128xi32, #tpu.memory_space<vmem>>, vector<16xi32>,
        %mul3A_741 = arith.constant 200 : i32
        %mul3A_742 = vector.broadcast %mul3A_741 : i32 to vector<16xi32>
        %mul3A_743 = arith.muli %add3A_736, %mul3A_742 : vector<16xi32>
        %add3A_744 = vector.broadcast %mul3A_4 : i32 to vector<16xi32>
        %add3A_745 = arith.addi %add3A_744, %mul3A_743 : vector<16xi32>
        %add3A_746 = vector.broadcast %add3A_732 : i32 to vector<16xi32>
        %add3A_747 = arith.addi %add3A_745, %add3A_746 : vector<16xi32>
        %swap3A_748 = arith.index_cast %rem3A_689 : i32 to index
        %swap3A_749 = arith.constant 32 : index
        %swap3A_750 = tpu.vector_load %arg9[%swap3A_748, %swap3A_749] {strides = array<i32>} : memref<4x128xi32, #tpu.memory_space<vmem>>, vector<16xi32>,
        tpu.vector_store %arg9[%swap3A_748, %swap3A_749], %add3A_747 {strides = array<i32>} : memref<4x128xi32, #tpu.memory_space<vmem>>, vector<16xi32>,
        %add3A_751 = arith.constant 16 : i32
        %add3A_752 = vector.broadcast %add3A_751 : i32 to vector<16xi32>
        %add3A_753 = arith.addi %iota3A, %add3A_752 : vector<16xi32>
        %gather3A_754 = tpu.vector_load_idx %arg7[%add3A_753, %broadcast_in_dim3A_733] : memref<32x200xi32, #tpu.memory_space<vmem>>[vector<16xi32>, vector<16xi32>], vector<16xi32>,
        %swap3A_755 = arith.index_cast %rem3A_689 : i32 to index
        %swap3A_756 = arith.constant 48 : index
        %swap3A_757 = tpu.vector_load %arg8[%swap3A_755, %swap3A_756] {strides = array<i32>} : memref<4x128xi32, #tpu.memory_space<vmem>>, vector<16xi32>,
        tpu.vector_store %arg8[%swap3A_755, %swap3A_756], %gather3A_754 {strides = array<i32>} : memref<4x128xi32, #tpu.memory_space<vmem>>, vector<16xi32>,
        %mul3A_758 = arith.constant 200 : i32
        %mul3A_759 = vector.broadcast %mul3A_758 : i32 to vector<16xi32>
        %mul3A_760 = arith.muli %add3A_753, %mul3A_759 : vector<16xi32>
        %add3A_761 = vector.broadcast %mul3A_4 : i32 to vector<16xi32>
        %add3A_762 = arith.addi %add3A_761, %mul3A_760 : vector<16xi32>
        %add3A_763 = vector.broadcast %add3A_732 : i32 to vector<16xi32>
        %add3A_764 = arith.addi %add3A_762, %add3A_763 : vector<16xi32>
        %swap3A_765 = arith.index_cast %rem3A_689 : i32 to index
        %swap3A_766 = arith.constant 48 : index
        %swap3A_767 = tpu.vector_load %arg9[%swap3A_765, %swap3A_766] {strides = array<i32>} : memref<4x128xi32, #tpu.memory_space<vmem>>, vector<16xi32>,
        tpu.vector_store %arg9[%swap3A_765, %swap3A_766], %add3A_764 {strides = array<i32>} : memref<4x128xi32, #tpu.memory_space<vmem>>, vector<16xi32>,
        %mul3A_768 = arith.constant 4 : i32
        %mul3A_769 = arith.muli %add3A_687, %mul3A_768 : i32
        %add3A_770 = arith.constant 2 : i32
        %add3A_771 = arith.addi %mul3A_769, %add3A_770 : i32
        %broadcast_in_dim3A_772 = vector.broadcast %add3A_771 : i32 to vector<16xi32>
        %add3A_773 = arith.constant 0 : i32
        %add3A_774 = vector.broadcast %add3A_773 : i32 to vector<16xi32>
        %add3A_775 = arith.addi %iota3A, %add3A_774 : vector<16xi32>
        %gather3A_776 = tpu.vector_load_idx %arg7[%add3A_775, %broadcast_in_dim3A_772] : memref<32x200xi32, #tpu.memory_space<vmem>>[vector<16xi32>, vector<16xi32>], vector<16xi32>,
        %swap3A_777 = arith.index_cast %rem3A_689 : i32 to index
        %swap3A_778 = arith.constant 64 : index
        %swap3A_779 = tpu.vector_load %arg8[%swap3A_777, %swap3A_778] {strides = array<i32>} : memref<4x128xi32, #tpu.memory_space<vmem>>, vector<16xi32>,
        tpu.vector_store %arg8[%swap3A_777, %swap3A_778], %gather3A_776 {strides = array<i32>} : memref<4x128xi32, #tpu.memory_space<vmem>>, vector<16xi32>,
        %mul3A_780 = arith.constant 200 : i32
        %mul3A_781 = vector.broadcast %mul3A_780 : i32 to vector<16xi32>
        %mul3A_782 = arith.muli %add3A_775, %mul3A_781 : vector<16xi32>
        %add3A_783 = vector.broadcast %mul3A_4 : i32 to vector<16xi32>
        %add3A_784 = arith.addi %add3A_783, %mul3A_782 : vector<16xi32>
        %add3A_785 = vector.broadcast %add3A_771 : i32 to vector<16xi32>
        %add3A_786 = arith.addi %add3A_784, %add3A_785 : vector<16xi32>
        %swap3A_787 = arith.index_cast %rem3A_689 : i32 to index
        %swap3A_788 = arith.constant 64 : index
        %swap3A_789 = tpu.vector_load %arg9[%swap3A_787, %swap3A_788] {strides = array<i32>} : memref<4x128xi32, #tpu.memory_space<vmem>>, vector<16xi32>,
        tpu.vector_store %arg9[%swap3A_787, %swap3A_788], %add3A_786 {strides = array<i32>} : memref<4x128xi32, #tpu.memory_space<vmem>>, vector<16xi32>,
        %add3A_790 = arith.constant 16 : i32
        %add3A_791 = vector.broadcast %add3A_790 : i32 to vector<16xi32>
        %add3A_792 = arith.addi %iota3A, %add3A_791 : vector<16xi32>
        %gather3A_793 = tpu.vector_load_idx %arg7[%add3A_792, %broadcast_in_dim3A_772] : memref<32x200xi32, #tpu.memory_space<vmem>>[vector<16xi32>, vector<16xi32>], vector<16xi32>,
        %swap3A_794 = arith.index_cast %rem3A_689 : i32 to index
        %swap3A_795 = arith.constant 80 : index
        %swap3A_796 = tpu.vector_load %arg8[%swap3A_794, %swap3A_795] {strides = array<i32>} : memref<4x128xi32, #tpu.memory_space<vmem>>, vector<16xi32>,
        tpu.vector_store %arg8[%swap3A_794, %swap3A_795], %gather3A_793 {strides = array<i32>} : memref<4x128xi32, #tpu.memory_space<vmem>>, vector<16xi32>,
        %mul3A_797 = arith.constant 200 : i32
        %mul3A_798 = vector.broadcast %mul3A_797 : i32 to vector<16xi32>
        %mul3A_799 = arith.muli %add3A_792, %mul3A_798 : vector<16xi32>
        %add3A_800 = vector.broadcast %mul3A_4 : i32 to vector<16xi32>
        %add3A_801 = arith.addi %add3A_800, %mul3A_799 : vector<16xi32>
        %add3A_802 = vector.broadcast %add3A_771 : i32 to vector<16xi32>
        %add3A_803 = arith.addi %add3A_801, %add3A_802 : vector<16xi32>
        %swap3A_804 = arith.index_cast %rem3A_689 : i32 to index
        %swap3A_805 = arith.constant 80 : index
        %swap3A_806 = tpu.vector_load %arg9[%swap3A_804, %swap3A_805] {strides = array<i32>} : memref<4x128xi32, #tpu.memory_space<vmem>>, vector<16xi32>,
        tpu.vector_store %arg9[%swap3A_804, %swap3A_805], %add3A_803 {strides = array<i32>} : memref<4x128xi32, #tpu.memory_space<vmem>>, vector<16xi32>,
        %mul3A_807 = arith.constant 4 : i32
        %mul3A_808 = arith.muli %add3A_687, %mul3A_807 : i32
        %add3A_809 = arith.constant 3 : i32
        %add3A_810 = arith.addi %mul3A_808, %add3A_809 : i32
        %broadcast_in_dim3A_811 = vector.broadcast %add3A_810 : i32 to vector<16xi32>
        %add3A_812 = arith.constant 0 : i32
        %add3A_813 = vector.broadcast %add3A_812 : i32 to vector<16xi32>
        %add3A_814 = arith.addi %iota3A, %add3A_813 : vector<16xi32>
        %gather3A_815 = tpu.vector_load_idx %arg7[%add3A_814, %broadcast_in_dim3A_811] : memref<32x200xi32, #tpu.memory_space<vmem>>[vector<16xi32>, vector<16xi32>], vector<16xi32>,
        %swap3A_816 = arith.index_cast %rem3A_689 : i32 to index
        %swap3A_817 = arith.constant 96 : index
        %swap3A_818 = tpu.vector_load %arg8[%swap3A_816, %swap3A_817] {strides = array<i32>} : memref<4x128xi32, #tpu.memory_space<vmem>>, vector<16xi32>,
        tpu.vector_store %arg8[%swap3A_816, %swap3A_817], %gather3A_815 {strides = array<i32>} : memref<4x128xi32, #tpu.memory_space<vmem>>, vector<16xi32>,
        %mul3A_819 = arith.constant 200 : i32
        %mul3A_820 = vector.broadcast %mul3A_819 : i32 to vector<16xi32>
        %mul3A_821 = arith.muli %add3A_814, %mul3A_820 : vector<16xi32>
        %add3A_822 = vector.broadcast %mul3A_4 : i32 to vector<16xi32>
        %add3A_823 = arith.addi %add3A_822, %mul3A_821 : vector<16xi32>
        %add3A_824 = vector.broadcast %add3A_810 : i32 to vector<16xi32>
        %add3A_825 = arith.addi %add3A_823, %add3A_824 : vector<16xi32>
        %swap3A_826 = arith.index_cast %rem3A_689 : i32 to index
        %swap3A_827 = arith.constant 96 : index
        %swap3A_828 = tpu.vector_load %arg9[%swap3A_826, %swap3A_827] {strides = array<i32>} : memref<4x128xi32, #tpu.memory_space<vmem>>, vector<16xi32>,
        tpu.vector_store %arg9[%swap3A_826, %swap3A_827], %add3A_825 {strides = array<i32>} : memref<4x128xi32, #tpu.memory_space<vmem>>, vector<16xi32>,
        %add3A_829 = arith.constant 16 : i32
        %add3A_830 = vector.broadcast %add3A_829 : i32 to vector<16xi32>
        %add3A_831 = arith.addi %iota3A, %add3A_830 : vector<16xi32>
        %gather3A_832 = tpu.vector_load_idx %arg7[%add3A_831, %broadcast_in_dim3A_811] : memref<32x200xi32, #tpu.memory_space<vmem>>[vector<16xi32>, vector<16xi32>], vector<16xi32>,
        %swap3A_833 = arith.index_cast %rem3A_689 : i32 to index
        %swap3A_834 = arith.constant 112 : index
        %swap3A_835 = tpu.vector_load %arg8[%swap3A_833, %swap3A_834] {strides = array<i32>} : memref<4x128xi32, #tpu.memory_space<vmem>>, vector<16xi32>,
        tpu.vector_store %arg8[%swap3A_833, %swap3A_834], %gather3A_832 {strides = array<i32>} : memref<4x128xi32, #tpu.memory_space<vmem>>, vector<16xi32>,
        %mul3A_836 = arith.constant 200 : i32
        %mul3A_837 = vector.broadcast %mul3A_836 : i32 to vector<16xi32>
        %mul3A_838 = arith.muli %add3A_831, %mul3A_837 : vector<16xi32>
        %add3A_839 = vector.broadcast %mul3A_4 : i32 to vector<16xi32>
        %add3A_840 = arith.addi %add3A_839, %mul3A_838 : vector<16xi32>
        %add3A_841 = vector.broadcast %add3A_810 : i32 to vector<16xi32>
        %add3A_842 = arith.addi %add3A_840, %add3A_841 : vector<16xi32>
        %swap3A_843 = arith.index_cast %rem3A_689 : i32 to index
        %swap3A_844 = arith.constant 112 : index
        %swap3A_845 = tpu.vector_load %arg9[%swap3A_843, %swap3A_844] {strides = array<i32>} : memref<4x128xi32, #tpu.memory_space<vmem>>, vector<16xi32>,
        tpu.vector_store %arg9[%swap3A_843, %swap3A_844], %add3A_842 {strides = array<i32>} : memref<4x128xi32, #tpu.memory_space<vmem>>, vector<16xi32>,
        %add3A_846 = arith.constant 2 : i32
        %add3A_847 = arith.addi %add3A_358, %add3A_846 : i32
        %rem3A_848 = arith.constant 4 : i32
        %rem3A_849 = arith.remsi %add3A_847, %rem3A_848 : i32
        %dma_start3A_850 = arith.constant 0 : i32
        %dma_start3A_851 = tpu.memref_slice %arg8[%rem3A_849, %dma_start3A_850] : memref<4x128xi32, #tpu.memory_space<vmem>> -> memref<1x128xi32, #tpu.memory_space<vmem>>
        %dma_start3A_852 = tpu.memref_squeeze %dma_start3A_851 : memref<1x128xi32, #tpu.memory_space<vmem>> -> memref<128xi32, #tpu.memory_space<vmem>>
        %dma_start3A_853 = arith.constant 0 : i32
        %dma_start3A_854 = arith.constant 0 : i32
        %dma_start3A_855 = tpu.memref_slice %arg5[%dma_start3A_853, %dma_start3A_854] : memref<1000000x64xf32, #tpu.memory_space<hbm>> -> memref<1000000x64xf32, #tpu.memory_space<hbm>>
        tpu.enqueue_indirect_dma source(%dma_start3A_855 : memref<1000000x64xf32, #tpu.memory_space<hbm>>) target(%arg12 : memref<128x64xf32, #tpu.memory_space<vmem>>) offsets(%dma_start3A_852 : memref<128xi32, #tpu.memory_space<vmem>>) semaphore(%arg16 : memref<!tpu.dma_semaphore, #tpu.memory_space<semaphore_mem>>)
      } else {
      }
      %mul3A_518 = arith.constant 2 : i32
      %mul3A_519 = arith.muli %scan3A_354, %mul3A_518 : i32
      %add3A_520 = arith.constant 1 : i32
      %add3A_521 = arith.addi %mul3A_519, %add3A_520 : i32
      %rem3A_522 = arith.constant 4 : i32
      %rem3A_523 = arith.remsi %add3A_521, %rem3A_522 : i32
      %dma_wait3A_524 = arith.constant 0 : i32
      %dma_wait3A_525 = tpu.memref_slice %arg8[%rem3A_523, %dma_wait3A_524] : memref<4x128xi32, #tpu.memory_space<vmem>> -> memref<1x128xi32, #tpu.memory_space<vmem>>
      %dma_wait3A_526 = tpu.memref_squeeze %dma_wait3A_525 : memref<1x128xi32, #tpu.memory_space<vmem>> -> memref<128xi32, #tpu.memory_space<vmem>>
      %dma_wait3A_527 = arith.constant 0 : i32
      %dma_wait3A_528 = arith.constant 0 : i32
      %dma_wait3A_529 = tpu.memref_slice %arg5[%dma_wait3A_527, %dma_wait3A_528] : memref<1000000x64xf32, #tpu.memory_space<hbm>> -> memref<1000000x64xf32, #tpu.memory_space<hbm>>
      tpu.wait_indirect_dma semaphore(%arg17 : memref<!tpu.dma_semaphore, #tpu.memory_space<semaphore_mem>>) src(%dma_wait3A_529 : memref<1000000x64xf32, #tpu.memory_space<hbm>>) dst(%arg13 : memref<128x64xf32, #tpu.memory_space<vmem>>)
      %ge3A_530 = arith.constant 1 : i32
      %ge3A_531 = arith.cmpi sge, %scan3A_354, %ge3A_530 : i32
      %convert_element_type3A_532 = arith.extui %ge3A_531 : i1 to i32
      %cond3A_533 = arith.constant 0 : i32
      %cond3A_534 = arith.cmpi ne, %convert_element_type3A_532, %cond3A_533 : i32
      scf.if %cond3A_534 {
        %sub3A = arith.constant 2 : i32
        %sub3A_686 = arith.subi %add3A_521, %sub3A : i32
        %rem3A_687 = arith.constant 4 : i32
        %rem3A_688 = arith.remsi %sub3A_686, %rem3A_687 : i32
        %dma_wait3A_689 = arith.constant 0 : i32
        %dma_wait3A_690 = tpu.memref_slice %arg9[%rem3A_688, %dma_wait3A_689] : memref<4x128xi32, #tpu.memory_space<vmem>> -> memref<1x128xi32, #tpu.memory_space<vmem>>
        %dma_wait3A_691 = tpu.memref_squeeze %dma_wait3A_690 : memref<1x128xi32, #tpu.memory_space<vmem>> -> memref<128xi32, #tpu.memory_space<vmem>>
        %dma_wait3A_692 = arith.constant 0 : i32
        %dma_wait3A_693 = arith.constant 0 : i32
        %dma_wait3A_694 = tpu.memref_slice %arg6[%dma_wait3A_692, %dma_wait3A_693] : memref<204800x64xf32, #tpu.memory_space<hbm>> -> memref<204800x64xf32, #tpu.memory_space<hbm>>
        tpu.wait_indirect_dma semaphore(%arg19 : memref<!tpu.dma_semaphore, #tpu.memory_space<semaphore_mem>>) src(%arg15 : memref<128x64xf32, #tpu.memory_space<vmem>>) dst(%dma_wait3A_694 : memref<204800x64xf32, #tpu.memory_space<hbm>>)
      } else {
      }
      %mul3A_535 = arith.constant 4 : i32
      %mul3A_536 = arith.muli %add3A_521, %mul3A_535 : i32
      %add3A_537 = arith.constant 0 : i32
      %add3A_538 = arith.addi %mul3A_536, %add3A_537 : i32
      %get3A_539 = arith.index_cast %add3A_538 : i32 to index
      %get3A_540 = arith.constant 0 : index
      %get3A_541 = tpu.vector_load %arg10[%get3A_539, %get3A_540] {strides = array<i32>} : memref<200x64xf32, #tpu.memory_space<vmem>>, vector<16xf32>,
      %get3A_542 = arith.index_cast %add3A_538 : i32 to index
      %get3A_543 = arith.constant 16 : index
      %get3A_544 = tpu.vector_load %arg10[%get3A_542, %get3A_543] {strides = array<i32>} : memref<200x64xf32, #tpu.memory_space<vmem>>, vector<16xf32>,
      %get3A_545 = arith.index_cast %add3A_538 : i32 to index
      %get3A_546 = arith.constant 32 : index
      %get3A_547 = tpu.vector_load %arg10[%get3A_545, %get3A_546] {strides = array<i32>} : memref<200x64xf32, #tpu.memory_space<vmem>>, vector<16xf32>,
      %get3A_548 = arith.index_cast %add3A_538 : i32 to index
      %get3A_549 = arith.constant 48 : index
      %get3A_550 = tpu.vector_load %arg10[%get3A_548, %get3A_549] {strides = array<i32>} : memref<200x64xf32, #tpu.memory_space<vmem>>, vector<16xf32>,
      %get3A_551 = arith.index_cast %add3A_538 : i32 to index
      %get3A_552 = arith.constant 0 : index
      %get3A_553 = tpu.vector_load %arg11[%get3A_551, %get3A_552] {strides = array<i32>} : memref<200x64xf32, #tpu.memory_space<vmem>>, vector<16xf32>,
      %get3A_554 = arith.index_cast %add3A_538 : i32 to index
      %get3A_555 = arith.constant 16 : index
      %get3A_556 = tpu.vector_load %arg11[%get3A_554, %get3A_555] {strides = array<i32>} : memref<200x64xf32, #tpu.memory_space<vmem>>, vector<16xf32>,
      %get3A_557 = arith.index_cast %add3A_538 : i32 to index
      %get3A_558 = arith.constant 32 : index
      %get3A_559 = tpu.vector_load %arg11[%get3A_557, %get3A_558] {strides = array<i32>} : memref<200x64xf32, #tpu.memory_space<vmem>>, vector<16xf32>,
      %get3A_560 = arith.index_cast %add3A_538 : i32 to index
      %get3A_561 = arith.constant 48 : index
      %get3A_562 = tpu.vector_load %arg11[%get3A_560, %get3A_561] {strides = array<i32>} : memref<200x64xf32, #tpu.memory_space<vmem>>, vector<16xf32>,
      %scan3A_563 = arith.constant 0 : i32
      %scan3A_564 = arith.constant 0 : i32
      %scan3A_565 = arith.constant 32 : i32
      %scan3A_566 = arith.addi %scan3A_564, %scan3A_565 : i32
      %scan3A_567 = arith.constant 2 : i32
      scf.for %scan3A_686 = %scan3A_564 to %scan3A_566 step %scan3A_567  : i32 {
        %add3A_687 = arith.constant 0 : i32
        %add3A_688 = arith.addi %add3A_687, %scan3A_686 : i32
        %get3A_689 = arith.index_cast %add3A_688 : i32 to index
        %get3A_690 = arith.constant 0 : index
        %get3A_691 = tpu.vector_load %arg13[%get3A_689, %get3A_690] {strides = array<i32>} : memref<128x64xf32, #tpu.memory_space<vmem>>, vector<16xf32>,
        %reshape3A = vector.shape_cast %xor3A_8 : vector<16xi32> to vector<16x1xi32>
        %gather3A_692 = vector.shape_cast %reshape3A : vector<16x1xi32> to vector<16xi32>
        %gather3A_693 = tpu.dynamic_gather %get3A_691[%gather3A_692] in [0] : vector<16xf32>, vector<16xi32> -> vector<16xf32>
        %mul3A_694 = arith.mulf %get3A_691, %get3A_541 : vector<16xf32>
        %mul3A_695 = arith.mulf %gather3A_693, %get3A_553 : vector<16xf32>
        %add3A_696 = arith.addf %mul3A_694, %mul3A_695 : vector<16xf32>
        %swap3A_697 = arith.index_cast %add3A_688 : i32 to index
        %swap3A_698 = arith.constant 0 : index
        %swap3A_699 = tpu.vector_load %arg15[%swap3A_697, %swap3A_698] {strides = array<i32>} : memref<128x64xf32, #tpu.memory_space<vmem>>, vector<16xf32>,
        tpu.vector_store %arg15[%swap3A_697, %swap3A_698], %add3A_696 {strides = array<i32>} : memref<128x64xf32, #tpu.memory_space<vmem>>, vector<16xf32>,
        %get3A_700 = arith.index_cast %add3A_688 : i32 to index
        %get3A_701 = arith.constant 16 : index
        %get3A_702 = tpu.vector_load %arg13[%get3A_700, %get3A_701] {strides = array<i32>} : memref<128x64xf32, #tpu.memory_space<vmem>>, vector<16xf32>,
        %reshape3A_703 = vector.shape_cast %xor3A_8 : vector<16xi32> to vector<16x1xi32>
        %gather3A_704 = vector.shape_cast %reshape3A_703 : vector<16x1xi32> to vector<16xi32>
        %gather3A_705 = tpu.dynamic_gather %get3A_702[%gather3A_704] in [0] : vector<16xf32>, vector<16xi32> -> vector<16xf32>
        %mul3A_706 = arith.mulf %get3A_702, %get3A_544 : vector<16xf32>
        %mul3A_707 = arith.mulf %gather3A_705, %get3A_556 : vector<16xf32>
        %add3A_708 = arith.addf %mul3A_706, %mul3A_707 : vector<16xf32>
        %swap3A_709 = arith.index_cast %add3A_688 : i32 to index
        %swap3A_710 = arith.constant 16 : index
        %swap3A_711 = tpu.vector_load %arg15[%swap3A_709, %swap3A_710] {strides = array<i32>} : memref<128x64xf32, #tpu.memory_space<vmem>>, vector<16xf32>,
        tpu.vector_store %arg15[%swap3A_709, %swap3A_710], %add3A_708 {strides = array<i32>} : memref<128x64xf32, #tpu.memory_space<vmem>>, vector<16xf32>,
        %get3A_712 = arith.index_cast %add3A_688 : i32 to index
        %get3A_713 = arith.constant 32 : index
        %get3A_714 = tpu.vector_load %arg13[%get3A_712, %get3A_713] {strides = array<i32>} : memref<128x64xf32, #tpu.memory_space<vmem>>, vector<16xf32>,
        %reshape3A_715 = vector.shape_cast %xor3A_8 : vector<16xi32> to vector<16x1xi32>
        %gather3A_716 = vector.shape_cast %reshape3A_715 : vector<16x1xi32> to vector<16xi32>
        %gather3A_717 = tpu.dynamic_gather %get3A_714[%gather3A_716] in [0] : vector<16xf32>, vector<16xi32> -> vector<16xf32>
        %mul3A_718 = arith.mulf %get3A_714, %get3A_547 : vector<16xf32>
        %mul3A_719 = arith.mulf %gather3A_717, %get3A_559 : vector<16xf32>
        %add3A_720 = arith.addf %mul3A_718, %mul3A_719 : vector<16xf32>
        %swap3A_721 = arith.index_cast %add3A_688 : i32 to index
        %swap3A_722 = arith.constant 32 : index
        %swap3A_723 = tpu.vector_load %arg15[%swap3A_721, %swap3A_722] {strides = array<i32>} : memref<128x64xf32, #tpu.memory_space<vmem>>, vector<16xf32>,
        tpu.vector_store %arg15[%swap3A_721, %swap3A_722], %add3A_720 {strides = array<i32>} : memref<128x64xf32, #tpu.memory_space<vmem>>, vector<16xf32>,
        %get3A_724 = arith.index_cast %add3A_688 : i32 to index
        %get3A_725 = arith.constant 48 : index
        %get3A_726 = tpu.vector_load %arg13[%get3A_724, %get3A_725] {strides = array<i32>} : memref<128x64xf32, #tpu.memory_space<vmem>>, vector<16xf32>,
        %reshape3A_727 = vector.shape_cast %xor3A_8 : vector<16xi32> to vector<16x1xi32>
        %gather3A_728 = vector.shape_cast %reshape3A_727 : vector<16x1xi32> to vector<16xi32>
        %gather3A_729 = tpu.dynamic_gather %get3A_726[%gather3A_728] in [0] : vector<16xf32>, vector<16xi32> -> vector<16xf32>
        %mul3A_730 = arith.mulf %get3A_726, %get3A_550 : vector<16xf32>
        %mul3A_731 = arith.mulf %gather3A_729, %get3A_562 : vector<16xf32>
        %add3A_732 = arith.addf %mul3A_730, %mul3A_731 : vector<16xf32>
        %swap3A_733 = arith.index_cast %add3A_688 : i32 to index
        %swap3A_734 = arith.constant 48 : index
        %swap3A_735 = tpu.vector_load %arg15[%swap3A_733, %swap3A_734] {strides = array<i32>} : memref<128x64xf32, #tpu.memory_space<vmem>>, vector<16xf32>,
        tpu.vector_store %arg15[%swap3A_733, %swap3A_734], %add3A_732 {strides = array<i32>} : memref<128x64xf32, #tpu.memory_space<vmem>>, vector<16xf32>,
        %scan3A_736 = arith.constant 1 : i32
        %scan3A_737 = arith.addi %scan3A_686, %scan3A_736 : i32
        %add3A_738 = arith.constant 0 : i32
        %add3A_739 = arith.addi %add3A_738, %scan3A_737 : i32
        %get3A_740 = arith.index_cast %add3A_739 : i32 to index
        %get3A_741 = arith.constant 0 : index
        %get3A_742 = tpu.vector_load %arg13[%get3A_740, %get3A_741] {strides = array<i32>} : memref<128x64xf32, #tpu.memory_space<vmem>>, vector<16xf32>,
        %reshape3A_743 = vector.shape_cast %xor3A_8 : vector<16xi32> to vector<16x1xi32>
        %gather3A_744 = vector.shape_cast %reshape3A_743 : vector<16x1xi32> to vector<16xi32>
        %gather3A_745 = tpu.dynamic_gather %get3A_742[%gather3A_744] in [0] : vector<16xf32>, vector<16xi32> -> vector<16xf32>
        %mul3A_746 = arith.mulf %get3A_742, %get3A_541 : vector<16xf32>
        %mul3A_747 = arith.mulf %gather3A_745, %get3A_553 : vector<16xf32>
        %add3A_748 = arith.addf %mul3A_746, %mul3A_747 : vector<16xf32>
        %swap3A_749 = arith.index_cast %add3A_739 : i32 to index
        %swap3A_750 = arith.constant 0 : index
        %swap3A_751 = tpu.vector_load %arg15[%swap3A_749, %swap3A_750] {strides = array<i32>} : memref<128x64xf32, #tpu.memory_space<vmem>>, vector<16xf32>,
        tpu.vector_store %arg15[%swap3A_749, %swap3A_750], %add3A_748 {strides = array<i32>} : memref<128x64xf32, #tpu.memory_space<vmem>>, vector<16xf32>,
        %get3A_752 = arith.index_cast %add3A_739 : i32 to index
        %get3A_753 = arith.constant 16 : index
        %get3A_754 = tpu.vector_load %arg13[%get3A_752, %get3A_753] {strides = array<i32>} : memref<128x64xf32, #tpu.memory_space<vmem>>, vector<16xf32>,
        %reshape3A_755 = vector.shape_cast %xor3A_8 : vector<16xi32> to vector<16x1xi32>
        %gather3A_756 = vector.shape_cast %reshape3A_755 : vector<16x1xi32> to vector<16xi32>
        %gather3A_757 = tpu.dynamic_gather %get3A_754[%gather3A_756] in [0] : vector<16xf32>, vector<16xi32> -> vector<16xf32>
        %mul3A_758 = arith.mulf %get3A_754, %get3A_544 : vector<16xf32>
        %mul3A_759 = arith.mulf %gather3A_757, %get3A_556 : vector<16xf32>
        %add3A_760 = arith.addf %mul3A_758, %mul3A_759 : vector<16xf32>
        %swap3A_761 = arith.index_cast %add3A_739 : i32 to index
        %swap3A_762 = arith.constant 16 : index
        %swap3A_763 = tpu.vector_load %arg15[%swap3A_761, %swap3A_762] {strides = array<i32>} : memref<128x64xf32, #tpu.memory_space<vmem>>, vector<16xf32>,
        tpu.vector_store %arg15[%swap3A_761, %swap3A_762], %add3A_760 {strides = array<i32>} : memref<128x64xf32, #tpu.memory_space<vmem>>, vector<16xf32>,
        %get3A_764 = arith.index_cast %add3A_739 : i32 to index
        %get3A_765 = arith.constant 32 : index
        %get3A_766 = tpu.vector_load %arg13[%get3A_764, %get3A_765] {strides = array<i32>} : memref<128x64xf32, #tpu.memory_space<vmem>>, vector<16xf32>,
        %reshape3A_767 = vector.shape_cast %xor3A_8 : vector<16xi32> to vector<16x1xi32>
        %gather3A_768 = vector.shape_cast %reshape3A_767 : vector<16x1xi32> to vector<16xi32>
        %gather3A_769 = tpu.dynamic_gather %get3A_766[%gather3A_768] in [0] : vector<16xf32>, vector<16xi32> -> vector<16xf32>
        %mul3A_770 = arith.mulf %get3A_766, %get3A_547 : vector<16xf32>
        %mul3A_771 = arith.mulf %gather3A_769, %get3A_559 : vector<16xf32>
        %add3A_772 = arith.addf %mul3A_770, %mul3A_771 : vector<16xf32>
        %swap3A_773 = arith.index_cast %add3A_739 : i32 to index
        %swap3A_774 = arith.constant 32 : index
        %swap3A_775 = tpu.vector_load %arg15[%swap3A_773, %swap3A_774] {strides = array<i32>} : memref<128x64xf32, #tpu.memory_space<vmem>>, vector<16xf32>,
        tpu.vector_store %arg15[%swap3A_773, %swap3A_774], %add3A_772 {strides = array<i32>} : memref<128x64xf32, #tpu.memory_space<vmem>>, vector<16xf32>,
        %get3A_776 = arith.index_cast %add3A_739 : i32 to index
        %get3A_777 = arith.constant 48 : index
        %get3A_778 = tpu.vector_load %arg13[%get3A_776, %get3A_777] {strides = array<i32>} : memref<128x64xf32, #tpu.memory_space<vmem>>, vector<16xf32>,
        %reshape3A_779 = vector.shape_cast %xor3A_8 : vector<16xi32> to vector<16x1xi32>
        %gather3A_780 = vector.shape_cast %reshape3A_779 : vector<16x1xi32> to vector<16xi32>
        %gather3A_781 = tpu.dynamic_gather %get3A_778[%gather3A_780] in [0] : vector<16xf32>, vector<16xi32> -> vector<16xf32>
        %mul3A_782 = arith.mulf %get3A_778, %get3A_550 : vector<16xf32>
        %mul3A_783 = arith.mulf %gather3A_781, %get3A_562 : vector<16xf32>
        %add3A_784 = arith.addf %mul3A_782, %mul3A_783 : vector<16xf32>
        %swap3A_785 = arith.index_cast %add3A_739 : i32 to index
        %swap3A_786 = arith.constant 48 : index
        %swap3A_787 = tpu.vector_load %arg15[%swap3A_785, %swap3A_786] {strides = array<i32>} : memref<128x64xf32, #tpu.memory_space<vmem>>, vector<16xf32>,
        tpu.vector_store %arg15[%swap3A_785, %swap3A_786], %add3A_784 {strides = array<i32>} : memref<128x64xf32, #tpu.memory_space<vmem>>, vector<16xf32>,
      }
      %scan3A_568 = arith.constant 32 : i32
      %mul3A_569 = arith.constant 4 : i32
      %mul3A_570 = arith.muli %add3A_521, %mul3A_569 : i32
      %add3A_571 = arith.constant 1 : i32
      %add3A_572 = arith.addi %mul3A_570, %add3A_571 : i32
      %get3A_573 = arith.index_cast %add3A_572 : i32 to index
      %get3A_574 = arith.constant 0 : index
      %get3A_575 = tpu.vector_load %arg10[%get3A_573, %get3A_574] {strides = array<i32>} : memref<200x64xf32, #tpu.memory_space<vmem>>, vector<16xf32>,
      %get3A_576 = arith.index_cast %add3A_572 : i32 to index
      %get3A_577 = arith.constant 16 : index
      %get3A_578 = tpu.vector_load %arg10[%get3A_576, %get3A_577] {strides = array<i32>} : memref<200x64xf32, #tpu.memory_space<vmem>>, vector<16xf32>,
      %get3A_579 = arith.index_cast %add3A_572 : i32 to index
      %get3A_580 = arith.constant 32 : index
      %get3A_581 = tpu.vector_load %arg10[%get3A_579, %get3A_580] {strides = array<i32>} : memref<200x64xf32, #tpu.memory_space<vmem>>, vector<16xf32>,
      %get3A_582 = arith.index_cast %add3A_572 : i32 to index
      %get3A_583 = arith.constant 48 : index
      %get3A_584 = tpu.vector_load %arg10[%get3A_582, %get3A_583] {strides = array<i32>} : memref<200x64xf32, #tpu.memory_space<vmem>>, vector<16xf32>,
      %get3A_585 = arith.index_cast %add3A_572 : i32 to index
      %get3A_586 = arith.constant 0 : index
      %get3A_587 = tpu.vector_load %arg11[%get3A_585, %get3A_586] {strides = array<i32>} : memref<200x64xf32, #tpu.memory_space<vmem>>, vector<16xf32>,
      %get3A_588 = arith.index_cast %add3A_572 : i32 to index
      %get3A_589 = arith.constant 16 : index
      %get3A_590 = tpu.vector_load %arg11[%get3A_588, %get3A_589] {strides = array<i32>} : memref<200x64xf32, #tpu.memory_space<vmem>>, vector<16xf32>,
      %get3A_591 = arith.index_cast %add3A_572 : i32 to index
      %get3A_592 = arith.constant 32 : index
      %get3A_593 = tpu.vector_load %arg11[%get3A_591, %get3A_592] {strides = array<i32>} : memref<200x64xf32, #tpu.memory_space<vmem>>, vector<16xf32>,
      %get3A_594 = arith.index_cast %add3A_572 : i32 to index
      %get3A_595 = arith.constant 48 : index
      %get3A_596 = tpu.vector_load %arg11[%get3A_594, %get3A_595] {strides = array<i32>} : memref<200x64xf32, #tpu.memory_space<vmem>>, vector<16xf32>,
      %scan3A_597 = arith.constant 0 : i32
      %scan3A_598 = arith.constant 0 : i32
      %scan3A_599 = arith.constant 32 : i32
      %scan3A_600 = arith.addi %scan3A_598, %scan3A_599 : i32
      %scan3A_601 = arith.constant 2 : i32
      scf.for %scan3A_686 = %scan3A_598 to %scan3A_600 step %scan3A_601  : i32 {
        %add3A_687 = arith.constant 32 : i32
        %add3A_688 = arith.addi %add3A_687, %scan3A_686 : i32
        %get3A_689 = arith.index_cast %add3A_688 : i32 to index
        %get3A_690 = arith.constant 0 : index
        %get3A_691 = tpu.vector_load %arg13[%get3A_689, %get3A_690] {strides = array<i32>} : memref<128x64xf32, #tpu.memory_space<vmem>>, vector<16xf32>,
        %reshape3A = vector.shape_cast %xor3A_8 : vector<16xi32> to vector<16x1xi32>
        %gather3A_692 = vector.shape_cast %reshape3A : vector<16x1xi32> to vector<16xi32>
        %gather3A_693 = tpu.dynamic_gather %get3A_691[%gather3A_692] in [0] : vector<16xf32>, vector<16xi32> -> vector<16xf32>
        %mul3A_694 = arith.mulf %get3A_691, %get3A_575 : vector<16xf32>
        %mul3A_695 = arith.mulf %gather3A_693, %get3A_587 : vector<16xf32>
        %add3A_696 = arith.addf %mul3A_694, %mul3A_695 : vector<16xf32>
        %swap3A_697 = arith.index_cast %add3A_688 : i32 to index
        %swap3A_698 = arith.constant 0 : index
        %swap3A_699 = tpu.vector_load %arg15[%swap3A_697, %swap3A_698] {strides = array<i32>} : memref<128x64xf32, #tpu.memory_space<vmem>>, vector<16xf32>,
        tpu.vector_store %arg15[%swap3A_697, %swap3A_698], %add3A_696 {strides = array<i32>} : memref<128x64xf32, #tpu.memory_space<vmem>>, vector<16xf32>,
        %get3A_700 = arith.index_cast %add3A_688 : i32 to index
        %get3A_701 = arith.constant 16 : index
        %get3A_702 = tpu.vector_load %arg13[%get3A_700, %get3A_701] {strides = array<i32>} : memref<128x64xf32, #tpu.memory_space<vmem>>, vector<16xf32>,
        %reshape3A_703 = vector.shape_cast %xor3A_8 : vector<16xi32> to vector<16x1xi32>
        %gather3A_704 = vector.shape_cast %reshape3A_703 : vector<16x1xi32> to vector<16xi32>
        %gather3A_705 = tpu.dynamic_gather %get3A_702[%gather3A_704] in [0] : vector<16xf32>, vector<16xi32> -> vector<16xf32>
        %mul3A_706 = arith.mulf %get3A_702, %get3A_578 : vector<16xf32>
        %mul3A_707 = arith.mulf %gather3A_705, %get3A_590 : vector<16xf32>
        %add3A_708 = arith.addf %mul3A_706, %mul3A_707 : vector<16xf32>
        %swap3A_709 = arith.index_cast %add3A_688 : i32 to index
        %swap3A_710 = arith.constant 16 : index
        %swap3A_711 = tpu.vector_load %arg15[%swap3A_709, %swap3A_710] {strides = array<i32>} : memref<128x64xf32, #tpu.memory_space<vmem>>, vector<16xf32>,
        tpu.vector_store %arg15[%swap3A_709, %swap3A_710], %add3A_708 {strides = array<i32>} : memref<128x64xf32, #tpu.memory_space<vmem>>, vector<16xf32>,
        %get3A_712 = arith.index_cast %add3A_688 : i32 to index
        %get3A_713 = arith.constant 32 : index
        %get3A_714 = tpu.vector_load %arg13[%get3A_712, %get3A_713] {strides = array<i32>} : memref<128x64xf32, #tpu.memory_space<vmem>>, vector<16xf32>,
        %reshape3A_715 = vector.shape_cast %xor3A_8 : vector<16xi32> to vector<16x1xi32>
        %gather3A_716 = vector.shape_cast %reshape3A_715 : vector<16x1xi32> to vector<16xi32>
        %gather3A_717 = tpu.dynamic_gather %get3A_714[%gather3A_716] in [0] : vector<16xf32>, vector<16xi32> -> vector<16xf32>
        %mul3A_718 = arith.mulf %get3A_714, %get3A_581 : vector<16xf32>
        %mul3A_719 = arith.mulf %gather3A_717, %get3A_593 : vector<16xf32>
        %add3A_720 = arith.addf %mul3A_718, %mul3A_719 : vector<16xf32>
        %swap3A_721 = arith.index_cast %add3A_688 : i32 to index
        %swap3A_722 = arith.constant 32 : index
        %swap3A_723 = tpu.vector_load %arg15[%swap3A_721, %swap3A_722] {strides = array<i32>} : memref<128x64xf32, #tpu.memory_space<vmem>>, vector<16xf32>,
        tpu.vector_store %arg15[%swap3A_721, %swap3A_722], %add3A_720 {strides = array<i32>} : memref<128x64xf32, #tpu.memory_space<vmem>>, vector<16xf32>,
        %get3A_724 = arith.index_cast %add3A_688 : i32 to index
        %get3A_725 = arith.constant 48 : index
        %get3A_726 = tpu.vector_load %arg13[%get3A_724, %get3A_725] {strides = array<i32>} : memref<128x64xf32, #tpu.memory_space<vmem>>, vector<16xf32>,
        %reshape3A_727 = vector.shape_cast %xor3A_8 : vector<16xi32> to vector<16x1xi32>
        %gather3A_728 = vector.shape_cast %reshape3A_727 : vector<16x1xi32> to vector<16xi32>
        %gather3A_729 = tpu.dynamic_gather %get3A_726[%gather3A_728] in [0] : vector<16xf32>, vector<16xi32> -> vector<16xf32>
        %mul3A_730 = arith.mulf %get3A_726, %get3A_584 : vector<16xf32>
        %mul3A_731 = arith.mulf %gather3A_729, %get3A_596 : vector<16xf32>
        %add3A_732 = arith.addf %mul3A_730, %mul3A_731 : vector<16xf32>
        %swap3A_733 = arith.index_cast %add3A_688 : i32 to index
        %swap3A_734 = arith.constant 48 : index
        %swap3A_735 = tpu.vector_load %arg15[%swap3A_733, %swap3A_734] {strides = array<i32>} : memref<128x64xf32, #tpu.memory_space<vmem>>, vector<16xf32>,
        tpu.vector_store %arg15[%swap3A_733, %swap3A_734], %add3A_732 {strides = array<i32>} : memref<128x64xf32, #tpu.memory_space<vmem>>, vector<16xf32>,
        %scan3A_736 = arith.constant 1 : i32
        %scan3A_737 = arith.addi %scan3A_686, %scan3A_736 : i32
        %add3A_738 = arith.constant 32 : i32
        %add3A_739 = arith.addi %add3A_738, %scan3A_737 : i32
        %get3A_740 = arith.index_cast %add3A_739 : i32 to index
        %get3A_741 = arith.constant 0 : index
        %get3A_742 = tpu.vector_load %arg13[%get3A_740, %get3A_741] {strides = array<i32>} : memref<128x64xf32, #tpu.memory_space<vmem>>, vector<16xf32>,
        %reshape3A_743 = vector.shape_cast %xor3A_8 : vector<16xi32> to vector<16x1xi32>
        %gather3A_744 = vector.shape_cast %reshape3A_743 : vector<16x1xi32> to vector<16xi32>
        %gather3A_745 = tpu.dynamic_gather %get3A_742[%gather3A_744] in [0] : vector<16xf32>, vector<16xi32> -> vector<16xf32>
        %mul3A_746 = arith.mulf %get3A_742, %get3A_575 : vector<16xf32>
        %mul3A_747 = arith.mulf %gather3A_745, %get3A_587 : vector<16xf32>
        %add3A_748 = arith.addf %mul3A_746, %mul3A_747 : vector<16xf32>
        %swap3A_749 = arith.index_cast %add3A_739 : i32 to index
        %swap3A_750 = arith.constant 0 : index
        %swap3A_751 = tpu.vector_load %arg15[%swap3A_749, %swap3A_750] {strides = array<i32>} : memref<128x64xf32, #tpu.memory_space<vmem>>, vector<16xf32>,
        tpu.vector_store %arg15[%swap3A_749, %swap3A_750], %add3A_748 {strides = array<i32>} : memref<128x64xf32, #tpu.memory_space<vmem>>, vector<16xf32>,
        %get3A_752 = arith.index_cast %add3A_739 : i32 to index
        %get3A_753 = arith.constant 16 : index
        %get3A_754 = tpu.vector_load %arg13[%get3A_752, %get3A_753] {strides = array<i32>} : memref<128x64xf32, #tpu.memory_space<vmem>>, vector<16xf32>,
        %reshape3A_755 = vector.shape_cast %xor3A_8 : vector<16xi32> to vector<16x1xi32>
        %gather3A_756 = vector.shape_cast %reshape3A_755 : vector<16x1xi32> to vector<16xi32>
        %gather3A_757 = tpu.dynamic_gather %get3A_754[%gather3A_756] in [0] : vector<16xf32>, vector<16xi32> -> vector<16xf32>
        %mul3A_758 = arith.mulf %get3A_754, %get3A_578 : vector<16xf32>
        %mul3A_759 = arith.mulf %gather3A_757, %get3A_590 : vector<16xf32>
        %add3A_760 = arith.addf %mul3A_758, %mul3A_759 : vector<16xf32>
        %swap3A_761 = arith.index_cast %add3A_739 : i32 to index
        %swap3A_762 = arith.constant 16 : index
        %swap3A_763 = tpu.vector_load %arg15[%swap3A_761, %swap3A_762] {strides = array<i32>} : memref<128x64xf32, #tpu.memory_space<vmem>>, vector<16xf32>,
        tpu.vector_store %arg15[%swap3A_761, %swap3A_762], %add3A_760 {strides = array<i32>} : memref<128x64xf32, #tpu.memory_space<vmem>>, vector<16xf32>,
        %get3A_764 = arith.index_cast %add3A_739 : i32 to index
        %get3A_765 = arith.constant 32 : index
        %get3A_766 = tpu.vector_load %arg13[%get3A_764, %get3A_765] {strides = array<i32>} : memref<128x64xf32, #tpu.memory_space<vmem>>, vector<16xf32>,
        %reshape3A_767 = vector.shape_cast %xor3A_8 : vector<16xi32> to vector<16x1xi32>
        %gather3A_768 = vector.shape_cast %reshape3A_767 : vector<16x1xi32> to vector<16xi32>
        %gather3A_769 = tpu.dynamic_gather %get3A_766[%gather3A_768] in [0] : vector<16xf32>, vector<16xi32> -> vector<16xf32>
        %mul3A_770 = arith.mulf %get3A_766, %get3A_581 : vector<16xf32>
        %mul3A_771 = arith.mulf %gather3A_769, %get3A_593 : vector<16xf32>
        %add3A_772 = arith.addf %mul3A_770, %mul3A_771 : vector<16xf32>
        %swap3A_773 = arith.index_cast %add3A_739 : i32 to index
        %swap3A_774 = arith.constant 32 : index
        %swap3A_775 = tpu.vector_load %arg15[%swap3A_773, %swap3A_774] {strides = array<i32>} : memref<128x64xf32, #tpu.memory_space<vmem>>, vector<16xf32>,
        tpu.vector_store %arg15[%swap3A_773, %swap3A_774], %add3A_772 {strides = array<i32>} : memref<128x64xf32, #tpu.memory_space<vmem>>, vector<16xf32>,
        %get3A_776 = arith.index_cast %add3A_739 : i32 to index
        %get3A_777 = arith.constant 48 : index
        %get3A_778 = tpu.vector_load %arg13[%get3A_776, %get3A_777] {strides = array<i32>} : memref<128x64xf32, #tpu.memory_space<vmem>>, vector<16xf32>,
        %reshape3A_779 = vector.shape_cast %xor3A_8 : vector<16xi32> to vector<16x1xi32>
        %gather3A_780 = vector.shape_cast %reshape3A_779 : vector<16x1xi32> to vector<16xi32>
        %gather3A_781 = tpu.dynamic_gather %get3A_778[%gather3A_780] in [0] : vector<16xf32>, vector<16xi32> -> vector<16xf32>
        %mul3A_782 = arith.mulf %get3A_778, %get3A_584 : vector<16xf32>
        %mul3A_783 = arith.mulf %gather3A_781, %get3A_596 : vector<16xf32>
        %add3A_784 = arith.addf %mul3A_782, %mul3A_783 : vector<16xf32>
        %swap3A_785 = arith.index_cast %add3A_739 : i32 to index
        %swap3A_786 = arith.constant 48 : index
        %swap3A_787 = tpu.vector_load %arg15[%swap3A_785, %swap3A_786] {strides = array<i32>} : memref<128x64xf32, #tpu.memory_space<vmem>>, vector<16xf32>,
        tpu.vector_store %arg15[%swap3A_785, %swap3A_786], %add3A_784 {strides = array<i32>} : memref<128x64xf32, #tpu.memory_space<vmem>>, vector<16xf32>,
      }
      %scan3A_602 = arith.constant 32 : i32
      %mul3A_603 = arith.constant 4 : i32
      %mul3A_604 = arith.muli %add3A_521, %mul3A_603 : i32
      %add3A_605 = arith.constant 2 : i32
      %add3A_606 = arith.addi %mul3A_604, %add3A_605 : i32
      %get3A_607 = arith.index_cast %add3A_606 : i32 to index
      %get3A_608 = arith.constant 0 : index
      %get3A_609 = tpu.vector_load %arg10[%get3A_607, %get3A_608] {strides = array<i32>} : memref<200x64xf32, #tpu.memory_space<vmem>>, vector<16xf32>,
      %get3A_610 = arith.index_cast %add3A_606 : i32 to index
      %get3A_611 = arith.constant 16 : index
      %get3A_612 = tpu.vector_load %arg10[%get3A_610, %get3A_611] {strides = array<i32>} : memref<200x64xf32, #tpu.memory_space<vmem>>, vector<16xf32>,
      %get3A_613 = arith.index_cast %add3A_606 : i32 to index
      %get3A_614 = arith.constant 32 : index
      %get3A_615 = tpu.vector_load %arg10[%get3A_613, %get3A_614] {strides = array<i32>} : memref<200x64xf32, #tpu.memory_space<vmem>>, vector<16xf32>,
      %get3A_616 = arith.index_cast %add3A_606 : i32 to index
      %get3A_617 = arith.constant 48 : index
      %get3A_618 = tpu.vector_load %arg10[%get3A_616, %get3A_617] {strides = array<i32>} : memref<200x64xf32, #tpu.memory_space<vmem>>, vector<16xf32>,
      %get3A_619 = arith.index_cast %add3A_606 : i32 to index
      %get3A_620 = arith.constant 0 : index
      %get3A_621 = tpu.vector_load %arg11[%get3A_619, %get3A_620] {strides = array<i32>} : memref<200x64xf32, #tpu.memory_space<vmem>>, vector<16xf32>,
      %get3A_622 = arith.index_cast %add3A_606 : i32 to index
      %get3A_623 = arith.constant 16 : index
      %get3A_624 = tpu.vector_load %arg11[%get3A_622, %get3A_623] {strides = array<i32>} : memref<200x64xf32, #tpu.memory_space<vmem>>, vector<16xf32>,
      %get3A_625 = arith.index_cast %add3A_606 : i32 to index
      %get3A_626 = arith.constant 32 : index
      %get3A_627 = tpu.vector_load %arg11[%get3A_625, %get3A_626] {strides = array<i32>} : memref<200x64xf32, #tpu.memory_space<vmem>>, vector<16xf32>,
      %get3A_628 = arith.index_cast %add3A_606 : i32 to index
      %get3A_629 = arith.constant 48 : index
      %get3A_630 = tpu.vector_load %arg11[%get3A_628, %get3A_629] {strides = array<i32>} : memref<200x64xf32, #tpu.memory_space<vmem>>, vector<16xf32>,
      %scan3A_631 = arith.constant 0 : i32
      %scan3A_632 = arith.constant 0 : i32
      %scan3A_633 = arith.constant 32 : i32
      %scan3A_634 = arith.addi %scan3A_632, %scan3A_633 : i32
      %scan3A_635 = arith.constant 2 : i32
      scf.for %scan3A_686 = %scan3A_632 to %scan3A_634 step %scan3A_635  : i32 {
        %add3A_687 = arith.constant 64 : i32
        %add3A_688 = arith.addi %add3A_687, %scan3A_686 : i32
        %get3A_689 = arith.index_cast %add3A_688 : i32 to index
        %get3A_690 = arith.constant 0 : index
        %get3A_691 = tpu.vector_load %arg13[%get3A_689, %get3A_690] {strides = array<i32>} : memref<128x64xf32, #tpu.memory_space<vmem>>, vector<16xf32>,
        %reshape3A = vector.shape_cast %xor3A_8 : vector<16xi32> to vector<16x1xi32>
        %gather3A_692 = vector.shape_cast %reshape3A : vector<16x1xi32> to vector<16xi32>
        %gather3A_693 = tpu.dynamic_gather %get3A_691[%gather3A_692] in [0] : vector<16xf32>, vector<16xi32> -> vector<16xf32>
        %mul3A_694 = arith.mulf %get3A_691, %get3A_609 : vector<16xf32>
        %mul3A_695 = arith.mulf %gather3A_693, %get3A_621 : vector<16xf32>
        %add3A_696 = arith.addf %mul3A_694, %mul3A_695 : vector<16xf32>
        %swap3A_697 = arith.index_cast %add3A_688 : i32 to index
        %swap3A_698 = arith.constant 0 : index
        %swap3A_699 = tpu.vector_load %arg15[%swap3A_697, %swap3A_698] {strides = array<i32>} : memref<128x64xf32, #tpu.memory_space<vmem>>, vector<16xf32>,
        tpu.vector_store %arg15[%swap3A_697, %swap3A_698], %add3A_696 {strides = array<i32>} : memref<128x64xf32, #tpu.memory_space<vmem>>, vector<16xf32>,
        %get3A_700 = arith.index_cast %add3A_688 : i32 to index
        %get3A_701 = arith.constant 16 : index
        %get3A_702 = tpu.vector_load %arg13[%get3A_700, %get3A_701] {strides = array<i32>} : memref<128x64xf32, #tpu.memory_space<vmem>>, vector<16xf32>,
        %reshape3A_703 = vector.shape_cast %xor3A_8 : vector<16xi32> to vector<16x1xi32>
        %gather3A_704 = vector.shape_cast %reshape3A_703 : vector<16x1xi32> to vector<16xi32>
        %gather3A_705 = tpu.dynamic_gather %get3A_702[%gather3A_704] in [0] : vector<16xf32>, vector<16xi32> -> vector<16xf32>
        %mul3A_706 = arith.mulf %get3A_702, %get3A_612 : vector<16xf32>
        %mul3A_707 = arith.mulf %gather3A_705, %get3A_624 : vector<16xf32>
        %add3A_708 = arith.addf %mul3A_706, %mul3A_707 : vector<16xf32>
        %swap3A_709 = arith.index_cast %add3A_688 : i32 to index
        %swap3A_710 = arith.constant 16 : index
        %swap3A_711 = tpu.vector_load %arg15[%swap3A_709, %swap3A_710] {strides = array<i32>} : memref<128x64xf32, #tpu.memory_space<vmem>>, vector<16xf32>,
        tpu.vector_store %arg15[%swap3A_709, %swap3A_710], %add3A_708 {strides = array<i32>} : memref<128x64xf32, #tpu.memory_space<vmem>>, vector<16xf32>,
        %get3A_712 = arith.index_cast %add3A_688 : i32 to index
        %get3A_713 = arith.constant 32 : index
        %get3A_714 = tpu.vector_load %arg13[%get3A_712, %get3A_713] {strides = array<i32>} : memref<128x64xf32, #tpu.memory_space<vmem>>, vector<16xf32>,
        %reshape3A_715 = vector.shape_cast %xor3A_8 : vector<16xi32> to vector<16x1xi32>
        %gather3A_716 = vector.shape_cast %reshape3A_715 : vector<16x1xi32> to vector<16xi32>
        %gather3A_717 = tpu.dynamic_gather %get3A_714[%gather3A_716] in [0] : vector<16xf32>, vector<16xi32> -> vector<16xf32>
        %mul3A_718 = arith.mulf %get3A_714, %get3A_615 : vector<16xf32>
        %mul3A_719 = arith.mulf %gather3A_717, %get3A_627 : vector<16xf32>
        %add3A_720 = arith.addf %mul3A_718, %mul3A_719 : vector<16xf32>
        %swap3A_721 = arith.index_cast %add3A_688 : i32 to index
        %swap3A_722 = arith.constant 32 : index
        %swap3A_723 = tpu.vector_load %arg15[%swap3A_721, %swap3A_722] {strides = array<i32>} : memref<128x64xf32, #tpu.memory_space<vmem>>, vector<16xf32>,
        tpu.vector_store %arg15[%swap3A_721, %swap3A_722], %add3A_720 {strides = array<i32>} : memref<128x64xf32, #tpu.memory_space<vmem>>, vector<16xf32>,
        %get3A_724 = arith.index_cast %add3A_688 : i32 to index
        %get3A_725 = arith.constant 48 : index
        %get3A_726 = tpu.vector_load %arg13[%get3A_724, %get3A_725] {strides = array<i32>} : memref<128x64xf32, #tpu.memory_space<vmem>>, vector<16xf32>,
        %reshape3A_727 = vector.shape_cast %xor3A_8 : vector<16xi32> to vector<16x1xi32>
        %gather3A_728 = vector.shape_cast %reshape3A_727 : vector<16x1xi32> to vector<16xi32>
        %gather3A_729 = tpu.dynamic_gather %get3A_726[%gather3A_728] in [0] : vector<16xf32>, vector<16xi32> -> vector<16xf32>
        %mul3A_730 = arith.mulf %get3A_726, %get3A_618 : vector<16xf32>
        %mul3A_731 = arith.mulf %gather3A_729, %get3A_630 : vector<16xf32>
        %add3A_732 = arith.addf %mul3A_730, %mul3A_731 : vector<16xf32>
        %swap3A_733 = arith.index_cast %add3A_688 : i32 to index
        %swap3A_734 = arith.constant 48 : index
        %swap3A_735 = tpu.vector_load %arg15[%swap3A_733, %swap3A_734] {strides = array<i32>} : memref<128x64xf32, #tpu.memory_space<vmem>>, vector<16xf32>,
        tpu.vector_store %arg15[%swap3A_733, %swap3A_734], %add3A_732 {strides = array<i32>} : memref<128x64xf32, #tpu.memory_space<vmem>>, vector<16xf32>,
        %scan3A_736 = arith.constant 1 : i32
        %scan3A_737 = arith.addi %scan3A_686, %scan3A_736 : i32
        %add3A_738 = arith.constant 64 : i32
        %add3A_739 = arith.addi %add3A_738, %scan3A_737 : i32
        %get3A_740 = arith.index_cast %add3A_739 : i32 to index
        %get3A_741 = arith.constant 0 : index
        %get3A_742 = tpu.vector_load %arg13[%get3A_740, %get3A_741] {strides = array<i32>} : memref<128x64xf32, #tpu.memory_space<vmem>>, vector<16xf32>,
        %reshape3A_743 = vector.shape_cast %xor3A_8 : vector<16xi32> to vector<16x1xi32>
        %gather3A_744 = vector.shape_cast %reshape3A_743 : vector<16x1xi32> to vector<16xi32>
        %gather3A_745 = tpu.dynamic_gather %get3A_742[%gather3A_744] in [0] : vector<16xf32>, vector<16xi32> -> vector<16xf32>
        %mul3A_746 = arith.mulf %get3A_742, %get3A_609 : vector<16xf32>
        %mul3A_747 = arith.mulf %gather3A_745, %get3A_621 : vector<16xf32>
        %add3A_748 = arith.addf %mul3A_746, %mul3A_747 : vector<16xf32>
        %swap3A_749 = arith.index_cast %add3A_739 : i32 to index
        %swap3A_750 = arith.constant 0 : index
        %swap3A_751 = tpu.vector_load %arg15[%swap3A_749, %swap3A_750] {strides = array<i32>} : memref<128x64xf32, #tpu.memory_space<vmem>>, vector<16xf32>,
        tpu.vector_store %arg15[%swap3A_749, %swap3A_750], %add3A_748 {strides = array<i32>} : memref<128x64xf32, #tpu.memory_space<vmem>>, vector<16xf32>,
        %get3A_752 = arith.index_cast %add3A_739 : i32 to index
        %get3A_753 = arith.constant 16 : index
        %get3A_754 = tpu.vector_load %arg13[%get3A_752, %get3A_753] {strides = array<i32>} : memref<128x64xf32, #tpu.memory_space<vmem>>, vector<16xf32>,
        %reshape3A_755 = vector.shape_cast %xor3A_8 : vector<16xi32> to vector<16x1xi32>
        %gather3A_756 = vector.shape_cast %reshape3A_755 : vector<16x1xi32> to vector<16xi32>
        %gather3A_757 = tpu.dynamic_gather %get3A_754[%gather3A_756] in [0] : vector<16xf32>, vector<16xi32> -> vector<16xf32>
        %mul3A_758 = arith.mulf %get3A_754, %get3A_612 : vector<16xf32>
        %mul3A_759 = arith.mulf %gather3A_757, %get3A_624 : vector<16xf32>
        %add3A_760 = arith.addf %mul3A_758, %mul3A_759 : vector<16xf32>
        %swap3A_761 = arith.index_cast %add3A_739 : i32 to index
        %swap3A_762 = arith.constant 16 : index
        %swap3A_763 = tpu.vector_load %arg15[%swap3A_761, %swap3A_762] {strides = array<i32>} : memref<128x64xf32, #tpu.memory_space<vmem>>, vector<16xf32>,
        tpu.vector_store %arg15[%swap3A_761, %swap3A_762], %add3A_760 {strides = array<i32>} : memref<128x64xf32, #tpu.memory_space<vmem>>, vector<16xf32>,
        %get3A_764 = arith.index_cast %add3A_739 : i32 to index
        %get3A_765 = arith.constant 32 : index
        %get3A_766 = tpu.vector_load %arg13[%get3A_764, %get3A_765] {strides = array<i32>} : memref<128x64xf32, #tpu.memory_space<vmem>>, vector<16xf32>,
        %reshape3A_767 = vector.shape_cast %xor3A_8 : vector<16xi32> to vector<16x1xi32>
        %gather3A_768 = vector.shape_cast %reshape3A_767 : vector<16x1xi32> to vector<16xi32>
        %gather3A_769 = tpu.dynamic_gather %get3A_766[%gather3A_768] in [0] : vector<16xf32>, vector<16xi32> -> vector<16xf32>
        %mul3A_770 = arith.mulf %get3A_766, %get3A_615 : vector<16xf32>
        %mul3A_771 = arith.mulf %gather3A_769, %get3A_627 : vector<16xf32>
        %add3A_772 = arith.addf %mul3A_770, %mul3A_771 : vector<16xf32>
        %swap3A_773 = arith.index_cast %add3A_739 : i32 to index
        %swap3A_774 = arith.constant 32 : index
        %swap3A_775 = tpu.vector_load %arg15[%swap3A_773, %swap3A_774] {strides = array<i32>} : memref<128x64xf32, #tpu.memory_space<vmem>>, vector<16xf32>,
        tpu.vector_store %arg15[%swap3A_773, %swap3A_774], %add3A_772 {strides = array<i32>} : memref<128x64xf32, #tpu.memory_space<vmem>>, vector<16xf32>,
        %get3A_776 = arith.index_cast %add3A_739 : i32 to index
        %get3A_777 = arith.constant 48 : index
        %get3A_778 = tpu.vector_load %arg13[%get3A_776, %get3A_777] {strides = array<i32>} : memref<128x64xf32, #tpu.memory_space<vmem>>, vector<16xf32>,
        %reshape3A_779 = vector.shape_cast %xor3A_8 : vector<16xi32> to vector<16x1xi32>
        %gather3A_780 = vector.shape_cast %reshape3A_779 : vector<16x1xi32> to vector<16xi32>
        %gather3A_781 = tpu.dynamic_gather %get3A_778[%gather3A_780] in [0] : vector<16xf32>, vector<16xi32> -> vector<16xf32>
        %mul3A_782 = arith.mulf %get3A_778, %get3A_618 : vector<16xf32>
        %mul3A_783 = arith.mulf %gather3A_781, %get3A_630 : vector<16xf32>
        %add3A_784 = arith.addf %mul3A_782, %mul3A_783 : vector<16xf32>
        %swap3A_785 = arith.index_cast %add3A_739 : i32 to index
        %swap3A_786 = arith.constant 48 : index
        %swap3A_787 = tpu.vector_load %arg15[%swap3A_785, %swap3A_786] {strides = array<i32>} : memref<128x64xf32, #tpu.memory_space<vmem>>, vector<16xf32>,
        tpu.vector_store %arg15[%swap3A_785, %swap3A_786], %add3A_784 {strides = array<i32>} : memref<128x64xf32, #tpu.memory_space<vmem>>, vector<16xf32>,
      }
      %scan3A_636 = arith.constant 32 : i32
      %mul3A_637 = arith.constant 4 : i32
      %mul3A_638 = arith.muli %add3A_521, %mul3A_637 : i32
      %add3A_639 = arith.constant 3 : i32
      %add3A_640 = arith.addi %mul3A_638, %add3A_639 : i32
      %get3A_641 = arith.index_cast %add3A_640 : i32 to index
      %get3A_642 = arith.constant 0 : index
      %get3A_643 = tpu.vector_load %arg10[%get3A_641, %get3A_642] {strides = array<i32>} : memref<200x64xf32, #tpu.memory_space<vmem>>, vector<16xf32>,
      %get3A_644 = arith.index_cast %add3A_640 : i32 to index
      %get3A_645 = arith.constant 16 : index
      %get3A_646 = tpu.vector_load %arg10[%get3A_644, %get3A_645] {strides = array<i32>} : memref<200x64xf32, #tpu.memory_space<vmem>>, vector<16xf32>,
      %get3A_647 = arith.index_cast %add3A_640 : i32 to index
      %get3A_648 = arith.constant 32 : index
      %get3A_649 = tpu.vector_load %arg10[%get3A_647, %get3A_648] {strides = array<i32>} : memref<200x64xf32, #tpu.memory_space<vmem>>, vector<16xf32>,
      %get3A_650 = arith.index_cast %add3A_640 : i32 to index
      %get3A_651 = arith.constant 48 : index
      %get3A_652 = tpu.vector_load %arg10[%get3A_650, %get3A_651] {strides = array<i32>} : memref<200x64xf32, #tpu.memory_space<vmem>>, vector<16xf32>,
      %get3A_653 = arith.index_cast %add3A_640 : i32 to index
      %get3A_654 = arith.constant 0 : index
      %get3A_655 = tpu.vector_load %arg11[%get3A_653, %get3A_654] {strides = array<i32>} : memref<200x64xf32, #tpu.memory_space<vmem>>, vector<16xf32>,
      %get3A_656 = arith.index_cast %add3A_640 : i32 to index
      %get3A_657 = arith.constant 16 : index
      %get3A_658 = tpu.vector_load %arg11[%get3A_656, %get3A_657] {strides = array<i32>} : memref<200x64xf32, #tpu.memory_space<vmem>>, vector<16xf32>,
      %get3A_659 = arith.index_cast %add3A_640 : i32 to index
      %get3A_660 = arith.constant 32 : index
      %get3A_661 = tpu.vector_load %arg11[%get3A_659, %get3A_660] {strides = array<i32>} : memref<200x64xf32, #tpu.memory_space<vmem>>, vector<16xf32>,
      %get3A_662 = arith.index_cast %add3A_640 : i32 to index
      %get3A_663 = arith.constant 48 : index
      %get3A_664 = tpu.vector_load %arg11[%get3A_662, %get3A_663] {strides = array<i32>} : memref<200x64xf32, #tpu.memory_space<vmem>>, vector<16xf32>,
      %scan3A_665 = arith.constant 0 : i32
      %scan3A_666 = arith.constant 0 : i32
      %scan3A_667 = arith.constant 32 : i32
      %scan3A_668 = arith.addi %scan3A_666, %scan3A_667 : i32
      %scan3A_669 = arith.constant 2 : i32
      scf.for %scan3A_686 = %scan3A_666 to %scan3A_668 step %scan3A_669  : i32 {
        %add3A_687 = arith.constant 96 : i32
        %add3A_688 = arith.addi %add3A_687, %scan3A_686 : i32
        %get3A_689 = arith.index_cast %add3A_688 : i32 to index
        %get3A_690 = arith.constant 0 : index
        %get3A_691 = tpu.vector_load %arg13[%get3A_689, %get3A_690] {strides = array<i32>} : memref<128x64xf32, #tpu.memory_space<vmem>>, vector<16xf32>,
        %reshape3A = vector.shape_cast %xor3A_8 : vector<16xi32> to vector<16x1xi32>
        %gather3A_692 = vector.shape_cast %reshape3A : vector<16x1xi32> to vector<16xi32>
        %gather3A_693 = tpu.dynamic_gather %get3A_691[%gather3A_692] in [0] : vector<16xf32>, vector<16xi32> -> vector<16xf32>
        %mul3A_694 = arith.mulf %get3A_691, %get3A_643 : vector<16xf32>
        %mul3A_695 = arith.mulf %gather3A_693, %get3A_655 : vector<16xf32>
        %add3A_696 = arith.addf %mul3A_694, %mul3A_695 : vector<16xf32>
        %swap3A_697 = arith.index_cast %add3A_688 : i32 to index
        %swap3A_698 = arith.constant 0 : index
        %swap3A_699 = tpu.vector_load %arg15[%swap3A_697, %swap3A_698] {strides = array<i32>} : memref<128x64xf32, #tpu.memory_space<vmem>>, vector<16xf32>,
        tpu.vector_store %arg15[%swap3A_697, %swap3A_698], %add3A_696 {strides = array<i32>} : memref<128x64xf32, #tpu.memory_space<vmem>>, vector<16xf32>,
        %get3A_700 = arith.index_cast %add3A_688 : i32 to index
        %get3A_701 = arith.constant 16 : index
        %get3A_702 = tpu.vector_load %arg13[%get3A_700, %get3A_701] {strides = array<i32>} : memref<128x64xf32, #tpu.memory_space<vmem>>, vector<16xf32>,
        %reshape3A_703 = vector.shape_cast %xor3A_8 : vector<16xi32> to vector<16x1xi32>
        %gather3A_704 = vector.shape_cast %reshape3A_703 : vector<16x1xi32> to vector<16xi32>
        %gather3A_705 = tpu.dynamic_gather %get3A_702[%gather3A_704] in [0] : vector<16xf32>, vector<16xi32> -> vector<16xf32>
        %mul3A_706 = arith.mulf %get3A_702, %get3A_646 : vector<16xf32>
        %mul3A_707 = arith.mulf %gather3A_705, %get3A_658 : vector<16xf32>
        %add3A_708 = arith.addf %mul3A_706, %mul3A_707 : vector<16xf32>
        %swap3A_709 = arith.index_cast %add3A_688 : i32 to index
        %swap3A_710 = arith.constant 16 : index
        %swap3A_711 = tpu.vector_load %arg15[%swap3A_709, %swap3A_710] {strides = array<i32>} : memref<128x64xf32, #tpu.memory_space<vmem>>, vector<16xf32>,
        tpu.vector_store %arg15[%swap3A_709, %swap3A_710], %add3A_708 {strides = array<i32>} : memref<128x64xf32, #tpu.memory_space<vmem>>, vector<16xf32>,
        %get3A_712 = arith.index_cast %add3A_688 : i32 to index
        %get3A_713 = arith.constant 32 : index
        %get3A_714 = tpu.vector_load %arg13[%get3A_712, %get3A_713] {strides = array<i32>} : memref<128x64xf32, #tpu.memory_space<vmem>>, vector<16xf32>,
        %reshape3A_715 = vector.shape_cast %xor3A_8 : vector<16xi32> to vector<16x1xi32>
        %gather3A_716 = vector.shape_cast %reshape3A_715 : vector<16x1xi32> to vector<16xi32>
        %gather3A_717 = tpu.dynamic_gather %get3A_714[%gather3A_716] in [0] : vector<16xf32>, vector<16xi32> -> vector<16xf32>
        %mul3A_718 = arith.mulf %get3A_714, %get3A_649 : vector<16xf32>
        %mul3A_719 = arith.mulf %gather3A_717, %get3A_661 : vector<16xf32>
        %add3A_720 = arith.addf %mul3A_718, %mul3A_719 : vector<16xf32>
        %swap3A_721 = arith.index_cast %add3A_688 : i32 to index
        %swap3A_722 = arith.constant 32 : index
        %swap3A_723 = tpu.vector_load %arg15[%swap3A_721, %swap3A_722] {strides = array<i32>} : memref<128x64xf32, #tpu.memory_space<vmem>>, vector<16xf32>,
        tpu.vector_store %arg15[%swap3A_721, %swap3A_722], %add3A_720 {strides = array<i32>} : memref<128x64xf32, #tpu.memory_space<vmem>>, vector<16xf32>,
        %get3A_724 = arith.index_cast %add3A_688 : i32 to index
        %get3A_725 = arith.constant 48 : index
        %get3A_726 = tpu.vector_load %arg13[%get3A_724, %get3A_725] {strides = array<i32>} : memref<128x64xf32, #tpu.memory_space<vmem>>, vector<16xf32>,
        %reshape3A_727 = vector.shape_cast %xor3A_8 : vector<16xi32> to vector<16x1xi32>
        %gather3A_728 = vector.shape_cast %reshape3A_727 : vector<16x1xi32> to vector<16xi32>
        %gather3A_729 = tpu.dynamic_gather %get3A_726[%gather3A_728] in [0] : vector<16xf32>, vector<16xi32> -> vector<16xf32>
        %mul3A_730 = arith.mulf %get3A_726, %get3A_652 : vector<16xf32>
        %mul3A_731 = arith.mulf %gather3A_729, %get3A_664 : vector<16xf32>
        %add3A_732 = arith.addf %mul3A_730, %mul3A_731 : vector<16xf32>
        %swap3A_733 = arith.index_cast %add3A_688 : i32 to index
        %swap3A_734 = arith.constant 48 : index
        %swap3A_735 = tpu.vector_load %arg15[%swap3A_733, %swap3A_734] {strides = array<i32>} : memref<128x64xf32, #tpu.memory_space<vmem>>, vector<16xf32>,
        tpu.vector_store %arg15[%swap3A_733, %swap3A_734], %add3A_732 {strides = array<i32>} : memref<128x64xf32, #tpu.memory_space<vmem>>, vector<16xf32>,
        %scan3A_736 = arith.constant 1 : i32
        %scan3A_737 = arith.addi %scan3A_686, %scan3A_736 : i32
        %add3A_738 = arith.constant 96 : i32
        %add3A_739 = arith.addi %add3A_738, %scan3A_737 : i32
        %get3A_740 = arith.index_cast %add3A_739 : i32 to index
        %get3A_741 = arith.constant 0 : index
        %get3A_742 = tpu.vector_load %arg13[%get3A_740, %get3A_741] {strides = array<i32>} : memref<128x64xf32, #tpu.memory_space<vmem>>, vector<16xf32>,
        %reshape3A_743 = vector.shape_cast %xor3A_8 : vector<16xi32> to vector<16x1xi32>
        %gather3A_744 = vector.shape_cast %reshape3A_743 : vector<16x1xi32> to vector<16xi32>
        %gather3A_745 = tpu.dynamic_gather %get3A_742[%gather3A_744] in [0] : vector<16xf32>, vector<16xi32> -> vector<16xf32>
        %mul3A_746 = arith.mulf %get3A_742, %get3A_643 : vector<16xf32>
        %mul3A_747 = arith.mulf %gather3A_745, %get3A_655 : vector<16xf32>
        %add3A_748 = arith.addf %mul3A_746, %mul3A_747 : vector<16xf32>
        %swap3A_749 = arith.index_cast %add3A_739 : i32 to index
        %swap3A_750 = arith.constant 0 : index
        %swap3A_751 = tpu.vector_load %arg15[%swap3A_749, %swap3A_750] {strides = array<i32>} : memref<128x64xf32, #tpu.memory_space<vmem>>, vector<16xf32>,
        tpu.vector_store %arg15[%swap3A_749, %swap3A_750], %add3A_748 {strides = array<i32>} : memref<128x64xf32, #tpu.memory_space<vmem>>, vector<16xf32>,
        %get3A_752 = arith.index_cast %add3A_739 : i32 to index
        %get3A_753 = arith.constant 16 : index
        %get3A_754 = tpu.vector_load %arg13[%get3A_752, %get3A_753] {strides = array<i32>} : memref<128x64xf32, #tpu.memory_space<vmem>>, vector<16xf32>,
        %reshape3A_755 = vector.shape_cast %xor3A_8 : vector<16xi32> to vector<16x1xi32>
        %gather3A_756 = vector.shape_cast %reshape3A_755 : vector<16x1xi32> to vector<16xi32>
        %gather3A_757 = tpu.dynamic_gather %get3A_754[%gather3A_756] in [0] : vector<16xf32>, vector<16xi32> -> vector<16xf32>
        %mul3A_758 = arith.mulf %get3A_754, %get3A_646 : vector<16xf32>
        %mul3A_759 = arith.mulf %gather3A_757, %get3A_658 : vector<16xf32>
        %add3A_760 = arith.addf %mul3A_758, %mul3A_759 : vector<16xf32>
        %swap3A_761 = arith.index_cast %add3A_739 : i32 to index
        %swap3A_762 = arith.constant 16 : index
        %swap3A_763 = tpu.vector_load %arg15[%swap3A_761, %swap3A_762] {strides = array<i32>} : memref<128x64xf32, #tpu.memory_space<vmem>>, vector<16xf32>,
        tpu.vector_store %arg15[%swap3A_761, %swap3A_762], %add3A_760 {strides = array<i32>} : memref<128x64xf32, #tpu.memory_space<vmem>>, vector<16xf32>,
        %get3A_764 = arith.index_cast %add3A_739 : i32 to index
        %get3A_765 = arith.constant 32 : index
        %get3A_766 = tpu.vector_load %arg13[%get3A_764, %get3A_765] {strides = array<i32>} : memref<128x64xf32, #tpu.memory_space<vmem>>, vector<16xf32>,
        %reshape3A_767 = vector.shape_cast %xor3A_8 : vector<16xi32> to vector<16x1xi32>
        %gather3A_768 = vector.shape_cast %reshape3A_767 : vector<16x1xi32> to vector<16xi32>
        %gather3A_769 = tpu.dynamic_gather %get3A_766[%gather3A_768] in [0] : vector<16xf32>, vector<16xi32> -> vector<16xf32>
        %mul3A_770 = arith.mulf %get3A_766, %get3A_649 : vector<16xf32>
        %mul3A_771 = arith.mulf %gather3A_769, %get3A_661 : vector<16xf32>
        %add3A_772 = arith.addf %mul3A_770, %mul3A_771 : vector<16xf32>
        %swap3A_773 = arith.index_cast %add3A_739 : i32 to index
        %swap3A_774 = arith.constant 32 : index
        %swap3A_775 = tpu.vector_load %arg15[%swap3A_773, %swap3A_774] {strides = array<i32>} : memref<128x64xf32, #tpu.memory_space<vmem>>, vector<16xf32>,
        tpu.vector_store %arg15[%swap3A_773, %swap3A_774], %add3A_772 {strides = array<i32>} : memref<128x64xf32, #tpu.memory_space<vmem>>, vector<16xf32>,
        %get3A_776 = arith.index_cast %add3A_739 : i32 to index
        %get3A_777 = arith.constant 48 : index
        %get3A_778 = tpu.vector_load %arg13[%get3A_776, %get3A_777] {strides = array<i32>} : memref<128x64xf32, #tpu.memory_space<vmem>>, vector<16xf32>,
        %reshape3A_779 = vector.shape_cast %xor3A_8 : vector<16xi32> to vector<16x1xi32>
        %gather3A_780 = vector.shape_cast %reshape3A_779 : vector<16x1xi32> to vector<16xi32>
        %gather3A_781 = tpu.dynamic_gather %get3A_778[%gather3A_780] in [0] : vector<16xf32>, vector<16xi32> -> vector<16xf32>
        %mul3A_782 = arith.mulf %get3A_778, %get3A_652 : vector<16xf32>
        %mul3A_783 = arith.mulf %gather3A_781, %get3A_664 : vector<16xf32>
        %add3A_784 = arith.addf %mul3A_782, %mul3A_783 : vector<16xf32>
        %swap3A_785 = arith.index_cast %add3A_739 : i32 to index
        %swap3A_786 = arith.constant 48 : index
        %swap3A_787 = tpu.vector_load %arg15[%swap3A_785, %swap3A_786] {strides = array<i32>} : memref<128x64xf32, #tpu.memory_space<vmem>>, vector<16xf32>,
        tpu.vector_store %arg15[%swap3A_785, %swap3A_786], %add3A_784 {strides = array<i32>} : memref<128x64xf32, #tpu.memory_space<vmem>>, vector<16xf32>,
      }
      %scan3A_670 = arith.constant 32 : i32
      %rem3A_671 = arith.constant 4 : i32
      %rem3A_672 = arith.remsi %add3A_521, %rem3A_671 : i32
      %dma_start3A_673 = arith.constant 0 : i32
      %dma_start3A_674 = tpu.memref_slice %arg9[%rem3A_672, %dma_start3A_673] : memref<4x128xi32, #tpu.memory_space<vmem>> -> memref<1x128xi32, #tpu.memory_space<vmem>>
      %dma_start3A_675 = tpu.memref_squeeze %dma_start3A_674 : memref<1x128xi32, #tpu.memory_space<vmem>> -> memref<128xi32, #tpu.memory_space<vmem>>
      %dma_start3A_676 = arith.constant 0 : i32
      %dma_start3A_677 = arith.constant 0 : i32
      %dma_start3A_678 = tpu.memref_slice %arg6[%dma_start3A_676, %dma_start3A_677] : memref<204800x64xf32, #tpu.memory_space<hbm>> -> memref<204800x64xf32, #tpu.memory_space<hbm>>
      tpu.enqueue_indirect_dma source(%arg15 : memref<128x64xf32, #tpu.memory_space<vmem>>) target(%dma_start3A_678 : memref<204800x64xf32, #tpu.memory_space<hbm>>) offsets(%dma_start3A_675 : memref<128xi32, #tpu.memory_space<vmem>>) semaphore(%arg19 : memref<!tpu.dma_semaphore, #tpu.memory_space<semaphore_mem>>)
      %add3A_679 = arith.constant 2 : i32
      %add3A_680 = arith.addi %add3A_521, %add3A_679 : i32
      %lt3A_681 = arith.constant 50 : i32
      %lt3A_682 = arith.cmpi slt, %add3A_680, %lt3A_681 : i32
      %convert_element_type3A_683 = arith.extui %lt3A_682 : i1 to i32
      %cond3A_684 = arith.constant 0 : i32
      %cond3A_685 = arith.cmpi ne, %convert_element_type3A_683, %cond3A_684 : i32
      scf.if %cond3A_685 {
        %add3A_686 = arith.constant 2 : i32
        %add3A_687 = arith.addi %add3A_521, %add3A_686 : i32
        %rem3A_688 = arith.constant 4 : i32
        %rem3A_689 = arith.remsi %add3A_687, %rem3A_688 : i32
        %mul3A_690 = arith.constant 4 : i32
        %mul3A_691 = arith.muli %add3A_687, %mul3A_690 : i32
        %add3A_692 = arith.constant 0 : i32
        %add3A_693 = arith.addi %mul3A_691, %add3A_692 : i32
        %broadcast_in_dim3A_694 = vector.broadcast %add3A_693 : i32 to vector<16xi32>
        %add3A_695 = arith.constant 0 : i32
        %add3A_696 = vector.broadcast %add3A_695 : i32 to vector<16xi32>
        %add3A_697 = arith.addi %iota3A, %add3A_696 : vector<16xi32>
        %gather3A_698 = tpu.vector_load_idx %arg7[%add3A_697, %broadcast_in_dim3A_694] : memref<32x200xi32, #tpu.memory_space<vmem>>[vector<16xi32>, vector<16xi32>], vector<16xi32>,
        %swap3A_699 = arith.index_cast %rem3A_689 : i32 to index
        %swap3A_700 = arith.constant 0 : index
        %swap3A_701 = tpu.vector_load %arg8[%swap3A_699, %swap3A_700] {strides = array<i32>} : memref<4x128xi32, #tpu.memory_space<vmem>>, vector<16xi32>,
        tpu.vector_store %arg8[%swap3A_699, %swap3A_700], %gather3A_698 {strides = array<i32>} : memref<4x128xi32, #tpu.memory_space<vmem>>, vector<16xi32>,
        %mul3A_702 = arith.constant 200 : i32
        %mul3A_703 = vector.broadcast %mul3A_702 : i32 to vector<16xi32>
        %mul3A_704 = arith.muli %add3A_697, %mul3A_703 : vector<16xi32>
        %add3A_705 = vector.broadcast %mul3A_4 : i32 to vector<16xi32>
        %add3A_706 = arith.addi %add3A_705, %mul3A_704 : vector<16xi32>
        %add3A_707 = vector.broadcast %add3A_693 : i32 to vector<16xi32>
        %add3A_708 = arith.addi %add3A_706, %add3A_707 : vector<16xi32>
        %swap3A_709 = arith.index_cast %rem3A_689 : i32 to index
        %swap3A_710 = arith.constant 0 : index
        %swap3A_711 = tpu.vector_load %arg9[%swap3A_709, %swap3A_710] {strides = array<i32>} : memref<4x128xi32, #tpu.memory_space<vmem>>, vector<16xi32>,
        tpu.vector_store %arg9[%swap3A_709, %swap3A_710], %add3A_708 {strides = array<i32>} : memref<4x128xi32, #tpu.memory_space<vmem>>, vector<16xi32>,
        %add3A_712 = arith.constant 16 : i32
        %add3A_713 = vector.broadcast %add3A_712 : i32 to vector<16xi32>
        %add3A_714 = arith.addi %iota3A, %add3A_713 : vector<16xi32>
        %gather3A_715 = tpu.vector_load_idx %arg7[%add3A_714, %broadcast_in_dim3A_694] : memref<32x200xi32, #tpu.memory_space<vmem>>[vector<16xi32>, vector<16xi32>], vector<16xi32>,
        %swap3A_716 = arith.index_cast %rem3A_689 : i32 to index
        %swap3A_717 = arith.constant 16 : index
        %swap3A_718 = tpu.vector_load %arg8[%swap3A_716, %swap3A_717] {strides = array<i32>} : memref<4x128xi32, #tpu.memory_space<vmem>>, vector<16xi32>,
        tpu.vector_store %arg8[%swap3A_716, %swap3A_717], %gather3A_715 {strides = array<i32>} : memref<4x128xi32, #tpu.memory_space<vmem>>, vector<16xi32>,
        %mul3A_719 = arith.constant 200 : i32
        %mul3A_720 = vector.broadcast %mul3A_719 : i32 to vector<16xi32>
        %mul3A_721 = arith.muli %add3A_714, %mul3A_720 : vector<16xi32>
        %add3A_722 = vector.broadcast %mul3A_4 : i32 to vector<16xi32>
        %add3A_723 = arith.addi %add3A_722, %mul3A_721 : vector<16xi32>
        %add3A_724 = vector.broadcast %add3A_693 : i32 to vector<16xi32>
        %add3A_725 = arith.addi %add3A_723, %add3A_724 : vector<16xi32>
        %swap3A_726 = arith.index_cast %rem3A_689 : i32 to index
        %swap3A_727 = arith.constant 16 : index
        %swap3A_728 = tpu.vector_load %arg9[%swap3A_726, %swap3A_727] {strides = array<i32>} : memref<4x128xi32, #tpu.memory_space<vmem>>, vector<16xi32>,
        tpu.vector_store %arg9[%swap3A_726, %swap3A_727], %add3A_725 {strides = array<i32>} : memref<4x128xi32, #tpu.memory_space<vmem>>, vector<16xi32>,
        %mul3A_729 = arith.constant 4 : i32
        %mul3A_730 = arith.muli %add3A_687, %mul3A_729 : i32
        %add3A_731 = arith.constant 1 : i32
        %add3A_732 = arith.addi %mul3A_730, %add3A_731 : i32
        %broadcast_in_dim3A_733 = vector.broadcast %add3A_732 : i32 to vector<16xi32>
        %add3A_734 = arith.constant 0 : i32
        %add3A_735 = vector.broadcast %add3A_734 : i32 to vector<16xi32>
        %add3A_736 = arith.addi %iota3A, %add3A_735 : vector<16xi32>
        %gather3A_737 = tpu.vector_load_idx %arg7[%add3A_736, %broadcast_in_dim3A_733] : memref<32x200xi32, #tpu.memory_space<vmem>>[vector<16xi32>, vector<16xi32>], vector<16xi32>,
        %swap3A_738 = arith.index_cast %rem3A_689 : i32 to index
        %swap3A_739 = arith.constant 32 : index
        %swap3A_740 = tpu.vector_load %arg8[%swap3A_738, %swap3A_739] {strides = array<i32>} : memref<4x128xi32, #tpu.memory_space<vmem>>, vector<16xi32>,
        tpu.vector_store %arg8[%swap3A_738, %swap3A_739], %gather3A_737 {strides = array<i32>} : memref<4x128xi32, #tpu.memory_space<vmem>>, vector<16xi32>,
        %mul3A_741 = arith.constant 200 : i32
        %mul3A_742 = vector.broadcast %mul3A_741 : i32 to vector<16xi32>
        %mul3A_743 = arith.muli %add3A_736, %mul3A_742 : vector<16xi32>
        %add3A_744 = vector.broadcast %mul3A_4 : i32 to vector<16xi32>
        %add3A_745 = arith.addi %add3A_744, %mul3A_743 : vector<16xi32>
        %add3A_746 = vector.broadcast %add3A_732 : i32 to vector<16xi32>
        %add3A_747 = arith.addi %add3A_745, %add3A_746 : vector<16xi32>
        %swap3A_748 = arith.index_cast %rem3A_689 : i32 to index
        %swap3A_749 = arith.constant 32 : index
        %swap3A_750 = tpu.vector_load %arg9[%swap3A_748, %swap3A_749] {strides = array<i32>} : memref<4x128xi32, #tpu.memory_space<vmem>>, vector<16xi32>,
        tpu.vector_store %arg9[%swap3A_748, %swap3A_749], %add3A_747 {strides = array<i32>} : memref<4x128xi32, #tpu.memory_space<vmem>>, vector<16xi32>,
        %add3A_751 = arith.constant 16 : i32
        %add3A_752 = vector.broadcast %add3A_751 : i32 to vector<16xi32>
        %add3A_753 = arith.addi %iota3A, %add3A_752 : vector<16xi32>
        %gather3A_754 = tpu.vector_load_idx %arg7[%add3A_753, %broadcast_in_dim3A_733] : memref<32x200xi32, #tpu.memory_space<vmem>>[vector<16xi32>, vector<16xi32>], vector<16xi32>,
        %swap3A_755 = arith.index_cast %rem3A_689 : i32 to index
        %swap3A_756 = arith.constant 48 : index
        %swap3A_757 = tpu.vector_load %arg8[%swap3A_755, %swap3A_756] {strides = array<i32>} : memref<4x128xi32, #tpu.memory_space<vmem>>, vector<16xi32>,
        tpu.vector_store %arg8[%swap3A_755, %swap3A_756], %gather3A_754 {strides = array<i32>} : memref<4x128xi32, #tpu.memory_space<vmem>>, vector<16xi32>,
        %mul3A_758 = arith.constant 200 : i32
        %mul3A_759 = vector.broadcast %mul3A_758 : i32 to vector<16xi32>
        %mul3A_760 = arith.muli %add3A_753, %mul3A_759 : vector<16xi32>
        %add3A_761 = vector.broadcast %mul3A_4 : i32 to vector<16xi32>
        %add3A_762 = arith.addi %add3A_761, %mul3A_760 : vector<16xi32>
        %add3A_763 = vector.broadcast %add3A_732 : i32 to vector<16xi32>
        %add3A_764 = arith.addi %add3A_762, %add3A_763 : vector<16xi32>
        %swap3A_765 = arith.index_cast %rem3A_689 : i32 to index
        %swap3A_766 = arith.constant 48 : index
        %swap3A_767 = tpu.vector_load %arg9[%swap3A_765, %swap3A_766] {strides = array<i32>} : memref<4x128xi32, #tpu.memory_space<vmem>>, vector<16xi32>,
        tpu.vector_store %arg9[%swap3A_765, %swap3A_766], %add3A_764 {strides = array<i32>} : memref<4x128xi32, #tpu.memory_space<vmem>>, vector<16xi32>,
        %mul3A_768 = arith.constant 4 : i32
        %mul3A_769 = arith.muli %add3A_687, %mul3A_768 : i32
        %add3A_770 = arith.constant 2 : i32
        %add3A_771 = arith.addi %mul3A_769, %add3A_770 : i32
        %broadcast_in_dim3A_772 = vector.broadcast %add3A_771 : i32 to vector<16xi32>
        %add3A_773 = arith.constant 0 : i32
        %add3A_774 = vector.broadcast %add3A_773 : i32 to vector<16xi32>
        %add3A_775 = arith.addi %iota3A, %add3A_774 : vector<16xi32>
        %gather3A_776 = tpu.vector_load_idx %arg7[%add3A_775, %broadcast_in_dim3A_772] : memref<32x200xi32, #tpu.memory_space<vmem>>[vector<16xi32>, vector<16xi32>], vector<16xi32>,
        %swap3A_777 = arith.index_cast %rem3A_689 : i32 to index
        %swap3A_778 = arith.constant 64 : index
        %swap3A_779 = tpu.vector_load %arg8[%swap3A_777, %swap3A_778] {strides = array<i32>} : memref<4x128xi32, #tpu.memory_space<vmem>>, vector<16xi32>,
        tpu.vector_store %arg8[%swap3A_777, %swap3A_778], %gather3A_776 {strides = array<i32>} : memref<4x128xi32, #tpu.memory_space<vmem>>, vector<16xi32>,
        %mul3A_780 = arith.constant 200 : i32
        %mul3A_781 = vector.broadcast %mul3A_780 : i32 to vector<16xi32>
        %mul3A_782 = arith.muli %add3A_775, %mul3A_781 : vector<16xi32>
        %add3A_783 = vector.broadcast %mul3A_4 : i32 to vector<16xi32>
        %add3A_784 = arith.addi %add3A_783, %mul3A_782 : vector<16xi32>
        %add3A_785 = vector.broadcast %add3A_771 : i32 to vector<16xi32>
        %add3A_786 = arith.addi %add3A_784, %add3A_785 : vector<16xi32>
        %swap3A_787 = arith.index_cast %rem3A_689 : i32 to index
        %swap3A_788 = arith.constant 64 : index
        %swap3A_789 = tpu.vector_load %arg9[%swap3A_787, %swap3A_788] {strides = array<i32>} : memref<4x128xi32, #tpu.memory_space<vmem>>, vector<16xi32>,
        tpu.vector_store %arg9[%swap3A_787, %swap3A_788], %add3A_786 {strides = array<i32>} : memref<4x128xi32, #tpu.memory_space<vmem>>, vector<16xi32>,
        %add3A_790 = arith.constant 16 : i32
        %add3A_791 = vector.broadcast %add3A_790 : i32 to vector<16xi32>
        %add3A_792 = arith.addi %iota3A, %add3A_791 : vector<16xi32>
        %gather3A_793 = tpu.vector_load_idx %arg7[%add3A_792, %broadcast_in_dim3A_772] : memref<32x200xi32, #tpu.memory_space<vmem>>[vector<16xi32>, vector<16xi32>], vector<16xi32>,
        %swap3A_794 = arith.index_cast %rem3A_689 : i32 to index
        %swap3A_795 = arith.constant 80 : index
        %swap3A_796 = tpu.vector_load %arg8[%swap3A_794, %swap3A_795] {strides = array<i32>} : memref<4x128xi32, #tpu.memory_space<vmem>>, vector<16xi32>,
        tpu.vector_store %arg8[%swap3A_794, %swap3A_795], %gather3A_793 {strides = array<i32>} : memref<4x128xi32, #tpu.memory_space<vmem>>, vector<16xi32>,
        %mul3A_797 = arith.constant 200 : i32
        %mul3A_798 = vector.broadcast %mul3A_797 : i32 to vector<16xi32>
        %mul3A_799 = arith.muli %add3A_792, %mul3A_798 : vector<16xi32>
        %add3A_800 = vector.broadcast %mul3A_4 : i32 to vector<16xi32>
        %add3A_801 = arith.addi %add3A_800, %mul3A_799 : vector<16xi32>
        %add3A_802 = vector.broadcast %add3A_771 : i32 to vector<16xi32>
        %add3A_803 = arith.addi %add3A_801, %add3A_802 : vector<16xi32>
        %swap3A_804 = arith.index_cast %rem3A_689 : i32 to index
        %swap3A_805 = arith.constant 80 : index
        %swap3A_806 = tpu.vector_load %arg9[%swap3A_804, %swap3A_805] {strides = array<i32>} : memref<4x128xi32, #tpu.memory_space<vmem>>, vector<16xi32>,
        tpu.vector_store %arg9[%swap3A_804, %swap3A_805], %add3A_803 {strides = array<i32>} : memref<4x128xi32, #tpu.memory_space<vmem>>, vector<16xi32>,
        %mul3A_807 = arith.constant 4 : i32
        %mul3A_808 = arith.muli %add3A_687, %mul3A_807 : i32
        %add3A_809 = arith.constant 3 : i32
        %add3A_810 = arith.addi %mul3A_808, %add3A_809 : i32
        %broadcast_in_dim3A_811 = vector.broadcast %add3A_810 : i32 to vector<16xi32>
        %add3A_812 = arith.constant 0 : i32
        %add3A_813 = vector.broadcast %add3A_812 : i32 to vector<16xi32>
        %add3A_814 = arith.addi %iota3A, %add3A_813 : vector<16xi32>
        %gather3A_815 = tpu.vector_load_idx %arg7[%add3A_814, %broadcast_in_dim3A_811] : memref<32x200xi32, #tpu.memory_space<vmem>>[vector<16xi32>, vector<16xi32>], vector<16xi32>,
        %swap3A_816 = arith.index_cast %rem3A_689 : i32 to index
        %swap3A_817 = arith.constant 96 : index
        %swap3A_818 = tpu.vector_load %arg8[%swap3A_816, %swap3A_817] {strides = array<i32>} : memref<4x128xi32, #tpu.memory_space<vmem>>, vector<16xi32>,
        tpu.vector_store %arg8[%swap3A_816, %swap3A_817], %gather3A_815 {strides = array<i32>} : memref<4x128xi32, #tpu.memory_space<vmem>>, vector<16xi32>,
        %mul3A_819 = arith.constant 200 : i32
        %mul3A_820 = vector.broadcast %mul3A_819 : i32 to vector<16xi32>
        %mul3A_821 = arith.muli %add3A_814, %mul3A_820 : vector<16xi32>
        %add3A_822 = vector.broadcast %mul3A_4 : i32 to vector<16xi32>
        %add3A_823 = arith.addi %add3A_822, %mul3A_821 : vector<16xi32>
        %add3A_824 = vector.broadcast %add3A_810 : i32 to vector<16xi32>
        %add3A_825 = arith.addi %add3A_823, %add3A_824 : vector<16xi32>
        %swap3A_826 = arith.index_cast %rem3A_689 : i32 to index
        %swap3A_827 = arith.constant 96 : index
        %swap3A_828 = tpu.vector_load %arg9[%swap3A_826, %swap3A_827] {strides = array<i32>} : memref<4x128xi32, #tpu.memory_space<vmem>>, vector<16xi32>,
        tpu.vector_store %arg9[%swap3A_826, %swap3A_827], %add3A_825 {strides = array<i32>} : memref<4x128xi32, #tpu.memory_space<vmem>>, vector<16xi32>,
        %add3A_829 = arith.constant 16 : i32
        %add3A_830 = vector.broadcast %add3A_829 : i32 to vector<16xi32>
        %add3A_831 = arith.addi %iota3A, %add3A_830 : vector<16xi32>
        %gather3A_832 = tpu.vector_load_idx %arg7[%add3A_831, %broadcast_in_dim3A_811] : memref<32x200xi32, #tpu.memory_space<vmem>>[vector<16xi32>, vector<16xi32>], vector<16xi32>,
        %swap3A_833 = arith.index_cast %rem3A_689 : i32 to index
        %swap3A_834 = arith.constant 112 : index
        %swap3A_835 = tpu.vector_load %arg8[%swap3A_833, %swap3A_834] {strides = array<i32>} : memref<4x128xi32, #tpu.memory_space<vmem>>, vector<16xi32>,
        tpu.vector_store %arg8[%swap3A_833, %swap3A_834], %gather3A_832 {strides = array<i32>} : memref<4x128xi32, #tpu.memory_space<vmem>>, vector<16xi32>,
        %mul3A_836 = arith.constant 200 : i32
        %mul3A_837 = vector.broadcast %mul3A_836 : i32 to vector<16xi32>
        %mul3A_838 = arith.muli %add3A_831, %mul3A_837 : vector<16xi32>
        %add3A_839 = vector.broadcast %mul3A_4 : i32 to vector<16xi32>
        %add3A_840 = arith.addi %add3A_839, %mul3A_838 : vector<16xi32>
        %add3A_841 = vector.broadcast %add3A_810 : i32 to vector<16xi32>
        %add3A_842 = arith.addi %add3A_840, %add3A_841 : vector<16xi32>
        %swap3A_843 = arith.index_cast %rem3A_689 : i32 to index
        %swap3A_844 = arith.constant 112 : index
        %swap3A_845 = tpu.vector_load %arg9[%swap3A_843, %swap3A_844] {strides = array<i32>} : memref<4x128xi32, #tpu.memory_space<vmem>>, vector<16xi32>,
        tpu.vector_store %arg9[%swap3A_843, %swap3A_844], %add3A_842 {strides = array<i32>} : memref<4x128xi32, #tpu.memory_space<vmem>>, vector<16xi32>,
        %add3A_846 = arith.constant 2 : i32
        %add3A_847 = arith.addi %add3A_521, %add3A_846 : i32
        %rem3A_848 = arith.constant 4 : i32
        %rem3A_849 = arith.remsi %add3A_847, %rem3A_848 : i32
        %dma_start3A_850 = arith.constant 0 : i32
        %dma_start3A_851 = tpu.memref_slice %arg8[%rem3A_849, %dma_start3A_850] : memref<4x128xi32, #tpu.memory_space<vmem>> -> memref<1x128xi32, #tpu.memory_space<vmem>>
        %dma_start3A_852 = tpu.memref_squeeze %dma_start3A_851 : memref<1x128xi32, #tpu.memory_space<vmem>> -> memref<128xi32, #tpu.memory_space<vmem>>
        %dma_start3A_853 = arith.constant 0 : i32
        %dma_start3A_854 = arith.constant 0 : i32
        %dma_start3A_855 = tpu.memref_slice %arg5[%dma_start3A_853, %dma_start3A_854] : memref<1000000x64xf32, #tpu.memory_space<hbm>> -> memref<1000000x64xf32, #tpu.memory_space<hbm>>
        tpu.enqueue_indirect_dma source(%dma_start3A_855 : memref<1000000x64xf32, #tpu.memory_space<hbm>>) target(%arg13 : memref<128x64xf32, #tpu.memory_space<vmem>>) offsets(%dma_start3A_852 : memref<128xi32, #tpu.memory_space<vmem>>) semaphore(%arg17 : memref<!tpu.dma_semaphore, #tpu.memory_space<semaphore_mem>>)
      } else {
      }
    }
    %scan3A_336 = arith.constant 25 : i32
    %rem3A_337 = arith.constant 48 : i32
    %rem3A_338 = arith.constant 4 : i32
    %rem3A_339 = arith.remsi %rem3A_337, %rem3A_338 : i32
    %dma_wait3A = arith.constant 0 : i32
    %dma_wait3A_340 = tpu.memref_slice %arg9[%rem3A_339, %dma_wait3A] : memref<4x128xi32, #tpu.memory_space<vmem>> -> memref<1x128xi32, #tpu.memory_space<vmem>>
    %dma_wait3A_341 = tpu.memref_squeeze %dma_wait3A_340 : memref<1x128xi32, #tpu.memory_space<vmem>> -> memref<128xi32, #tpu.memory_space<vmem>>
    %dma_wait3A_342 = arith.constant 0 : i32
    %dma_wait3A_343 = arith.constant 0 : i32
    %dma_wait3A_344 = tpu.memref_slice %arg6[%dma_wait3A_342, %dma_wait3A_343] : memref<204800x64xf32, #tpu.memory_space<hbm>> -> memref<204800x64xf32, #tpu.memory_space<hbm>>
    tpu.wait_indirect_dma semaphore(%arg18 : memref<!tpu.dma_semaphore, #tpu.memory_space<semaphore_mem>>) src(%arg14 : memref<128x64xf32, #tpu.memory_space<vmem>>) dst(%dma_wait3A_344 : memref<204800x64xf32, #tpu.memory_space<hbm>>)
    %rem3A_345 = arith.constant 49 : i32
    %rem3A_346 = arith.constant 4 : i32
    %rem3A_347 = arith.remsi %rem3A_345, %rem3A_346 : i32
    %dma_wait3A_348 = arith.constant 0 : i32
    %dma_wait3A_349 = tpu.memref_slice %arg9[%rem3A_347, %dma_wait3A_348] : memref<4x128xi32, #tpu.memory_space<vmem>> -> memref<1x128xi32, #tpu.memory_space<vmem>>
    %dma_wait3A_350 = tpu.memref_squeeze %dma_wait3A_349 : memref<1x128xi32, #tpu.memory_space<vmem>> -> memref<128xi32, #tpu.memory_space<vmem>>
    %dma_wait3A_351 = arith.constant 0 : i32
    %dma_wait3A_352 = arith.constant 0 : i32
    %dma_wait3A_353 = tpu.memref_slice %arg6[%dma_wait3A_351, %dma_wait3A_352] : memref<204800x64xf32, #tpu.memory_space<hbm>> -> memref<204800x64xf32, #tpu.memory_space<hbm>>
    tpu.wait_indirect_dma semaphore(%arg19 : memref<!tpu.dma_semaphore, #tpu.memory_space<semaphore_mem>>) src(%arg15 : memref<128x64xf32, #tpu.memory_space<vmem>>) dst(%dma_wait3A_353 : memref<204800x64xf32, #tpu.memory_space<hbm>>)
    return
  }
}

</mosaic_0001>

<sc_bundles>
// kernel: kernel.3.cloned.1.call-start
scs
__scs_entry_jumppad:
0x0: {  	(pc) =	sbr.rel $0x88, $3  }
0x1: {  	(tag) =	ssettag $0x0;
	lr =	simm.s32 $0x1  }
0x2: {  	[smem:$0x3F9F] =	sst lr;
	_ =	strace $0xD0000000  }
0x3: {  	_ = 	snop  }
0x4: {  	_ = 	snop  }
0x5: {  	_ = 	snop  }
0x6: {  	_ = 	snop  }
0x7: {  	_ = 	snop  }
__scs_overlays_trampoline_lowered:
0x8: {  	[smem:$0x3FAE] =	sst s0  }
0x9: {  	[smem:$0x3FAF] =	sst s1  }
0xa: {  	[smem:$0x3FB0] =	sst s2  }
0xb: {  	[smem:$0x3FB1] =	sst s3  }
0xc: {  	[smem:$0x3FB2] =	sst s4  }
0xd: {  	[smem:$0x3FB3] =	sst s5  }
0xe: {  	[smem:$0x3FB4] =	sst s6  }
0xf: {  	[smem:$0x3FB5] =	sst s7  }
0x10: {  	[smem:$0x3FB6] =	sst s8  }
0x11: {  	[smem:$0x3FB7] =	sst s9;
	s0 =	simm.s32 @!p0 $0x0  }
0x12: {  	s1 =	sld [smem:$0x3F9D];
	s0 =	simm.s32 @p0 $0x1  }
0x13: {  	[smem:$0x3FB8] =	sst s0;
	s0 =	simm.s32 @!p1 $0x0  }
0x14: {  	s2 =	sld [smem:$0x3F9C];
	s0 =	simm.s32 @p1 $0x1  }
0x15: {  	[smem:$0x3FB9] =	sst s0;
	s0 =	simm.s32 @!p2 $0x0  }
0x16: {  	s3 =	sld [smem:$0x3FDB];
	s0 =	simm.s32 @p2 $0x1  }
0x17: {  	s4 =	simm.s32 $0x1BF5;
	[smem:$0x3FBB] =	sst s0  }
0x18: {  	s0 =	sld [smem:$0x3F9E];
	_ =	swait.ge [sflag:s4], $0x0  }
0x19: {  	s7 =	sld [smem:$0x3F9F]  }
0x1a: {  	s8 =	sadd.s32 $0xFFFFE003, lr  }
0x1b: {  	s9 =	sadd.s32 $0xFFFFFEF7, lr;
	s5 =	simm.s32 $0xFFFFFFFF;
	p2 =	slt.u32 s8, $0xFFFFF086  }
0x1c: {  	p1 =	slt.u32 s9, $0xF7A;
	s5 =	simm.s32 @!p2 $0x0  }
0x1d: {  	s5 =	simm.s32 @p1 $0x1;
	p0 =	seq.s32 s7, s2  }
0x1e: {  	s7 =	smul.u32 @!p0 $0xF7A, s2;
	p2 =	seq.s32 @!p0 s5, $0x0  }
0x1f: {  	s9 =	smul.u32 $0xF7A, s1;
	s8 =	simm.s32 @!p0 $0x1BF5;
	p2 =	por !p2, p0  }
0x20: {  	[sflag:s8] =	ssyncset.s32 @!p0 $0xFFFFF086;
	s6 =	sadd.s32 @!p0 s3, s7;
	s7 =	simm.s32 @!p0 $0x108  }
0x21: {  	s3 =	sadd.s32 s3, s9;
	s6 =	sadd.s32 @!p0 $0x88, s6;
	s7 =	simm.s32 @p2 $0x1082  }
0x22: {  	[simem:s7], [sflag:s8] =	dma.local @!p0 [hbm:s6], $0xF7A  }
0x23: {  	s9 =	sor.u32 $0xD0000000, s2;
	s6 =	simm.s32 $0x108;
	_ =	swait.ge @!p0 [sflag:s8], $0x0  }
0x24: {  	s3 =	sadd.s32 $0x88, s3;
	s6 =	simm.s32 @!p1 $0x1082;
	[sflag:s4] =	ssyncset.s32 $0xFFFFF086  }
0x25: {  	[simem:s6], [sflag:s4] =	dma.local [hbm:s3], $0xF7A  }
0x26: {  	[smem:$0x3F9F] =	sst s1;
	(tag) =	ssettag s2;
	_ =	strace s9  }
0x27: {  	s1 =	sld [smem:$0x3FAF]  }
0x28: {  	s2 =	sld [smem:$0x3FB0]  }
0x29: {  	s4 =	sld [smem:$0x3FB2]  }
0x2a: {  	p0 =	seq.s32 s5, $0x0;
	s5 =	sld [smem:$0x3FB3]  }
0x2b: {  	s6 =	sld [smem:$0x3FB4]  }
0x2c: {  	s7 =	sld [smem:$0x3FB5]  }
0x2d: {  	s3 =	simm.s32 $0x108;
	s8 =	sld [smem:$0x3FB6]  }
0x2e: {  	s3 =	simm.s32 @!p0 $0x1082;
	s9 =	sld [smem:$0x3FB7]  }
0x2f: {  	lr =	sadd.s32 s0, s3;
	s0 =	sld [smem:$0x3FAE]  }
0x30: {  	s3 =	sld [smem:$0x3FB1]  }
0x31: {  	[smem:$0x3FBA] =	sst s10  }
0x32: {  	s10 =	sld [smem:$0x3FB8];
	_ =	sdelay $0x3  }
0x33: {  	p0 =	seq.s32 s10, $0x1;
	s10 =	sld [smem:$0x3FBA];
	_ =	sdelay $0x3  }
0x34: {  	[smem:$0x3FBA] =	sst s10  }
0x35: {  	s10 =	sld [smem:$0x3FB9];
	_ =	sdelay $0x3  }
0x36: {  	p1 =	seq.s32 s10, $0x1;
	s10 =	sld [smem:$0x3FBA];
	_ =	sdelay $0x3  }
0x37: {  	[smem:$0x3FBA] =	sst s10  }
0x38: {  	s10 =	sld [smem:$0x3FBB]  }
0x39: {  	_ = 	snop;
	(pc) =	sbr.ind lr, $3  }
0x3a: {  	_ = 	snop  }
0x3b: {  	_ = 	snop  }
0x3c: {  	p2 =	seq.s32 s10, $0x1;
	s10 =	sld [smem:$0x3FBA]  }
0x3d: {  	_ =	shalt  }
0x3e: {  	_ =	shalt  }
0x3f: {  	_ =	shalt  }
0x40: {  	_ =	shalt  }
0x41: {  	_ =	shalt  }
0x42: {  	_ =	shalt  }
0x43: {  	_ =	shalt  }
0x44: {  	_ =	shalt  }
0x45: {  	_ =	shalt  }
0x46: {  	_ =	shalt  }
0x47: {  	_ =	shalt  }
0x48: {  	_ =	shalt  }
0x49: {  	_ =	shalt  }
0x4a: {  	_ =	shalt  }
0x4b: {  	_ =	shalt  }
0x4c: {  	_ =	shalt  }
0x4d: {  	_ =	shalt  }
0x4e: {  	_ =	shalt  }
0x4f: {  	_ =	shalt  }
0x50: {  	_ =	shalt  }
0x51: {  	_ =	shalt  }
0x52: {  	_ =	shalt  }
0x53: {  	_ =	shalt  }
0x54: {  	_ =	shalt  }
0x55: {  	_ =	shalt  }
0x56: {  	_ =	shalt  }
0x57: {  	_ =	shalt  }
0x58: {  	_ =	shalt  }
0x59: {  	_ =	shalt  }
0x5a: {  	_ =	shalt  }
0x5b: {  	_ =	shalt  }
0x5c: {  	_ =	shalt  }
0x5d: {  	_ =	shalt  }
0x5e: {  	_ =	shalt  }
0x5f: {  	_ =	shalt  }
0x60: {  	_ =	shalt  }
0x61: {  	_ =	shalt  }
0x62: {  	_ =	shalt  }
0x63: {  	_ =	shalt  }
0x64: {  	_ =	shalt  }
0x65: {  	_ =	shalt  }
0x66: {  	_ =	shalt  }
0x67: {  	_ =	shalt  }
0x68: {  	_ =	shalt  }
0x69: {  	_ =	shalt  }
0x6a: {  	_ =	shalt  }
0x6b: {  	_ =	shalt  }
0x6c: {  	_ =	shalt  }
0x6d: {  	_ =	shalt  }
0x6e: {  	_ =	shalt  }
0x6f: {  	_ =	shalt  }
0x70: {  	_ =	shalt  }
0x71: {  	_ =	shalt  }
0x72: {  	_ =	shalt  }
0x73: {  	_ =	shalt  }
0x74: {  	_ =	shalt  }
0x75: {  	_ =	shalt  }
0x76: {  	_ =	shalt  }
0x77: {  	_ =	shalt  }
0x78: {  	_ =	shalt  }
0x79: {  	_ =	shalt  }
0x7a: {  	_ =	shalt  }
0x7b: {  	_ =	shalt  }
0x7c: {  	_ =	shalt  }
0x7d: {  	_ =	shalt  }
0x7e: {  	_ =	shalt  }
0x7f: {  	_ =	shalt  }
0x80: {  	_ =	shalt  }
0x81: {  	_ =	shalt  }
0x82: {  	_ =	shalt  }
0x83: {  	_ =	shalt  }
0x84: {  	_ =	shalt  }
0x85: {  	_ =	shalt  }
0x86: {  	_ =	shalt  }
0x87: {  	_ =	shalt  }
.Lfunc_end0:
.L_simem_size_0:
called_computation.1_lowered:
.L_overlay_start_0:
0x88: {  	s2 =	sld [smem:$0x3FD9]  }
0x89: {  	s3 =	sld [smem:$0x3FFE];
	_ =	sdelay $0x1  }
0x8a: {  	s1 =	srdreg.scid  }
0x8b: {  	s0 =	sand.u32 $0x1, s1  }
0x8c: {  	s17 =	sshll.u32 s0, $0xA;
	s2 =	sadd.s32 s3, s2  }
0x8d: {  	s2 =	sadd.s32 s2, s17  }
0x8e: {  	[smem:$0x3FC6] =	sst s2  }
0x8f: {  	_ = 	snop  }
0x90: {  	s2 =	sld [smem:$0x3FD0];
	(tm) =	ssettm $0x1  }
0x91: {  	s18 =	sld [smem:$0x3FFB];
	_ =	sdelay $0x3  }
0x92: {  	_ =	strace s18  }
0x93: {  	s3 =	sld [smem:$0x3FFC];
	_ =	sdelay $0x3  }
0x94: {  	_ =	strace s3  }
0x95: {  	s3 =	sld [smem:$0x3FFD];
	_ =	sdelay $0x3  }
0x96: {  	_ =	strace s3  }
0x97: {  	_ =	strace $0x8FFFFFFF  }
0x98: {  	s19 =	sld [smem:$0x3FDB];
	_ =	sdelay $0x1  }
0x99: {  	s4 =	simm.s32 $_scs_section_size  }
0x9a: {  	s5 =	simm.s32 $_size__tile_overlayer_lowered;
	s6 =	simm.s32 $_tile_overlayer_lowered  }
0x9b: {  	s22 =	simm.s32 $0x1BFF;
	s21 =	sshll.u32 s6, $0x1;
	s3 =	sadd.s32 s4, s19  }
0x9c: {  	s7 =	simm.s32 $0x0;
	s20 =	sshll.u32 s5, $0x1;
	s5 =	sadd.s32 s21, s3  }
0x9d: {  	[timem:s7], [sflag:s22] =	dma.local [hbm:s5], s20  }
0x9e: {  	_ =	swait.ge [sflag:s22], s20  }
0x9f: {  	s4 =	ssub.s32 $0x0, s20;
	[sflag:s22] =	ssyncset.done $0x0  }
0xa0: {  	[sflag:s22] =	ssyncadd.s32 s4;
	_ =	sdelay $0x1  }
0xa1: {  	s23 =	simm.s32 $0x1B8B  }
0xa2: {  	_ =	swait.ge [sflag:s23], $0x1  }
0xa3: {  	[sflag:s23] =	ssyncset.done $0x0  }
0xa4: {  	s25 =	simm.s32 $0x1B8E;
	s24 =	sld [smem:$0x3FFE];
	[sflag:s23] =	ssyncadd.s32 $0xFFFFFFFF  }
0xa5: {  	s26 =	simm.s32 $execute0_lowered;
	[smem:$0x3FD2] =	sst s25  }
0xa6: {  	s5 =	sshll.u32 s26, $0x1;
	_ =	strace $0x80000046;
	[dreg:$0x1] =	wrdreg $0xFFFFFFFF  }
0xa7: {  	s28 =	simm.s32 $_size_execute0_lowered;
	s3 =	sadd.s32 s3, s5;
	[dreg:$0x0] =	wrdreg $0x0  }
0xa8: {  	s5 =	sshll.u32 s28, $0x1;
	[dreg:$0x2] =	wrdreg s3  }
0xa9: {  	[dreg:$0x3] =	wrdreg s5  }
0xaa: {  	[dreg:$0x4] =	wrdreg $0xC0  }
0xab: {  	_ =	task [dreg:s7], $0x5FFFF  }
0xac: {  	[dreg:$0x1] =	wrdreg $0xFFFFFFFF  }
0xad: {  	[dreg:$0x0] =	wrdreg $0x60  }
0xae: {  	[dreg:$0x2] =	wrdreg s24  }
0xaf: {  	[dreg:$0x3] =	wrdreg s2  }
0xb0: {  	[dreg:$0x4] =	wrdreg $0x9  }
0xb1: {  	_ =	task.clear_ibuf [dreg:s7], $0x5FFFF;
	_ =	strace $0x90000046  }
0xb2: {  	s29 =	simm.s32 $0x9;
	_ =	strace $0x80000048  }
0xb3: {  	_ =	swait.ge [sflag:s29], $0x1  }
0xb4: {  	[sflag:s29] =	ssyncadd.s32 $0xFFFFFFFF  }
0xb5: {  	_ =	strace $0x90000048  }
0xb6: {  	_ =	sfence  }
0xb7: {  	s30 =	sld [smem:$0x0];
	_ =	sdelay $0x2  }
0xb8: {  	s31 =	sshll.u32 s1, $0xD;
	s1 =	sshrl.u32 s1, $0x2  }
0xb9: {  	s3 =	sand.u32 $0x4000, s31;
	s1 =	sadd.s32 s1, s30  }
0xba: {  	s0 =	sor.u32 s3, s0;
	s1 =	sshll.u32 s1, $0x11  }
0xbb: {  	s0 =	sor.u32 s1, s0  }
0xbc: {  	s0 =	sadd.s32 $0x8F2B, s0  }
0xbd: {  	[sflag:s0] =	ssyncadd.remote.s32 $0x1  }
0xbe: {  	_ =	sfence.sel $0xFFFF  }
0xbf: {  	[dreg:$0x0] =	wrdreg $0xFFFFFFFF;
	(pc) =	sbr.abs _section_cstart, $3  }
0xc0: {  	[dreg:$0x1] =	wrdreg $0xFFFFFFFF  }
0xc1: {  	_ =	task.clear_ibuf [dreg:s7], $0x2FFFF;
	_ =	strace $0x9FFFFFFF  }
0xc2: {  	(tm) =	ssettm $0x7FFFFFFF  }
0xc3: {  	_ =	shalt  }
tec
execute0_lowered:
.L_overlay_start_1:
0x0: {  	(tag) =	ssettag $0x1  }
0x1: {  	v0 =	vlaneseq.u32  }
0x2: {  	v18 =	vimm.s32 $0xEFCDAB89;
	v0 =	vmul.u32 $0xC8, v0  }
0x3: {  	s1 =	srdreg.scid;
	s6 =	rddreg [dreg:$0x0];
	v19 =	vimm.s32 $0x67452301;
	v22 =	vunpack.c.l.s4.s8 v18  }
0x4: {  	s0 =	stileid.u32;
	s2 =	rddreg [dreg:$0x1];
	s3 =	simm.s32 $0x0;
	v23 =	vunpack.c.l.s4.s8 v19;
	v1 =	vadd.s32 $0xC80, v0;
	v4 =	vor.u32 $0x1, v0  }
0x5: {  	s10 =	simm.s32 $0x1D00;
	s4 =	sand.u32 $0x1, s1;
	s31 =	sshll.u32 s0, $0x1;
	v5 =	vadd.s32 $0xC81, v0;
	v6 =	vor.u32 $0x2, v0;
	v10 =	vadd.s32 $0xC82, v0  }
0x6: {  	s11 =	simm.s32 $0x4F00;
	s12 =	simm.s32 $0x80;
	s5 =	sor.u32 s4, s31;
	v11 =	vor.u32 $0x3, v0;
	v12 =	vadd.s32 $0xC83, v0;
	v16 =	vor.u32 $0x4, v0  }
0x7: {  	s13 =	simm.s32 $0x1900;
	s14 =	simm.s32 $0x8100;
	s21 =	smul.u32 $0x1900, s5;
	v17 =	vadd.s32 $0xC84, v0;
	v20 =	vor.u32 $0x5, v0;
	v21 =	vadd.s32 $0xC85, v0  }
0x8: {  	s15 =	simm.s32 $0x1980;
	s16 =	simm.s32 $0xA100;
	s17 =	simm.s32 $0x1;
	v27 =	vunpack.c.0.s8.s32 v22;
	v28 =	vunpack.c.0.s8.s32 v23;
	v24 =	vor.u32 $0x6, v0  }
0x9: {  	s18 =	simm.s32 $0xC100;
	s19 =	simm.s32 $0x2;
	s20 =	simm.s32 $0xE100;
	v26 =	vadd.s32 $0xC86, v0;
	v29 =	vadd.s32 $0xC87, v0;
	v2 =	vadd.s32 s21, v0  }
0xa: {  	s22 =	simm.s32 $0x4;
	s23 =	simm.s32 $0x0;
	s5 =	smul.u32 $0x320, s5;
	v3 =	vadd.s32 s21, v1;
	v7 =	vadd.s32 s21, v4;
	v8 =	vadd.s32 s21, v5  }
.Ltmp0:
0xb: {  	[smem:$0x7FF] =	sst s3;
	s7 =	ssub.s32 $0x2, s4;
	v9 =	vadd.s32 s21, v6;
	v13 =	vadd.s32 s21, v10;
	v14 =	vadd.s32 s21, v11;
	(pc) =	sbr.rel .LBB2_1-.Ltmp0, $4  }
0xc: {  	s1 =	rddreg [dreg:$0x2];
	_ =	strace $0x80000047;
	s9 =	sshrl.u32 s7, $0x1;
	v15 =	vadd.s32 s21, v12;
	v18 =	vadd.s32 s21, v16;
	v19 =	vadd.s32 s21, v17  }
0xd: {  	s4 =	sadd.s32 $0x1400, s6;
	s9 =	ssub.s32 s7, s9;
	s8 =	sadd.s32 s5, s6;
	v22 =	vadd.s32 s21, v20;
	v23 =	vadd.s32 s21, v21;
	v32 =	vcombine.low v28, v27  }
0xe: {  	s5 =	sadd.s32 $0xC00, s6;
	s6 =	sadd.s32 $0xF44000, s6;
	v25 =	vadd.s32 s21, v24;
	v27 =	vadd.s32 s21, v26;
	v28 =	vor.u32 $0x7, v0;
	s7 =	sadd.s32 $0x1C00, s8  }
0xf: {  	v31 =	vadd.s32 s21, v29;
	s8 =	smax.u32 s9, $0x1;
	s9 =	simm.s32 $0x5;
	v30 =	vadd.s32 s21, v28;
	s21 =	simm.s32 $0x3;
	v32 =	vand.u32 $0xF, v32  }
.LBB2_20:
0x10: {  	s23 =	sadd.s32 $0x1, s23  }
0x11: {  	_ =	swait.ge [sflag:s21], $0x2000;
	p0 =	sne.s32 s23, s8  }
.Ltmp1:
0x12: {  	[sflag:s21] =	ssyncset.done $0x0;
	(pc) =	sbr.rel @!p0 .LBB2_21-.Ltmp1, $4  }
0x13: {  	[sflag:s21] =	ssyncadd.s32 $0xFFFFE000  }
0x14: {  	_ =	swait.ge [sflag:s22], $0x2000  }
0x15: {  	[sflag:s22] =	ssyncset.done $0x0  }
0x16: {  	[sflag:s22] =	ssyncadd.s32 $0xFFFFE000  }
.LBB2_1:
0x17: {  	[tilespmem:s3], [sflag:$0x5] =	stream.linear.gather [hbm4b:s7+s3], $0x1900, $0x38;
	[tilespmem:$0x10100] =	vst v63  }
0x18: {  	_ =	swait.ge [sflag:s9], $0x1900  }
0x19: {  	[sflag:s9] =	ssyncset.done $0x0  }
0x1a: {  	[sflag:s9] =	ssyncadd.s32 $0xFFFFE700  }
0x1b: {  	[tilespmem:s10], [sflag:$0x5] =	stream.linear.gather [hbm4b:s4+s3], $0x3200, $0x38;
	[tilespmem:$0x10100] =	vst v63  }
0x1c: {  	_ =	swait.ge [sflag:s9], $0x3200  }
0x1d: {  	[sflag:s9] =	ssyncset.done $0x0  }
0x1e: {  	[sflag:s9] =	ssyncadd.s32 $0xFFFFCE00  }
0x1f: {  	[tilespmem:s11], [sflag:$0x5] =	stream.linear.gather [hbm4b:s5+s3], $0x3200, $0x38;
	[tilespmem:$0x10100] =	vst v63  }
0x20: {  	_ =	swait.ge [sflag:s9], $0x3200  }
0x21: {  	[sflag:s9] =	ssyncset.done $0x0  }
0x22: {  	[sflag:s9] =	ssyncadd.s32 $0xFFFFCE00  }
0x23: {  	v33 =	vld.idx.msk [tilespmem:v0+s3+$0x0], $0xffff;
	_ =	sdelay $0x3  }
0x24: {  	[tilespmem:$0x1B00] =	vst v2  }
0x25: {  	[tilespmem:$0x1900] =	vst v33  }
0x26: {  	v33 =	vld.idx.msk [tilespmem:v1+s3+$0x0], $0xffff;
	_ =	sdelay $0x3  }
0x27: {  	[tilespmem:$0x1B10] =	vst v3  }
0x28: {  	[tilespmem:$0x1910] =	vst v33  }
0x29: {  	v33 =	vld.idx.msk [tilespmem:v4+s3+$0x0], $0xffff;
	_ =	sdelay $0x3  }
0x2a: {  	[tilespmem:$0x1B20] =	vst v7  }
0x2b: {  	[tilespmem:$0x1920] =	vst v33  }
0x2c: {  	v33 =	vld.idx.msk [tilespmem:v5+s3+$0x0], $0xffff;
	_ =	sdelay $0x3  }
0x2d: {  	[tilespmem:$0x1B30] =	vst v8  }
0x2e: {  	[tilespmem:$0x1930] =	vst v33  }
0x2f: {  	v33 =	vld.idx.msk [tilespmem:v6+s3+$0x0], $0xffff;
	_ =	sdelay $0x3  }
0x30: {  	[tilespmem:$0x1B40] =	vst v9  }
0x31: {  	[tilespmem:$0x1940] =	vst v33  }
0x32: {  	v33 =	vld.idx.msk [tilespmem:v10+s3+$0x0], $0xffff;
	_ =	sdelay $0x3  }
0x33: {  	[tilespmem:$0x1B50] =	vst v13  }
0x34: {  	[tilespmem:$0x1950] =	vst v33  }
0x35: {  	v33 =	vld.idx.msk [tilespmem:v11+s3+$0x0], $0xffff;
	_ =	sdelay $0x3  }
0x36: {  	[tilespmem:$0x1B60] =	vst v14  }
0x37: {  	[tilespmem:$0x1960] =	vst v33  }
0x38: {  	v33 =	vld.idx.msk [tilespmem:v12+s3+$0x0], $0xffff;
	_ =	sdelay $0x3  }
0x39: {  	[tilespmem:$0x1B70] =	vst v15  }
0x3a: {  	[tilespmem:$0x1970] =	vst v33  }
0x3b: {  	[tilespmem:s14], [sflag:$0x1] =	stream.indirect.gather [hbm4b:s6+s12], $0x40, s13, s12, $0xb8;
	[tilespmem:$0x10100] =	vst v63  }
0x3c: {  	v33 =	vld.idx.msk [tilespmem:v16+s3+$0x0], $0xffff;
	_ =	sdelay $0x3  }
0x3d: {  	[tilespmem:$0x1B80] =	vst v18  }
0x3e: {  	[tilespmem:$0x1980] =	vst v33  }
0x3f: {  	v33 =	vld.idx.msk [tilespmem:v17+s3+$0x0], $0xffff;
	_ =	sdelay $0x3  }
0x40: {  	[tilespmem:$0x1B90] =	vst v19  }
0x41: {  	[tilespmem:$0x1990] =	vst v33  }
0x42: {  	v33 =	vld.idx.msk [tilespmem:v20+s3+$0x0], $0xffff;
	_ =	sdelay $0x3  }
0x43: {  	[tilespmem:$0x1BA0] =	vst v22  }
0x44: {  	[tilespmem:$0x19A0] =	vst v33  }
0x45: {  	v33 =	vld.idx.msk [tilespmem:v21+s3+$0x0], $0xffff;
	_ =	sdelay $0x3  }
0x46: {  	[tilespmem:$0x1BB0] =	vst v23  }
0x47: {  	[tilespmem:$0x19B0] =	vst v33  }
0x48: {  	v33 =	vld.idx.msk [tilespmem:v24+s3+$0x0], $0xffff;
	_ =	sdelay $0x3  }
0x49: {  	[tilespmem:$0x1BC0] =	vst v25  }
0x4a: {  	[tilespmem:$0x19C0] =	vst v33  }
0x4b: {  	v33 =	vld.idx.msk [tilespmem:v26+s3+$0x0], $0xffff;
	_ =	sdelay $0x3  }
0x4c: {  	[tilespmem:$0x1BD0] =	vst v27  }
0x4d: {  	[tilespmem:$0x19D0] =	vst v33  }
0x4e: {  	v33 =	vld.idx.msk [tilespmem:v28+s3+$0x0], $0xffff;
	_ =	sdelay $0x3  }
0x4f: {  	[tilespmem:$0x1BE0] =	vst v30  }
0x50: {  	[tilespmem:$0x19E0] =	vst v33  }
0x51: {  	v33 =	vld.idx.msk [tilespmem:v29+s3+$0x0], $0xffff;
	_ =	sdelay $0x3  }
0x52: {  	[tilespmem:$0x1BF0] =	vst v31  }
0x53: {  	s24 =	simm.s32 $0x0;
	[tilespmem:$0x19F0] =	vst v33  }
0x54: {  	[tilespmem:s16], [sflag:$0x2] =	stream.indirect.gather [hbm4b:s6+s12], $0x40, s15, s12, $0xb8;
	[tilespmem:$0x10100] =	vst v63  }
.LBB2_2:
0x55: {  	_ =	swait.ge [sflag:s17], $0x2000  }
0x56: {  	p0 =	seq.s32 s24, $0x0;
	[sflag:s17] =	ssyncset.done $0x0  }
0x57: {  	s25 =	simm.s32 @!p0 $0x3;
	[sflag:s17] =	ssyncadd.s32 $0xFFFFE000  }
0x58: {  	_ =	swait.ge @!p0 [sflag:s25], $0x2000  }
0x59: {  	[sflag:s25] =	ssyncset.done @!p0 $0x0  }
0x5a: {  	s31 =	simm.s32 $0x8140;
	[sflag:s25] =	ssyncadd.s32 @!p0 $0xFFFFE000  }
0x5b: {  	s26 =	sshll.u32 s24, $0x9;
	v38 =	vld [tilespmem:s31+$0xFFFFFFC0]  }
0x5c: {  	v33 =	vld [tilespmem:s26+$0x1D00]  }
0x5d: {  	v34 =	vld [tilespmem:s26+$0x4F00];
	_ =	sdelay $0x2  }
0x5e: {  	v39 =	vperm.xlane v38, v32  }
0x5f: {  	v35 =	vld [tilespmem:s26+$0x1D10]  }
0x60: {  	v36 =	vld [tilespmem:s26+$0x1D20];
	v40 =	vmul.f32 v38, v33;
	v41 =	vmul.f32 v39, v34  }
0x61: {  	v37 =	vld [tilespmem:s26+$0x1D30]  }
0x62: {  	v38 =	vld [tilespmem:s26+$0x4F10];
	v41 =	vadd.f32 v41, v40  }
0x63: {  	s28 =	simm.s32 $0xC140;
	v39 =	vld [tilespmem:s26+$0x4F20]  }
0x64: {  	v40 =	vld [tilespmem:s26+$0x4F30];
	[tilespmem:s28+$0xFFFFFFC0] =	vst v41  }
0x65: {  	v41 =	vld [tilespmem:s31+$0xFFFFFFD0];
	_ =	sdelay $0x4  }
0x66: {  	v42 =	vperm.xlane v41, v32;
	_ =	sdelay $0x1  }
0x67: {  	v41 =	vmul.f32 v41, v35;
	v42 =	vmul.f32 v42, v38;
	_ =	sdelay $0x1  }
0x68: {  	v41 =	vadd.f32 v42, v41;
	_ =	sdelay $0x1  }
0x69: {  	[tilespmem:s28+$0xFFFFFFD0] =	vst v41  }
0x6a: {  	v41 =	vld [tilespmem:s31+$0xFFFFFFE0];
	_ =	sdelay $0x4  }
0x6b: {  	v58 =	vperm.xlane v41, v32;
	_ =	sdelay $0x1  }
0x6c: {  	v41 =	vmul.f32 v41, v36;
	v42 =	vmul.f32 v58, v39;
	_ =	sdelay $0x1  }
0x6d: {  	v41 =	vadd.f32 v42, v41;
	_ =	sdelay $0x1  }
0x6e: {  	[tilespmem:s28+$0xFFFFFFE0] =	vst v41  }
0x6f: {  	v41 =	vld [tilespmem:s31+$0xFFFFFFF0];
	_ =	sdelay $0x4  }
0x70: {  	v59 =	vperm.xlane v41, v32;
	_ =	sdelay $0x1  }
0x71: {  	v41 =	vmul.f32 v41, v37;
	v42 =	vmul.f32 v59, v40;
	_ =	sdelay $0x1  }
0x72: {  	v41 =	vadd.f32 v42, v41;
	_ =	sdelay $0x1  }
0x73: {  	[tilespmem:s28+$0xFFFFFFF0] =	vst v41  }
0x74: {  	v41 =	vld [tilespmem:s31+$0x0];
	_ =	sdelay $0x4  }
0x75: {  	v60 =	vperm.xlane v41, v32;
	_ =	sdelay $0x1  }
0x76: {  	v41 =	vmul.f32 v41, v33;
	v42 =	vmul.f32 v60, v34;
	_ =	sdelay $0x1  }
0x77: {  	v41 =	vadd.f32 v42, v41;
	_ =	sdelay $0x1  }
0x78: {  	[tilespmem:s28+$0x0] =	vst v41  }
0x79: {  	v41 =	vld [tilespmem:s31+$0x10];
	_ =	sdelay $0x4  }
0x7a: {  	v61 =	vperm.xlane v41, v32;
	_ =	sdelay $0x1  }
0x7b: {  	v41 =	vmul.f32 v41, v35;
	v42 =	vmul.f32 v61, v38;
	_ =	sdelay $0x1  }
0x7c: {  	v41 =	vadd.f32 v42, v41;
	_ =	sdelay $0x1  }
0x7d: {  	[tilespmem:s28+$0x10] =	vst v41  }
0x7e: {  	v41 =	vld [tilespmem:s31+$0x20];
	_ =	sdelay $0x4  }
0x7f: {  	v62 =	vperm.xlane v41, v32;
	_ =	sdelay $0x1  }
0x80: {  	v41 =	vmul.f32 v41, v36;
	v42 =	vmul.f32 v62, v39;
	_ =	sdelay $0x1  }
0x81: {  	v41 =	vadd.f32 v42, v41;
	_ =	sdelay $0x1  }
0x82: {  	[tilespmem:s28+$0x20] =	vst v41  }
0x83: {  	v41 =	vld [tilespmem:s31+$0x30];
	_ =	sdelay $0x4  }
0x84: {  	v63 =	vperm.xlane v41, v32;
	_ =	sdelay $0x1  }
0x85: {  	v41 =	vmul.f32 v41, v37;
	v42 =	vmul.f32 v63, v40;
	_ =	sdelay $0x1  }
0x86: {  	v41 =	vadd.f32 v42, v41;
	_ =	sdelay $0x1  }
0x87: {  	s29 =	simm.s32 $0x0;
	s30 =	simm.s32 $0x81C0;
	s25 =	sshll.u32 s24, $0x1;
	[tilespmem:s28+$0x30] =	vst v41  }
.LBB2_3:
0x88: {  	v41 =	vld [tilespmem:s30+$0xFFFFFFC0];
	s29 =	sadd.s32 $0x2, s29  }
0x89: {  	p1 =	slt.u32 s29, $0x1E;
	_ =	sdelay $0x3  }
0x8a: {  	v42 =	vperm.xlane v41, v32;
	_ =	sdelay $0x1  }
0x8b: {  	v41 =	vmul.f32 v41, v33;
	v42 =	vmul.f32 v42, v34;
	_ =	sdelay $0x1  }
0x8c: {  	v41 =	vadd.f32 v42, v41  }
0x8d: {  	s28 =	sadd.s32 $0x80, s28  }
0x8e: {  	[tilespmem:s28+$0xFFFFFFC0] =	vst v41  }
0x8f: {  	v41 =	vld [tilespmem:s30+$0xFFFFFFD0];
	_ =	sdelay $0x4  }
0x90: {  	v42 =	vperm.xlane v41, v32;
	_ =	sdelay $0x1  }
0x91: {  	v41 =	vmul.f32 v41, v35;
	v42 =	vmul.f32 v42, v38;
	_ =	sdelay $0x1  }
0x92: {  	v41 =	vadd.f32 v42, v41;
	_ =	sdelay $0x1  }
0x93: {  	[tilespmem:s28+$0xFFFFFFD0] =	vst v41  }
0x94: {  	v41 =	vld [tilespmem:s30+$0xFFFFFFE0];
	_ =	sdelay $0x4  }
0x95: {  	v42 =	vperm.xlane v41, v32;
	_ =	sdelay $0x1  }
0x96: {  	v41 =	vmul.f32 v41, v36;
	v42 =	vmul.f32 v42, v39;
	_ =	sdelay $0x1  }
0x97: {  	v41 =	vadd.f32 v42, v41;
	_ =	sdelay $0x1  }
0x98: {  	[tilespmem:s28+$0xFFFFFFE0] =	vst v41  }
0x99: {  	v41 =	vld [tilespmem:s30+$0xFFFFFFF0];
	_ =	sdelay $0x4  }
0x9a: {  	v42 =	vperm.xlane v41, v32;
	_ =	sdelay $0x1  }
0x9b: {  	v41 =	vmul.f32 v41, v37;
	v42 =	vmul.f32 v42, v40;
	_ =	sdelay $0x1  }
0x9c: {  	v41 =	vadd.f32 v42, v41;
	_ =	sdelay $0x1  }
0x9d: {  	[tilespmem:s28+$0xFFFFFFF0] =	vst v41  }
0x9e: {  	v41 =	vld [tilespmem:s30+$0x0];
	_ =	sdelay $0x4  }
0x9f: {  	v42 =	vperm.xlane v41, v32;
	_ =	sdelay $0x1  }
0xa0: {  	v41 =	vmul.f32 v41, v33;
	v42 =	vmul.f32 v42, v34;
	_ =	sdelay $0x1  }
0xa1: {  	v41 =	vadd.f32 v42, v41;
	_ =	sdelay $0x1  }
0xa2: {  	[tilespmem:s28+$0x0] =	vst v41  }
0xa3: {  	v41 =	vld [tilespmem:s30+$0x10];
	_ =	sdelay $0x4  }
0xa4: {  	v42 =	vperm.xlane v41, v32;
	_ =	sdelay $0x1  }
0xa5: {  	v41 =	vmul.f32 v41, v35;
	v42 =	vmul.f32 v42, v38;
	_ =	sdelay $0x1  }
0xa6: {  	v41 =	vadd.f32 v42, v41;
	_ =	sdelay $0x1  }
0xa7: {  	[tilespmem:s28+$0x10] =	vst v41  }
0xa8: {  	v41 =	vld [tilespmem:s30+$0x20];
	_ =	sdelay $0x4  }
0xa9: {  	v42 =	vperm.xlane v41, v32;
	_ =	sdelay $0x1  }
0xaa: {  	v41 =	vmul.f32 v41, v36;
	v42 =	vmul.f32 v42, v39;
	_ =	sdelay $0x1  }
0xab: {  	v41 =	vadd.f32 v42, v41;
	_ =	sdelay $0x1  }
0xac: {  	[tilespmem:s28+$0x20] =	vst v41  }
0xad: {  	v41 =	vld [tilespmem:s30+$0x30];
	_ =	sdelay $0x4  }
0xae: {  	v42 =	vperm.xlane v41, v32;
	_ =	sdelay $0x1  }
.Ltmp2:
0xaf: {  	v41 =	vmul.f32 v41, v37;
	v42 =	vmul.f32 v42, v40;
	(pc) =	sbr.rel @p1 .LBB2_3-.Ltmp2, $3  }
0xb0: {  	_ = 	snop  }
0xb1: {  	v41 =	vadd.f32 v42, v41;
	_ =	sdelay $0x1  }
0xb2: {  	s30 =	sadd.s32 $0x80, s30;
	[tilespmem:s28+$0x30] =	vst v41  }
0xb3: {  	s29 =	simm.s32 $0x8970  }
0xb4: {  	v38 =	vld [tilespmem:s29+$0xFFFFFF90]  }
0xb5: {  	v33 =	vld [tilespmem:s26+$0x1D40]  }
0xb6: {  	v34 =	vld [tilespmem:s26+$0x4F40];
	_ =	sdelay $0x2  }
0xb7: {  	v39 =	vperm.xlane v38, v32  }
0xb8: {  	v35 =	vld [tilespmem:s26+$0x1D50]  }
0xb9: {  	v36 =	vld [tilespmem:s26+$0x1D60];
	v40 =	vmul.f32 v38, v33;
	v41 =	vmul.f32 v39, v34  }
0xba: {  	v37 =	vld [tilespmem:s26+$0x1D70]  }
0xbb: {  	v38 =	vld [tilespmem:s26+$0x4F50];
	v41 =	vadd.f32 v41, v40  }
0xbc: {  	s28 =	simm.s32 $0xC970;
	v39 =	vld [tilespmem:s26+$0x4F60]  }
0xbd: {  	v40 =	vld [tilespmem:s26+$0x4F70];
	[tilespmem:s28+$0xFFFFFF90] =	vst v41  }
0xbe: {  	v41 =	vld [tilespmem:s29+$0xFFFFFFA0];
	_ =	sdelay $0x4  }
0xbf: {  	v42 =	vperm.xlane v41, v32;
	_ =	sdelay $0x1  }
0xc0: {  	v41 =	vmul.f32 v41, v35;
	v42 =	vmul.f32 v42, v38;
	_ =	sdelay $0x1  }
0xc1: {  	v41 =	vadd.f32 v42, v41;
	_ =	sdelay $0x1  }
0xc2: {  	[tilespmem:s28+$0xFFFFFFA0] =	vst v41  }
0xc3: {  	v41 =	vld [tilespmem:s29+$0xFFFFFFB0];
	_ =	sdelay $0x4  }
0xc4: {  	v58 =	vperm.xlane v41, v32;
	_ =	sdelay $0x1  }
0xc5: {  	v41 =	vmul.f32 v41, v36;
	v42 =	vmul.f32 v58, v39;
	_ =	sdelay $0x1  }
0xc6: {  	v41 =	vadd.f32 v42, v41;
	_ =	sdelay $0x1  }
0xc7: {  	[tilespmem:s28+$0xFFFFFFB0] =	vst v41  }
0xc8: {  	v41 =	vld [tilespmem:s29+$0xFFFFFFC0];
	_ =	sdelay $0x4  }
0xc9: {  	v59 =	vperm.xlane v41, v32;
	_ =	sdelay $0x1  }
0xca: {  	v41 =	vmul.f32 v41, v37;
	v42 =	vmul.f32 v59, v40;
	_ =	sdelay $0x1  }
0xcb: {  	v41 =	vadd.f32 v42, v41;
	_ =	sdelay $0x1  }
0xcc: {  	[tilespmem:s28+$0xFFFFFFC0] =	vst v41  }
0xcd: {  	v41 =	vld [tilespmem:s29+$0xFFFFFFD0];
	_ =	sdelay $0x4  }
0xce: {  	v60 =	vperm.xlane v41, v32;
	_ =	sdelay $0x1  }
0xcf: {  	v41 =	vmul.f32 v41, v33;
	v42 =	vmul.f32 v60, v34;
	_ =	sdelay $0x1  }
0xd0: {  	v41 =	vadd.f32 v42, v41;
	_ =	sdelay $0x1  }
0xd1: {  	[tilespmem:s28+$0xFFFFFFD0] =	vst v41  }
0xd2: {  	v41 =	vld [tilespmem:s29+$0xFFFFFFE0];
	_ =	sdelay $0x4  }
0xd3: {  	v61 =	vperm.xlane v41, v32;
	_ =	sdelay $0x1  }
0xd4: {  	v41 =	vmul.f32 v41, v35;
	v42 =	vmul.f32 v61, v38;
	_ =	sdelay $0x1  }
0xd5: {  	v41 =	vadd.f32 v42, v41;
	_ =	sdelay $0x1  }
0xd6: {  	[tilespmem:s28+$0xFFFFFFE0] =	vst v41  }
0xd7: {  	v41 =	vld [tilespmem:s29+$0xFFFFFFF0];
	_ =	sdelay $0x4  }
0xd8: {  	v62 =	vperm.xlane v41, v32;
	_ =	sdelay $0x1  }
0xd9: {  	v41 =	vmul.f32 v41, v36;
	v42 =	vmul.f32 v62, v39;
	_ =	sdelay $0x1  }
0xda: {  	v41 =	vadd.f32 v42, v41;
	_ =	sdelay $0x1  }
0xdb: {  	[tilespmem:s28+$0xFFFFFFF0] =	vst v41  }
0xdc: {  	v41 =	vld [tilespmem:s29+$0x0];
	_ =	sdelay $0x4  }
0xdd: {  	v63 =	vperm.xlane v41, v32;
	_ =	sdelay $0x1  }
0xde: {  	v41 =	vmul.f32 v41, v37;
	v42 =	vmul.f32 v63, v40;
	_ =	sdelay $0x1  }
0xdf: {  	v41 =	vadd.f32 v42, v41;
	_ =	sdelay $0x1  }
0xe0: {  	s30 =	simm.s32 $0x89F0;
	s29 =	simm.s32 $0x0;
	[tilespmem:s28+$0x0] =	vst v41  }
.LBB2_5:
0xe1: {  	v41 =	vld [tilespmem:s30+$0xFFFFFF90];
	s29 =	sadd.s32 $0x2, s29  }
0xe2: {  	p1 =	slt.u32 s29, $0x1E;
	_ =	sdelay $0x3  }
0xe3: {  	v42 =	vperm.xlane v41, v32;
	_ =	sdelay $0x1  }
0xe4: {  	v41 =	vmul.f32 v41, v33;
	v42 =	vmul.f32 v42, v34;
	_ =	sdelay $0x1  }
0xe5: {  	v41 =	vadd.f32 v42, v41  }
0xe6: {  	s28 =	sadd.s32 $0x80, s28  }
0xe7: {  	[tilespmem:s28+$0xFFFFFF90] =	vst v41  }
0xe8: {  	v41 =	vld [tilespmem:s30+$0xFFFFFFA0];
	_ =	sdelay $0x4  }
0xe9: {  	v42 =	vperm.xlane v41, v32;
	_ =	sdelay $0x1  }
0xea: {  	v41 =	vmul.f32 v41, v35;
	v42 =	vmul.f32 v42, v38;
	_ =	sdelay $0x1  }
0xeb: {  	v41 =	vadd.f32 v42, v41;
	_ =	sdelay $0x1  }
0xec: {  	[tilespmem:s28+$0xFFFFFFA0] =	vst v41  }
0xed: {  	v41 =	vld [tilespmem:s30+$0xFFFFFFB0];
	_ =	sdelay $0x4  }
0xee: {  	v42 =	vperm.xlane v41, v32;
	_ =	sdelay $0x1  }
0xef: {  	v41 =	vmul.f32 v41, v36;
	v42 =	vmul.f32 v42, v39;
	_ =	sdelay $0x1  }
0xf0: {  	v41 =	vadd.f32 v42, v41;
	_ =	sdelay $0x1  }
0xf1: {  	[tilespmem:s28+$0xFFFFFFB0] =	vst v41  }
0xf2: {  	v41 =	vld [tilespmem:s30+$0xFFFFFFC0];
	_ =	sdelay $0x4  }
0xf3: {  	v42 =	vperm.xlane v41, v32;
	_ =	sdelay $0x1  }
0xf4: {  	v41 =	vmul.f32 v41, v37;
	v42 =	vmul.f32 v42, v40;
	_ =	sdelay $0x1  }
0xf5: {  	v41 =	vadd.f32 v42, v41;
	_ =	sdelay $0x1  }
0xf6: {  	[tilespmem:s28+$0xFFFFFFC0] =	vst v41  }
0xf7: {  	v41 =	vld [tilespmem:s30+$0xFFFFFFD0];
	_ =	sdelay $0x4  }
0xf8: {  	v42 =	vperm.xlane v41, v32;
	_ =	sdelay $0x1  }
0xf9: {  	v41 =	vmul.f32 v41, v33;
	v42 =	vmul.f32 v42, v34;
	_ =	sdelay $0x1  }
0xfa: {  	v41 =	vadd.f32 v42, v41;
	_ =	sdelay $0x1  }
0xfb: {  	[tilespmem:s28+$0xFFFFFFD0] =	vst v41  }
0xfc: {  	v41 =	vld [tilespmem:s30+$0xFFFFFFE0];
	_ =	sdelay $0x4  }
0xfd: {  	v42 =	vperm.xlane v41, v32;
	_ =	sdelay $0x1  }
0xfe: {  	v41 =	vmul.f32 v41, v35;
	v42 =	vmul.f32 v42, v38;
	_ =	sdelay $0x1  }
0xff: {  	v41 =	vadd.f32 v42, v41;
	_ =	sdelay $0x1  }
0x100: {  	[tilespmem:s28+$0xFFFFFFE0] =	vst v41  }
0x101: {  	v41 =	vld [tilespmem:s30+$0xFFFFFFF0];
	_ =	sdelay $0x4  }
0x102: {  	v42 =	vperm.xlane v41, v32;
	_ =	sdelay $0x1  }
0x103: {  	v41 =	vmul.f32 v41, v36;
	v42 =	vmul.f32 v42, v39;
	_ =	sdelay $0x1  }
0x104: {  	v41 =	vadd.f32 v42, v41;
	_ =	sdelay $0x1  }
0x105: {  	[tilespmem:s28+$0xFFFFFFF0] =	vst v41  }
0x106: {  	v41 =	vld [tilespmem:s30+$0x0];
	_ =	sdelay $0x4  }
0x107: {  	v42 =	vperm.xlane v41, v32;
	_ =	sdelay $0x1  }
.Ltmp3:
0x108: {  	v41 =	vmul.f32 v41, v37;
	v42 =	vmul.f32 v42, v40;
	(pc) =	sbr.rel @p1 .LBB2_5-.Ltmp3, $3  }
0x109: {  	_ = 	snop  }
0x10a: {  	v41 =	vadd.f32 v42, v41;
	_ =	sdelay $0x1  }
0x10b: {  	s30 =	sadd.s32 $0x80, s30;
	[tilespmem:s28+$0x0] =	vst v41  }
0x10c: {  	s29 =	simm.s32 $0x9170  }
0x10d: {  	v38 =	vld [tilespmem:s29+$0xFFFFFF90]  }
0x10e: {  	v33 =	vld [tilespmem:s26+$0x1D80]  }
0x10f: {  	v34 =	vld [tilespmem:s26+$0x4F80];
	_ =	sdelay $0x2  }
0x110: {  	v39 =	vperm.xlane v38, v32  }
0x111: {  	v35 =	vld [tilespmem:s26+$0x1D90]  }
0x112: {  	v36 =	vld [tilespmem:s26+$0x1DA0];
	v40 =	vmul.f32 v38, v33;
	v41 =	vmul.f32 v39, v34  }
0x113: {  	v37 =	vld [tilespmem:s26+$0x1DB0]  }
0x114: {  	v38 =	vld [tilespmem:s26+$0x4F90];
	v41 =	vadd.f32 v41, v40  }
0x115: {  	s28 =	simm.s32 $0xD170;
	v39 =	vld [tilespmem:s26+$0x4FA0]  }
0x116: {  	v40 =	vld [tilespmem:s26+$0x4FB0];
	[tilespmem:s28+$0xFFFFFF90] =	vst v41  }
0x117: {  	v41 =	vld [tilespmem:s29+$0xFFFFFFA0];
	_ =	sdelay $0x4  }
0x118: {  	v42 =	vperm.xlane v41, v32;
	_ =	sdelay $0x1  }
0x119: {  	v41 =	vmul.f32 v41, v35;
	v42 =	vmul.f32 v42, v38;
	_ =	sdelay $0x1  }
0x11a: {  	v41 =	vadd.f32 v42, v41;
	_ =	sdelay $0x1  }
0x11b: {  	[tilespmem:s28+$0xFFFFFFA0] =	vst v41  }
0x11c: {  	v41 =	vld [tilespmem:s29+$0xFFFFFFB0];
	_ =	sdelay $0x4  }
0x11d: {  	v58 =	vperm.xlane v41, v32;
	_ =	sdelay $0x1  }
0x11e: {  	v41 =	vmul.f32 v41, v36;
	v42 =	vmul.f32 v58, v39;
	_ =	sdelay $0x1  }
0x11f: {  	v41 =	vadd.f32 v42, v41;
	_ =	sdelay $0x1  }
0x120: {  	[tilespmem:s28+$0xFFFFFFB0] =	vst v41  }
0x121: {  	v41 =	vld [tilespmem:s29+$0xFFFFFFC0];
	_ =	sdelay $0x4  }
0x122: {  	v59 =	vperm.xlane v41, v32;
	_ =	sdelay $0x1  }
0x123: {  	v41 =	vmul.f32 v41, v37;
	v42 =	vmul.f32 v59, v40;
	_ =	sdelay $0x1  }
0x124: {  	v41 =	vadd.f32 v42, v41;
	_ =	sdelay $0x1  }
0x125: {  	[tilespmem:s28+$0xFFFFFFC0] =	vst v41  }
0x126: {  	v41 =	vld [tilespmem:s29+$0xFFFFFFD0];
	_ =	sdelay $0x4  }
0x127: {  	v60 =	vperm.xlane v41, v32;
	_ =	sdelay $0x1  }
0x128: {  	v41 =	vmul.f32 v41, v33;
	v42 =	vmul.f32 v60, v34;
	_ =	sdelay $0x1  }
0x129: {  	v41 =	vadd.f32 v42, v41;
	_ =	sdelay $0x1  }
0x12a: {  	[tilespmem:s28+$0xFFFFFFD0] =	vst v41  }
0x12b: {  	v41 =	vld [tilespmem:s29+$0xFFFFFFE0];
	_ =	sdelay $0x4  }
0x12c: {  	v61 =	vperm.xlane v41, v32;
	_ =	sdelay $0x1  }
0x12d: {  	v41 =	vmul.f32 v41, v35;
	v42 =	vmul.f32 v61, v38;
	_ =	sdelay $0x1  }
0x12e: {  	v41 =	vadd.f32 v42, v41;
	_ =	sdelay $0x1  }
0x12f: {  	[tilespmem:s28+$0xFFFFFFE0] =	vst v41  }
0x130: {  	v41 =	vld [tilespmem:s29+$0xFFFFFFF0];
	_ =	sdelay $0x4  }
0x131: {  	v62 =	vperm.xlane v41, v32;
	_ =	sdelay $0x1  }
0x132: {  	v41 =	vmul.f32 v41, v36;
	v42 =	vmul.f32 v62, v39;
	_ =	sdelay $0x1  }
0x133: {  	v41 =	vadd.f32 v42, v41;
	_ =	sdelay $0x1  }
0x134: {  	[tilespmem:s28+$0xFFFFFFF0] =	vst v41  }
0x135: {  	v41 =	vld [tilespmem:s29+$0x0];
	_ =	sdelay $0x4  }
0x136: {  	v63 =	vperm.xlane v41, v32;
	_ =	sdelay $0x1  }
0x137: {  	v41 =	vmul.f32 v41, v37;
	v42 =	vmul.f32 v63, v40;
	_ =	sdelay $0x1  }
0x138: {  	v41 =	vadd.f32 v42, v41;
	_ =	sdelay $0x1  }
0x139: {  	s30 =	simm.s32 $0x91F0;
	s29 =	simm.s32 $0x0;
	[tilespmem:s28+$0x0] =	vst v41  }
.LBB2_7:
0x13a: {  	v41 =	vld [tilespmem:s30+$0xFFFFFF90];
	s29 =	sadd.s32 $0x2, s29  }
0x13b: {  	p1 =	slt.u32 s29, $0x1E;
	_ =	sdelay $0x3  }
0x13c: {  	v42 =	vperm.xlane v41, v32;
	_ =	sdelay $0x1  }
0x13d: {  	v41 =	vmul.f32 v41, v33;
	v42 =	vmul.f32 v42, v34;
	_ =	sdelay $0x1  }
0x13e: {  	v41 =	vadd.f32 v42, v41  }
0x13f: {  	s28 =	sadd.s32 $0x80, s28  }
0x140: {  	[tilespmem:s28+$0xFFFFFF90] =	vst v41  }
0x141: {  	v41 =	vld [tilespmem:s30+$0xFFFFFFA0];
	_ =	sdelay $0x4  }
0x142: {  	v42 =	vperm.xlane v41, v32;
	_ =	sdelay $0x1  }
0x143: {  	v41 =	vmul.f32 v41, v35;
	v42 =	vmul.f32 v42, v38;
	_ =	sdelay $0x1  }
0x144: {  	v41 =	vadd.f32 v42, v41;
	_ =	sdelay $0x1  }
0x145: {  	[tilespmem:s28+$0xFFFFFFA0] =	vst v41  }
0x146: {  	v41 =	vld [tilespmem:s30+$0xFFFFFFB0];
	_ =	sdelay $0x4  }
0x147: {  	v42 =	vperm.xlane v41, v32;
	_ =	sdelay $0x1  }
0x148: {  	v41 =	vmul.f32 v41, v36;
	v42 =	vmul.f32 v42, v39;
	_ =	sdelay $0x1  }
0x149: {  	v41 =	vadd.f32 v42, v41;
	_ =	sdelay $0x1  }
0x14a: {  	[tilespmem:s28+$0xFFFFFFB0] =	vst v41  }
0x14b: {  	v41 =	vld [tilespmem:s30+$0xFFFFFFC0];
	_ =	sdelay $0x4  }
0x14c: {  	v42 =	vperm.xlane v41, v32;
	_ =	sdelay $0x1  }
0x14d: {  	v41 =	vmul.f32 v41, v37;
	v42 =	vmul.f32 v42, v40;
	_ =	sdelay $0x1  }
0x14e: {  	v41 =	vadd.f32 v42, v41;
	_ =	sdelay $0x1  }
0x14f: {  	[tilespmem:s28+$0xFFFFFFC0] =	vst v41  }
0x150: {  	v41 =	vld [tilespmem:s30+$0xFFFFFFD0];
	_ =	sdelay $0x4  }
0x151: {  	v42 =	vperm.xlane v41, v32;
	_ =	sdelay $0x1  }
0x152: {  	v41 =	vmul.f32 v41, v33;
	v42 =	vmul.f32 v42, v34;
	_ =	sdelay $0x1  }
0x153: {  	v41 =	vadd.f32 v42, v41;
	_ =	sdelay $0x1  }
0x154: {  	[tilespmem:s28+$0xFFFFFFD0] =	vst v41  }
0x155: {  	v41 =	vld [tilespmem:s30+$0xFFFFFFE0];
	_ =	sdelay $0x4  }
0x156: {  	v42 =	vperm.xlane v41, v32;
	_ =	sdelay $0x1  }
0x157: {  	v41 =	vmul.f32 v41, v35;
	v42 =	vmul.f32 v42, v38;
	_ =	sdelay $0x1  }
0x158: {  	v41 =	vadd.f32 v42, v41;
	_ =	sdelay $0x1  }
0x159: {  	[tilespmem:s28+$0xFFFFFFE0] =	vst v41  }
0x15a: {  	v41 =	vld [tilespmem:s30+$0xFFFFFFF0];
	_ =	sdelay $0x4  }
0x15b: {  	v42 =	vperm.xlane v41, v32;
	_ =	sdelay $0x1  }
0x15c: {  	v41 =	vmul.f32 v41, v36;
	v42 =	vmul.f32 v42, v39;
	_ =	sdelay $0x1  }
0x15d: {  	v41 =	vadd.f32 v42, v41;
	_ =	sdelay $0x1  }
0x15e: {  	[tilespmem:s28+$0xFFFFFFF0] =	vst v41  }
0x15f: {  	v41 =	vld [tilespmem:s30+$0x0];
	_ =	sdelay $0x4  }
0x160: {  	v42 =	vperm.xlane v41, v32;
	_ =	sdelay $0x1  }
.Ltmp4:
0x161: {  	v41 =	vmul.f32 v41, v37;
	v42 =	vmul.f32 v42, v40;
	(pc) =	sbr.rel @p1 .LBB2_7-.Ltmp4, $3  }
0x162: {  	_ = 	snop  }
0x163: {  	v41 =	vadd.f32 v42, v41;
	_ =	sdelay $0x1  }
0x164: {  	s30 =	sadd.s32 $0x80, s30;
	[tilespmem:s28+$0x0] =	vst v41  }
0x165: {  	s28 =	simm.s32 $0x9970  }
0x166: {  	v38 =	vld [tilespmem:s28+$0xFFFFFF90]  }
0x167: {  	v33 =	vld [tilespmem:s26+$0x1DC0]  }
0x168: {  	v34 =	vld [tilespmem:s26+$0x4FC0];
	_ =	sdelay $0x2  }
0x169: {  	v35 =	vld [tilespmem:s26+$0x1DD0];
	v39 =	vperm.xlane v38, v32  }
0x16a: {  	v36 =	vld [tilespmem:s26+$0x1DE0]  }
0x16b: {  	v37 =	vld [tilespmem:s26+$0x1DF0];
	v40 =	vmul.f32 v38, v33;
	v41 =	vmul.f32 v39, v34  }
0x16c: {  	v38 =	vld [tilespmem:s26+$0x4FD0]  }
0x16d: {  	v39 =	vld [tilespmem:s26+$0x4FE0];
	v41 =	vadd.f32 v41, v40  }
0x16e: {  	v40 =	vld [tilespmem:s26+$0x4FF0];
	s26 =	simm.s32 $0xD970  }
0x16f: {  	[tilespmem:s26+$0xFFFFFF90] =	vst v41  }
0x170: {  	v41 =	vld [tilespmem:s28+$0xFFFFFFA0];
	_ =	sdelay $0x4  }
0x171: {  	v42 =	vperm.xlane v41, v32;
	_ =	sdelay $0x1  }
0x172: {  	v41 =	vmul.f32 v41, v35;
	v42 =	vmul.f32 v42, v38;
	_ =	sdelay $0x1  }
0x173: {  	v41 =	vadd.f32 v42, v41;
	_ =	sdelay $0x1  }
0x174: {  	[tilespmem:s26+$0xFFFFFFA0] =	vst v41  }
0x175: {  	v41 =	vld [tilespmem:s28+$0xFFFFFFB0];
	_ =	sdelay $0x4  }
0x176: {  	v58 =	vperm.xlane v41, v32;
	_ =	sdelay $0x1  }
0x177: {  	v41 =	vmul.f32 v41, v36;
	v42 =	vmul.f32 v58, v39;
	_ =	sdelay $0x1  }
0x178: {  	v41 =	vadd.f32 v42, v41;
	_ =	sdelay $0x1  }
0x179: {  	[tilespmem:s26+$0xFFFFFFB0] =	vst v41  }
0x17a: {  	v41 =	vld [tilespmem:s28+$0xFFFFFFC0];
	_ =	sdelay $0x4  }
0x17b: {  	v59 =	vperm.xlane v41, v32;
	_ =	sdelay $0x1  }
0x17c: {  	v41 =	vmul.f32 v41, v37;
	v42 =	vmul.f32 v59, v40;
	_ =	sdelay $0x1  }
0x17d: {  	v41 =	vadd.f32 v42, v41;
	_ =	sdelay $0x1  }
0x17e: {  	[tilespmem:s26+$0xFFFFFFC0] =	vst v41  }
0x17f: {  	v41 =	vld [tilespmem:s28+$0xFFFFFFD0];
	_ =	sdelay $0x4  }
0x180: {  	v60 =	vperm.xlane v41, v32;
	_ =	sdelay $0x1  }
0x181: {  	v41 =	vmul.f32 v41, v33;
	v42 =	vmul.f32 v60, v34;
	_ =	sdelay $0x1  }
0x182: {  	v41 =	vadd.f32 v42, v41;
	_ =	sdelay $0x1  }
0x183: {  	[tilespmem:s26+$0xFFFFFFD0] =	vst v41  }
0x184: {  	v41 =	vld [tilespmem:s28+$0xFFFFFFE0];
	_ =	sdelay $0x4  }
0x185: {  	v61 =	vperm.xlane v41, v32;
	_ =	sdelay $0x1  }
0x186: {  	v41 =	vmul.f32 v41, v35;
	v42 =	vmul.f32 v61, v38;
	_ =	sdelay $0x1  }
0x187: {  	v41 =	vadd.f32 v42, v41;
	_ =	sdelay $0x1  }
0x188: {  	[tilespmem:s26+$0xFFFFFFE0] =	vst v41  }
0x189: {  	v41 =	vld [tilespmem:s28+$0xFFFFFFF0];
	_ =	sdelay $0x4  }
0x18a: {  	v62 =	vperm.xlane v41, v32;
	_ =	sdelay $0x1  }
0x18b: {  	v41 =	vmul.f32 v41, v36;
	v42 =	vmul.f32 v62, v39;
	_ =	sdelay $0x1  }
0x18c: {  	v41 =	vadd.f32 v42, v41;
	_ =	sdelay $0x1  }
0x18d: {  	[tilespmem:s26+$0xFFFFFFF0] =	vst v41  }
0x18e: {  	v41 =	vld [tilespmem:s28+$0x0];
	_ =	sdelay $0x4  }
0x18f: {  	v63 =	vperm.xlane v41, v32;
	_ =	sdelay $0x1  }
0x190: {  	v41 =	vmul.f32 v41, v37;
	v42 =	vmul.f32 v63, v40;
	_ =	sdelay $0x1  }
0x191: {  	v41 =	vadd.f32 v42, v41;
	_ =	sdelay $0x1  }
0x192: {  	s29 =	simm.s32 $0x99F0;
	s28 =	simm.s32 $0x0;
	[tilespmem:s26+$0x0] =	vst v41  }
.LBB2_9:
0x193: {  	v41 =	vld [tilespmem:s29+$0xFFFFFF90];
	s28 =	sadd.s32 $0x2, s28  }
0x194: {  	p1 =	slt.u32 s28, $0x1E;
	_ =	sdelay $0x3  }
0x195: {  	v42 =	vperm.xlane v41, v32;
	_ =	sdelay $0x1  }
0x196: {  	v41 =	vmul.f32 v41, v33;
	v42 =	vmul.f32 v42, v34;
	_ =	sdelay $0x1  }
0x197: {  	v41 =	vadd.f32 v42, v41  }
0x198: {  	s26 =	sadd.s32 $0x80, s26  }
0x199: {  	[tilespmem:s26+$0xFFFFFF90] =	vst v41  }
0x19a: {  	v41 =	vld [tilespmem:s29+$0xFFFFFFA0];
	_ =	sdelay $0x4  }
0x19b: {  	v42 =	vperm.xlane v41, v32;
	_ =	sdelay $0x1  }
0x19c: {  	v41 =	vmul.f32 v41, v35;
	v42 =	vmul.f32 v42, v38;
	_ =	sdelay $0x1  }
0x19d: {  	v41 =	vadd.f32 v42, v41;
	_ =	sdelay $0x1  }
0x19e: {  	[tilespmem:s26+$0xFFFFFFA0] =	vst v41  }
0x19f: {  	v41 =	vld [tilespmem:s29+$0xFFFFFFB0];
	_ =	sdelay $0x4  }
0x1a0: {  	v42 =	vperm.xlane v41, v32;
	_ =	sdelay $0x1  }
0x1a1: {  	v41 =	vmul.f32 v41, v36;
	v42 =	vmul.f32 v42, v39;
	_ =	sdelay $0x1  }
0x1a2: {  	v41 =	vadd.f32 v42, v41;
	_ =	sdelay $0x1  }
0x1a3: {  	[tilespmem:s26+$0xFFFFFFB0] =	vst v41  }
0x1a4: {  	v41 =	vld [tilespmem:s29+$0xFFFFFFC0];
	_ =	sdelay $0x4  }
0x1a5: {  	v42 =	vperm.xlane v41, v32;
	_ =	sdelay $0x1  }
0x1a6: {  	v41 =	vmul.f32 v41, v37;
	v42 =	vmul.f32 v42, v40;
	_ =	sdelay $0x1  }
0x1a7: {  	v41 =	vadd.f32 v42, v41;
	_ =	sdelay $0x1  }
0x1a8: {  	[tilespmem:s26+$0xFFFFFFC0] =	vst v41  }
0x1a9: {  	v41 =	vld [tilespmem:s29+$0xFFFFFFD0];
	_ =	sdelay $0x4  }
0x1aa: {  	v42 =	vperm.xlane v41, v32;
	_ =	sdelay $0x1  }
0x1ab: {  	v41 =	vmul.f32 v41, v33;
	v42 =	vmul.f32 v42, v34;
	_ =	sdelay $0x1  }
0x1ac: {  	v41 =	vadd.f32 v42, v41;
	_ =	sdelay $0x1  }
0x1ad: {  	[tilespmem:s26+$0xFFFFFFD0] =	vst v41  }
0x1ae: {  	v41 =	vld [tilespmem:s29+$0xFFFFFFE0];
	_ =	sdelay $0x4  }
0x1af: {  	v42 =	vperm.xlane v41, v32;
	_ =	sdelay $0x1  }
0x1b0: {  	v41 =	vmul.f32 v41, v35;
	v42 =	vmul.f32 v42, v38;
	_ =	sdelay $0x1  }
0x1b1: {  	v41 =	vadd.f32 v42, v41;
	_ =	sdelay $0x1  }
0x1b2: {  	[tilespmem:s26+$0xFFFFFFE0] =	vst v41  }
0x1b3: {  	v41 =	vld [tilespmem:s29+$0xFFFFFFF0];
	_ =	sdelay $0x4  }
0x1b4: {  	v42 =	vperm.xlane v41, v32;
	_ =	sdelay $0x1  }
0x1b5: {  	v41 =	vmul.f32 v41, v36;
	v42 =	vmul.f32 v42, v39;
	_ =	sdelay $0x1  }
0x1b6: {  	v41 =	vadd.f32 v42, v41;
	_ =	sdelay $0x1  }
0x1b7: {  	[tilespmem:s26+$0xFFFFFFF0] =	vst v41  }
0x1b8: {  	v41 =	vld [tilespmem:s29+$0x0];
	_ =	sdelay $0x4  }
0x1b9: {  	v42 =	vperm.xlane v41, v32;
	_ =	sdelay $0x1  }
.Ltmp5:
0x1ba: {  	v41 =	vmul.f32 v41, v37;
	v42 =	vmul.f32 v42, v40;
	(pc) =	sbr.rel @p1 .LBB2_9-.Ltmp5, $3  }
0x1bb: {  	_ = 	snop  }
0x1bc: {  	v41 =	vadd.f32 v42, v41;
	_ =	sdelay $0x1  }
0x1bd: {  	s29 =	sadd.s32 $0x80, s29;
	[tilespmem:s26+$0x0] =	vst v41  }
0x1be: {  	s26 =	sshll.u32 s24, $0x8  }
0x1bf: {  	s26 =	sand.u32 $0x100, s26  }
0x1c0: {  	p1 =	seq.s32 s24, $0x18;
	s26 =	sadd.s32 $0x1B00, s26  }
0x1c1: {  	[hbm4b:s2+s12] =	stream.indirect.scatter [tilespmem:s18], [sflag:$0x3], $0x40, s26, s12, $0xb8;
	[tilespmem:$0x10100] =	vst v63  }
0x1c2: {  	s26 =	sadd.s32 @!p1 $0x2, s25  }
0x1c3: {  	s28 =	sshll.u32 @!p1 s26, $0x2  }
0x1c4: {  	v33 =	vadd.s32 @!p1 s28, v0;
	_ =	sdelay $0x4  }
0x1c5: {  	v33 =	vld.idx.msk @!p1 [tilespmem:v33+s3+$0x0], $0xffff;
	_ =	sdelay $0x1  }
0x1c6: {  	v34 =	vadd.s32 @!p1 s28, v1  }
0x1c7: {  	s29 =	sshll.u32 @!p1 s26, $0x7  }
0x1c8: {  	s29 =	sand.u32 @!p1 $0x100, s29  }
0x1c9: {  	[tilespmem:s29+$0x1900] =	vst @!p1 v33;
	v33 =	vadd.s32 @!p1 s28, v2  }
0x1ca: {  	s30 =	sor.u32 @!p1 $0x1, s28;
	[tilespmem:s29+$0x1B00] =	vst @!p1 v33  }
0x1cb: {  	v33 =	vld.idx.msk @!p1 [tilespmem:v34+s3+$0x0], $0xffff;
	v34 =	vmov @!p1 s30  }
0x1cc: {  	v34 =	vand.u32 @!p1 $0x7FFFFFF8, v34  }
0x1cd: {  	v35 =	vadd.s32 @!p1 v4, v34;
	_ =	sdelay $0x2  }
0x1ce: {  	[tilespmem:s29+$0x1910] =	vst @!p1 v33;
	v33 =	vadd.s32 @!p1 s28, v3  }
0x1cf: {  	[tilespmem:s29+$0x1B10] =	vst @!p1 v33  }
0x1d0: {  	v33 =	vld.idx.msk @!p1 [tilespmem:v35+s3+$0x0], $0xffff;
	_ =	sdelay $0x1  }
0x1d1: {  	v34 =	vadd.s32 @!p1 v5, v34;
	_ =	sdelay $0x2  }
0x1d2: {  	[tilespmem:s29+$0x1920] =	vst @!p1 v33;
	v33 =	vadd.s32 @!p1 s30, v2  }
0x1d3: {  	s28 =	sor.u32 @!p1 $0x2, s28;
	[tilespmem:s29+$0x1B20] =	vst @!p1 v33  }
0x1d4: {  	v33 =	vld.idx.msk @!p1 [tilespmem:v34+s3+$0x0], $0xffff;
	v34 =	vmov @!p1 s28  }
0x1d5: {  	v34 =	vand.u32 @!p1 $0x7FFFFFF8, v34  }
0x1d6: {  	v35 =	vadd.s32 @!p1 v6, v34;
	_ =	sdelay $0x2  }
0x1d7: {  	[tilespmem:s29+$0x1930] =	vst @!p1 v33;
	v33 =	vadd.s32 @!p1 s30, v3  }
0x1d8: {  	[tilespmem:s29+$0x1B30] =	vst @!p1 v33  }
0x1d9: {  	v33 =	vld.idx.msk @!p1 [tilespmem:v35+s3+$0x0], $0xffff;
	_ =	sdelay $0x1  }
0x1da: {  	v34 =	vadd.s32 @!p1 v10, v34;
	_ =	sdelay $0x2  }
0x1db: {  	[tilespmem:s29+$0x1940] =	vst @!p1 v33;
	v33 =	vadd.s32 @!p1 s28, v2  }
0x1dc: {  	s26 =	sshllo.u32 @!p1 s26, $0x2;
	[tilespmem:s29+$0x1B40] =	vst @!p1 v33  }
0x1dd: {  	v33 =	vld.idx.msk @!p1 [tilespmem:v34+s3+$0x0], $0xffff;
	v34 =	vmov @!p1 s26  }
0x1de: {  	v34 =	vand.u32 @!p1 $0x7FFFFFF8, v34  }
0x1df: {  	v35 =	vadd.s32 @!p1 v11, v34;
	_ =	sdelay $0x2  }
0x1e0: {  	[tilespmem:s29+$0x1950] =	vst @!p1 v33;
	v33 =	vadd.s32 @!p1 s28, v3  }
0x1e1: {  	[tilespmem:s29+$0x1B50] =	vst @!p1 v33  }
0x1e2: {  	v33 =	vld.idx.msk @!p1 [tilespmem:v35+s3+$0x0], $0xffff;
	_ =	sdelay $0x1  }
0x1e3: {  	v34 =	vadd.s32 @!p1 v12, v34;
	_ =	sdelay $0x2  }
0x1e4: {  	[tilespmem:s29+$0x1960] =	vst @!p1 v33;
	v33 =	vadd.s32 @!p1 s26, v2  }
0x1e5: {  	[tilespmem:s29+$0x1B60] =	vst @!p1 v33  }
0x1e6: {  	v33 =	vld.idx.msk @!p1 [tilespmem:v34+s3+$0x0], $0xffff;
	_ =	sdelay $0x4  }
0x1e7: {  	[tilespmem:s29+$0x1970] =	vst @!p1 v33;
	v33 =	vadd.s32 @!p1 s26, v3  }
0x1e8: {  	s26 =	sadd.s32 @!p1 $0x1900, s29;
	[tilespmem:s29+$0x1B70] =	vst @!p1 v33  }
0x1e9: {  	[tilespmem:s14], [sflag:$0x1] =	stream.indirect.gather @!p1 [hbm4b:s6+s12], $0x40, s26, s12, $0xb8;
	[tilespmem:$0x10100] =	vst v63  }
0x1ea: {  	_ =	swait.ge [sflag:s19], $0x2000  }
0x1eb: {  	[sflag:s19] =	ssyncset.done $0x0  }
0x1ec: {  	s28 =	simm.s32 @!p0 $0x4;
	[sflag:s19] =	ssyncadd.s32 $0xFFFFE000  }
0x1ed: {  	_ =	swait.ge @!p0 [sflag:s28], $0x2000  }
0x1ee: {  	[sflag:s28] =	ssyncset.done @!p0 $0x0  }
0x1ef: {  	s30 =	simm.s32 $0xA140;
	s26 =	sor.u32 $0x1, s25;
	[sflag:s28] =	ssyncadd.s32 @!p0 $0xFFFFE000  }
0x1f0: {  	s28 =	sshll.u32 s26, $0x8;
	v38 =	vld [tilespmem:s30+$0xFFFFFFC0]  }
0x1f1: {  	v33 =	vld [tilespmem:s28+$0x1D00]  }
0x1f2: {  	v34 =	vld [tilespmem:s28+$0x4F00];
	_ =	sdelay $0x2  }
0x1f3: {  	v39 =	vperm.xlane v38, v32  }
0x1f4: {  	v35 =	vld [tilespmem:s28+$0x1D10]  }
0x1f5: {  	v36 =	vld [tilespmem:s28+$0x1D20];
	v40 =	vmul.f32 v38, v33;
	v41 =	vmul.f32 v39, v34  }
0x1f6: {  	v37 =	vld [tilespmem:s28+$0x1D30]  }
0x1f7: {  	v38 =	vld [tilespmem:s28+$0x4F10];
	v41 =	vadd.f32 v41, v40  }
0x1f8: {  	s29 =	simm.s32 $0xE140;
	v39 =	vld [tilespmem:s28+$0x4F20]  }
0x1f9: {  	v40 =	vld [tilespmem:s28+$0x4F30];
	[tilespmem:s29+$0xFFFFFFC0] =	vst v41  }
0x1fa: {  	v41 =	vld [tilespmem:s30+$0xFFFFFFD0];
	_ =	sdelay $0x4  }
0x1fb: {  	v42 =	vperm.xlane v41, v32;
	_ =	sdelay $0x1  }
0x1fc: {  	v41 =	vmul.f32 v41, v35;
	v42 =	vmul.f32 v42, v38;
	_ =	sdelay $0x1  }
0x1fd: {  	v41 =	vadd.f32 v42, v41;
	_ =	sdelay $0x1  }
0x1fe: {  	[tilespmem:s29+$0xFFFFFFD0] =	vst v41  }
0x1ff: {  	v41 =	vld [tilespmem:s30+$0xFFFFFFE0];
	_ =	sdelay $0x4  }
0x200: {  	v58 =	vperm.xlane v41, v32;
	_ =	sdelay $0x1  }
0x201: {  	v41 =	vmul.f32 v41, v36;
	v42 =	vmul.f32 v58, v39;
	_ =	sdelay $0x1  }
0x202: {  	v41 =	vadd.f32 v42, v41;
	_ =	sdelay $0x1  }
0x203: {  	[tilespmem:s29+$0xFFFFFFE0] =	vst v41  }
0x204: {  	v41 =	vld [tilespmem:s30+$0xFFFFFFF0];
	_ =	sdelay $0x4  }
0x205: {  	v59 =	vperm.xlane v41, v32;
	_ =	sdelay $0x1  }
0x206: {  	v41 =	vmul.f32 v41, v37;
	v42 =	vmul.f32 v59, v40;
	_ =	sdelay $0x1  }
0x207: {  	v41 =	vadd.f32 v42, v41;
	_ =	sdelay $0x1  }
0x208: {  	[tilespmem:s29+$0xFFFFFFF0] =	vst v41  }
0x209: {  	v41 =	vld [tilespmem:s30+$0x0];
	_ =	sdelay $0x4  }
0x20a: {  	v60 =	vperm.xlane v41, v32;
	_ =	sdelay $0x1  }
0x20b: {  	v41 =	vmul.f32 v41, v33;
	v42 =	vmul.f32 v60, v34;
	_ =	sdelay $0x1  }
0x20c: {  	v41 =	vadd.f32 v42, v41;
	_ =	sdelay $0x1  }
0x20d: {  	[tilespmem:s29+$0x0] =	vst v41  }
0x20e: {  	v41 =	vld [tilespmem:s30+$0x10];
	_ =	sdelay $0x4  }
0x20f: {  	v61 =	vperm.xlane v41, v32;
	_ =	sdelay $0x1  }
0x210: {  	v41 =	vmul.f32 v41, v35;
	v42 =	vmul.f32 v61, v38;
	_ =	sdelay $0x1  }
0x211: {  	v41 =	vadd.f32 v42, v41;
	_ =	sdelay $0x1  }
0x212: {  	[tilespmem:s29+$0x10] =	vst v41  }
0x213: {  	v41 =	vld [tilespmem:s30+$0x20];
	_ =	sdelay $0x4  }
0x214: {  	v62 =	vperm.xlane v41, v32;
	_ =	sdelay $0x1  }
0x215: {  	v41 =	vmul.f32 v41, v36;
	v42 =	vmul.f32 v62, v39;
	_ =	sdelay $0x1  }
0x216: {  	v41 =	vadd.f32 v42, v41;
	_ =	sdelay $0x1  }
0x217: {  	[tilespmem:s29+$0x20] =	vst v41  }
0x218: {  	v41 =	vld [tilespmem:s30+$0x30];
	_ =	sdelay $0x4  }
0x219: {  	v63 =	vperm.xlane v41, v32;
	_ =	sdelay $0x1  }
0x21a: {  	v41 =	vmul.f32 v41, v37;
	v42 =	vmul.f32 v63, v40;
	_ =	sdelay $0x1  }
0x21b: {  	v41 =	vadd.f32 v42, v41;
	_ =	sdelay $0x1  }
0x21c: {  	s31 =	simm.s32 $0xA1C0;
	s30 =	simm.s32 $0x0;
	[tilespmem:s29+$0x30] =	vst v41  }
.LBB2_11:
0x21d: {  	v41 =	vld [tilespmem:s31+$0xFFFFFFC0];
	s30 =	sadd.s32 $0x2, s30  }
0x21e: {  	p0 =	slt.u32 s30, $0x1E;
	_ =	sdelay $0x3  }
0x21f: {  	v42 =	vperm.xlane v41, v32;
	_ =	sdelay $0x1  }
0x220: {  	v41 =	vmul.f32 v41, v33;
	v42 =	vmul.f32 v42, v34;
	_ =	sdelay $0x1  }
0x221: {  	v41 =	vadd.f32 v42, v41  }
0x222: {  	s29 =	sadd.s32 $0x80, s29  }
0x223: {  	[tilespmem:s29+$0xFFFFFFC0] =	vst v41  }
0x224: {  	v41 =	vld [tilespmem:s31+$0xFFFFFFD0];
	_ =	sdelay $0x4  }
0x225: {  	v42 =	vperm.xlane v41, v32;
	_ =	sdelay $0x1  }
0x226: {  	v41 =	vmul.f32 v41, v35;
	v42 =	vmul.f32 v42, v38;
	_ =	sdelay $0x1  }
0x227: {  	v41 =	vadd.f32 v42, v41;
	_ =	sdelay $0x1  }
0x228: {  	[tilespmem:s29+$0xFFFFFFD0] =	vst v41  }
0x229: {  	v41 =	vld [tilespmem:s31+$0xFFFFFFE0];
	_ =	sdelay $0x4  }
0x22a: {  	v42 =	vperm.xlane v41, v32;
	_ =	sdelay $0x1  }
0x22b: {  	v41 =	vmul.f32 v41, v36;
	v42 =	vmul.f32 v42, v39;
	_ =	sdelay $0x1  }
0x22c: {  	v41 =	vadd.f32 v42, v41;
	_ =	sdelay $0x1  }
0x22d: {  	[tilespmem:s29+$0xFFFFFFE0] =	vst v41  }
0x22e: {  	v41 =	vld [tilespmem:s31+$0xFFFFFFF0];
	_ =	sdelay $0x4  }
0x22f: {  	v42 =	vperm.xlane v41, v32;
	_ =	sdelay $0x1  }
0x230: {  	v41 =	vmul.f32 v41, v37;
	v42 =	vmul.f32 v42, v40;
	_ =	sdelay $0x1  }
0x231: {  	v41 =	vadd.f32 v42, v41;
	_ =	sdelay $0x1  }
0x232: {  	[tilespmem:s29+$0xFFFFFFF0] =	vst v41  }
0x233: {  	v41 =	vld [tilespmem:s31+$0x0];
	_ =	sdelay $0x4  }
0x234: {  	v42 =	vperm.xlane v41, v32;
	_ =	sdelay $0x1  }
0x235: {  	v41 =	vmul.f32 v41, v33;
	v42 =	vmul.f32 v42, v34;
	_ =	sdelay $0x1  }
0x236: {  	v41 =	vadd.f32 v42, v41;
	_ =	sdelay $0x1  }
0x237: {  	[tilespmem:s29+$0x0] =	vst v41  }
0x238: {  	v41 =	vld [tilespmem:s31+$0x10];
	_ =	sdelay $0x4  }
0x239: {  	v42 =	vperm.xlane v41, v32;
	_ =	sdelay $0x1  }
0x23a: {  	v41 =	vmul.f32 v41, v35;
	v42 =	vmul.f32 v42, v38;
	_ =	sdelay $0x1  }
0x23b: {  	v41 =	vadd.f32 v42, v41;
	_ =	sdelay $0x1  }
0x23c: {  	[tilespmem:s29+$0x10] =	vst v41  }
0x23d: {  	v41 =	vld [tilespmem:s31+$0x20];
	_ =	sdelay $0x4  }
0x23e: {  	v42 =	vperm.xlane v41, v32;
	_ =	sdelay $0x1  }
0x23f: {  	v41 =	vmul.f32 v41, v36;
	v42 =	vmul.f32 v42, v39;
	_ =	sdelay $0x1  }
0x240: {  	v41 =	vadd.f32 v42, v41;
	_ =	sdelay $0x1  }
0x241: {  	[tilespmem:s29+$0x20] =	vst v41  }
0x242: {  	v41 =	vld [tilespmem:s31+$0x30];
	_ =	sdelay $0x4  }
0x243: {  	v42 =	vperm.xlane v41, v32;
	_ =	sdelay $0x1  }
.Ltmp6:
0x244: {  	v41 =	vmul.f32 v41, v37;
	v42 =	vmul.f32 v42, v40;
	(pc) =	sbr.rel @p0 .LBB2_11-.Ltmp6, $3  }
0x245: {  	_ = 	snop  }
0x246: {  	v41 =	vadd.f32 v42, v41;
	_ =	sdelay $0x1  }
0x247: {  	s31 =	sadd.s32 $0x80, s31;
	[tilespmem:s29+$0x30] =	vst v41  }
0x248: {  	s30 =	simm.s32 $0xA970  }
0x249: {  	v38 =	vld [tilespmem:s30+$0xFFFFFF90]  }
0x24a: {  	v33 =	vld [tilespmem:s28+$0x1D40]  }
0x24b: {  	v34 =	vld [tilespmem:s28+$0x4F40];
	_ =	sdelay $0x2  }
0x24c: {  	v39 =	vperm.xlane v38, v32  }
0x24d: {  	v35 =	vld [tilespmem:s28+$0x1D50]  }
0x24e: {  	v36 =	vld [tilespmem:s28+$0x1D60];
	v40 =	vmul.f32 v38, v33;
	v41 =	vmul.f32 v39, v34  }
0x24f: {  	v37 =	vld [tilespmem:s28+$0x1D70]  }
0x250: {  	v38 =	vld [tilespmem:s28+$0x4F50];
	v41 =	vadd.f32 v41, v40  }
0x251: {  	s29 =	simm.s32 $0xE970;
	v39 =	vld [tilespmem:s28+$0x4F60]  }
0x252: {  	v40 =	vld [tilespmem:s28+$0x4F70];
	[tilespmem:s29+$0xFFFFFF90] =	vst v41  }
0x253: {  	v41 =	vld [tilespmem:s30+$0xFFFFFFA0];
	_ =	sdelay $0x4  }
0x254: {  	v42 =	vperm.xlane v41, v32;
	_ =	sdelay $0x1  }
0x255: {  	v41 =	vmul.f32 v41, v35;
	v42 =	vmul.f32 v42, v38;
	_ =	sdelay $0x1  }
0x256: {  	v41 =	vadd.f32 v42, v41;
	_ =	sdelay $0x1  }
0x257: {  	[tilespmem:s29+$0xFFFFFFA0] =	vst v41  }
0x258: {  	v41 =	vld [tilespmem:s30+$0xFFFFFFB0];
	_ =	sdelay $0x4  }
0x259: {  	v58 =	vperm.xlane v41, v32;
	_ =	sdelay $0x1  }
0x25a: {  	v41 =	vmul.f32 v41, v36;
	v42 =	vmul.f32 v58, v39;
	_ =	sdelay $0x1  }
0x25b: {  	v41 =	vadd.f32 v42, v41;
	_ =	sdelay $0x1  }
0x25c: {  	[tilespmem:s29+$0xFFFFFFB0] =	vst v41  }
0x25d: {  	v41 =	vld [tilespmem:s30+$0xFFFFFFC0];
	_ =	sdelay $0x4  }
0x25e: {  	v59 =	vperm.xlane v41, v32;
	_ =	sdelay $0x1  }
0x25f: {  	v41 =	vmul.f32 v41, v37;
	v42 =	vmul.f32 v59, v40;
	_ =	sdelay $0x1  }
0x260: {  	v41 =	vadd.f32 v42, v41;
	_ =	sdelay $0x1  }
0x261: {  	[tilespmem:s29+$0xFFFFFFC0] =	vst v41  }
0x262: {  	v41 =	vld [tilespmem:s30+$0xFFFFFFD0];
	_ =	sdelay $0x4  }
0x263: {  	v60 =	vperm.xlane v41, v32;
	_ =	sdelay $0x1  }
0x264: {  	v41 =	vmul.f32 v41, v33;
	v42 =	vmul.f32 v60, v34;
	_ =	sdelay $0x1  }
0x265: {  	v41 =	vadd.f32 v42, v41;
	_ =	sdelay $0x1  }
0x266: {  	[tilespmem:s29+$0xFFFFFFD0] =	vst v41  }
0x267: {  	v41 =	vld [tilespmem:s30+$0xFFFFFFE0];
	_ =	sdelay $0x4  }
0x268: {  	v61 =	vperm.xlane v41, v32;
	_ =	sdelay $0x1  }
0x269: {  	v41 =	vmul.f32 v41, v35;
	v42 =	vmul.f32 v61, v38;
	_ =	sdelay $0x1  }
0x26a: {  	v41 =	vadd.f32 v42, v41;
	_ =	sdelay $0x1  }
0x26b: {  	[tilespmem:s29+$0xFFFFFFE0] =	vst v41  }
0x26c: {  	v41 =	vld [tilespmem:s30+$0xFFFFFFF0];
	_ =	sdelay $0x4  }
0x26d: {  	v62 =	vperm.xlane v41, v32;
	_ =	sdelay $0x1  }
0x26e: {  	v41 =	vmul.f32 v41, v36;
	v42 =	vmul.f32 v62, v39;
	_ =	sdelay $0x1  }
0x26f: {  	v41 =	vadd.f32 v42, v41;
	_ =	sdelay $0x1  }
0x270: {  	[tilespmem:s29+$0xFFFFFFF0] =	vst v41  }
0x271: {  	v41 =	vld [tilespmem:s30+$0x0];
	_ =	sdelay $0x4  }
0x272: {  	v63 =	vperm.xlane v41, v32;
	_ =	sdelay $0x1  }
0x273: {  	v41 =	vmul.f32 v41, v37;
	v42 =	vmul.f32 v63, v40;
	_ =	sdelay $0x1  }
0x274: {  	v41 =	vadd.f32 v42, v41;
	_ =	sdelay $0x1  }
0x275: {  	s31 =	simm.s32 $0xA9F0;
	s30 =	simm.s32 $0x0;
	[tilespmem:s29+$0x0] =	vst v41  }
.LBB2_13:
0x276: {  	v41 =	vld [tilespmem:s31+$0xFFFFFF90];
	s30 =	sadd.s32 $0x2, s30  }
0x277: {  	p0 =	slt.u32 s30, $0x1E;
	_ =	sdelay $0x3  }
0x278: {  	v42 =	vperm.xlane v41, v32;
	_ =	sdelay $0x1  }
0x279: {  	v41 =	vmul.f32 v41, v33;
	v42 =	vmul.f32 v42, v34;
	_ =	sdelay $0x1  }
0x27a: {  	v41 =	vadd.f32 v42, v41  }
0x27b: {  	s29 =	sadd.s32 $0x80, s29  }
0x27c: {  	[tilespmem:s29+$0xFFFFFF90] =	vst v41  }
0x27d: {  	v41 =	vld [tilespmem:s31+$0xFFFFFFA0];
	_ =	sdelay $0x4  }
0x27e: {  	v42 =	vperm.xlane v41, v32;
	_ =	sdelay $0x1  }
0x27f: {  	v41 =	vmul.f32 v41, v35;
	v42 =	vmul.f32 v42, v38;
	_ =	sdelay $0x1  }
0x280: {  	v41 =	vadd.f32 v42, v41;
	_ =	sdelay $0x1  }
0x281: {  	[tilespmem:s29+$0xFFFFFFA0] =	vst v41  }
0x282: {  	v41 =	vld [tilespmem:s31+$0xFFFFFFB0];
	_ =	sdelay $0x4  }
0x283: {  	v42 =	vperm.xlane v41, v32;
	_ =	sdelay $0x1  }
0x284: {  	v41 =	vmul.f32 v41, v36;
	v42 =	vmul.f32 v42, v39;
	_ =	sdelay $0x1  }
0x285: {  	v41 =	vadd.f32 v42, v41;
	_ =	sdelay $0x1  }
0x286: {  	[tilespmem:s29+$0xFFFFFFB0] =	vst v41  }
0x287: {  	v41 =	vld [tilespmem:s31+$0xFFFFFFC0];
	_ =	sdelay $0x4  }
0x288: {  	v42 =	vperm.xlane v41, v32;
	_ =	sdelay $0x1  }
0x289: {  	v41 =	vmul.f32 v41, v37;
	v42 =	vmul.f32 v42, v40;
	_ =	sdelay $0x1  }
0x28a: {  	v41 =	vadd.f32 v42, v41;
	_ =	sdelay $0x1  }
0x28b: {  	[tilespmem:s29+$0xFFFFFFC0] =	vst v41  }
0x28c: {  	v41 =	vld [tilespmem:s31+$0xFFFFFFD0];
	_ =	sdelay $0x4  }
0x28d: {  	v42 =	vperm.xlane v41, v32;
	_ =	sdelay $0x1  }
0x28e: {  	v41 =	vmul.f32 v41, v33;
	v42 =	vmul.f32 v42, v34;
	_ =	sdelay $0x1  }
0x28f: {  	v41 =	vadd.f32 v42, v41;
	_ =	sdelay $0x1  }
0x290: {  	[tilespmem:s29+$0xFFFFFFD0] =	vst v41  }
0x291: {  	v41 =	vld [tilespmem:s31+$0xFFFFFFE0];
	_ =	sdelay $0x4  }
0x292: {  	v42 =	vperm.xlane v41, v32;
	_ =	sdelay $0x1  }
0x293: {  	v41 =	vmul.f32 v41, v35;
	v42 =	vmul.f32 v42, v38;
	_ =	sdelay $0x1  }
0x294: {  	v41 =	vadd.f32 v42, v41;
	_ =	sdelay $0x1  }
0x295: {  	[tilespmem:s29+$0xFFFFFFE0] =	vst v41  }
0x296: {  	v41 =	vld [tilespmem:s31+$0xFFFFFFF0];
	_ =	sdelay $0x4  }
0x297: {  	v42 =	vperm.xlane v41, v32;
	_ =	sdelay $0x1  }
0x298: {  	v41 =	vmul.f32 v41, v36;
	v42 =	vmul.f32 v42, v39;
	_ =	sdelay $0x1  }
0x299: {  	v41 =	vadd.f32 v42, v41;
	_ =	sdelay $0x1  }
0x29a: {  	[tilespmem:s29+$0xFFFFFFF0] =	vst v41  }
0x29b: {  	v41 =	vld [tilespmem:s31+$0x0];
	_ =	sdelay $0x4  }
0x29c: {  	v42 =	vperm.xlane v41, v32;
	_ =	sdelay $0x1  }
.Ltmp7:
0x29d: {  	v41 =	vmul.f32 v41, v37;
	v42 =	vmul.f32 v42, v40;
	(pc) =	sbr.rel @p0 .LBB2_13-.Ltmp7, $3  }
0x29e: {  	_ = 	snop  }
0x29f: {  	v41 =	vadd.f32 v42, v41;
	_ =	sdelay $0x1  }
0x2a0: {  	s31 =	sadd.s32 $0x80, s31;
	[tilespmem:s29+$0x0] =	vst v41  }
0x2a1: {  	s30 =	simm.s32 $0xB170  }
0x2a2: {  	v38 =	vld [tilespmem:s30+$0xFFFFFF90]  }
0x2a3: {  	v33 =	vld [tilespmem:s28+$0x1D80]  }
0x2a4: {  	v34 =	vld [tilespmem:s28+$0x4F80];
	_ =	sdelay $0x2  }
0x2a5: {  	v39 =	vperm.xlane v38, v32  }
0x2a6: {  	v35 =	vld [tilespmem:s28+$0x1D90]  }
0x2a7: {  	v36 =	vld [tilespmem:s28+$0x1DA0];
	v40 =	vmul.f32 v38, v33;
	v41 =	vmul.f32 v39, v34  }
0x2a8: {  	v37 =	vld [tilespmem:s28+$0x1DB0]  }
0x2a9: {  	v38 =	vld [tilespmem:s28+$0x4F90];
	v41 =	vadd.f32 v41, v40  }
0x2aa: {  	s29 =	simm.s32 $0xF170;
	v39 =	vld [tilespmem:s28+$0x4FA0]  }
0x2ab: {  	v40 =	vld [tilespmem:s28+$0x4FB0];
	[tilespmem:s29+$0xFFFFFF90] =	vst v41  }
0x2ac: {  	v41 =	vld [tilespmem:s30+$0xFFFFFFA0];
	_ =	sdelay $0x4  }
0x2ad: {  	v42 =	vperm.xlane v41, v32;
	_ =	sdelay $0x1  }
0x2ae: {  	v41 =	vmul.f32 v41, v35;
	v42 =	vmul.f32 v42, v38;
	_ =	sdelay $0x1  }
0x2af: {  	v41 =	vadd.f32 v42, v41;
	_ =	sdelay $0x1  }
0x2b0: {  	[tilespmem:s29+$0xFFFFFFA0] =	vst v41  }
0x2b1: {  	v41 =	vld [tilespmem:s30+$0xFFFFFFB0];
	_ =	sdelay $0x4  }
0x2b2: {  	v58 =	vperm.xlane v41, v32;
	_ =	sdelay $0x1  }
0x2b3: {  	v41 =	vmul.f32 v41, v36;
	v42 =	vmul.f32 v58, v39;
	_ =	sdelay $0x1  }
0x2b4: {  	v41 =	vadd.f32 v42, v41;
	_ =	sdelay $0x1  }
0x2b5: {  	[tilespmem:s29+$0xFFFFFFB0] =	vst v41  }
0x2b6: {  	v41 =	vld [tilespmem:s30+$0xFFFFFFC0];
	_ =	sdelay $0x4  }
0x2b7: {  	v59 =	vperm.xlane v41, v32;
	_ =	sdelay $0x1  }
0x2b8: {  	v41 =	vmul.f32 v41, v37;
	v42 =	vmul.f32 v59, v40;
	_ =	sdelay $0x1  }
0x2b9: {  	v41 =	vadd.f32 v42, v41;
	_ =	sdelay $0x1  }
0x2ba: {  	[tilespmem:s29+$0xFFFFFFC0] =	vst v41  }
0x2bb: {  	v41 =	vld [tilespmem:s30+$0xFFFFFFD0];
	_ =	sdelay $0x4  }
0x2bc: {  	v60 =	vperm.xlane v41, v32;
	_ =	sdelay $0x1  }
0x2bd: {  	v41 =	vmul.f32 v41, v33;
	v42 =	vmul.f32 v60, v34;
	_ =	sdelay $0x1  }
0x2be: {  	v41 =	vadd.f32 v42, v41;
	_ =	sdelay $0x1  }
0x2bf: {  	[tilespmem:s29+$0xFFFFFFD0] =	vst v41  }
0x2c0: {  	v41 =	vld [tilespmem:s30+$0xFFFFFFE0];
	_ =	sdelay $0x4  }
0x2c1: {  	v61 =	vperm.xlane v41, v32;
	_ =	sdelay $0x1  }
0x2c2: {  	v41 =	vmul.f32 v41, v35;
	v42 =	vmul.f32 v61, v38;
	_ =	sdelay $0x1  }
0x2c3: {  	v41 =	vadd.f32 v42, v41;
	_ =	sdelay $0x1  }
0x2c4: {  	[tilespmem:s29+$0xFFFFFFE0] =	vst v41  }
0x2c5: {  	v41 =	vld [tilespmem:s30+$0xFFFFFFF0];
	_ =	sdelay $0x4  }
0x2c6: {  	v62 =	vperm.xlane v41, v32;
	_ =	sdelay $0x1  }
0x2c7: {  	v41 =	vmul.f32 v41, v36;
	v42 =	vmul.f32 v62, v39;
	_ =	sdelay $0x1  }
0x2c8: {  	v41 =	vadd.f32 v42, v41;
	_ =	sdelay $0x1  }
0x2c9: {  	[tilespmem:s29+$0xFFFFFFF0] =	vst v41  }
0x2ca: {  	v41 =	vld [tilespmem:s30+$0x0];
	_ =	sdelay $0x4  }
0x2cb: {  	v63 =	vperm.xlane v41, v32;
	_ =	sdelay $0x1  }
0x2cc: {  	v41 =	vmul.f32 v41, v37;
	v42 =	vmul.f32 v63, v40;
	_ =	sdelay $0x1  }
0x2cd: {  	v41 =	vadd.f32 v42, v41;
	_ =	sdelay $0x1  }
0x2ce: {  	s31 =	simm.s32 $0xB1F0;
	s30 =	simm.s32 $0x0;
	[tilespmem:s29+$0x0] =	vst v41  }
.LBB2_15:
0x2cf: {  	v41 =	vld [tilespmem:s31+$0xFFFFFF90];
	s30 =	sadd.s32 $0x2, s30  }
0x2d0: {  	p0 =	slt.u32 s30, $0x1E;
	_ =	sdelay $0x3  }
0x2d1: {  	v42 =	vperm.xlane v41, v32;
	_ =	sdelay $0x1  }
0x2d2: {  	v41 =	vmul.f32 v41, v33;
	v42 =	vmul.f32 v42, v34;
	_ =	sdelay $0x1  }
0x2d3: {  	v41 =	vadd.f32 v42, v41  }
0x2d4: {  	s29 =	sadd.s32 $0x80, s29  }
0x2d5: {  	[tilespmem:s29+$0xFFFFFF90] =	vst v41  }
0x2d6: {  	v41 =	vld [tilespmem:s31+$0xFFFFFFA0];
	_ =	sdelay $0x4  }
0x2d7: {  	v42 =	vperm.xlane v41, v32;
	_ =	sdelay $0x1  }
0x2d8: {  	v41 =	vmul.f32 v41, v35;
	v42 =	vmul.f32 v42, v38;
	_ =	sdelay $0x1  }
0x2d9: {  	v41 =	vadd.f32 v42, v41;
	_ =	sdelay $0x1  }
0x2da: {  	[tilespmem:s29+$0xFFFFFFA0] =	vst v41  }
0x2db: {  	v41 =	vld [tilespmem:s31+$0xFFFFFFB0];
	_ =	sdelay $0x4  }
0x2dc: {  	v42 =	vperm.xlane v41, v32;
	_ =	sdelay $0x1  }
0x2dd: {  	v41 =	vmul.f32 v41, v36;
	v42 =	vmul.f32 v42, v39;
	_ =	sdelay $0x1  }
0x2de: {  	v41 =	vadd.f32 v42, v41;
	_ =	sdelay $0x1  }
0x2df: {  	[tilespmem:s29+$0xFFFFFFB0] =	vst v41  }
0x2e0: {  	v41 =	vld [tilespmem:s31+$0xFFFFFFC0];
	_ =	sdelay $0x4  }
0x2e1: {  	v42 =	vperm.xlane v41, v32;
	_ =	sdelay $0x1  }
0x2e2: {  	v41 =	vmul.f32 v41, v37;
	v42 =	vmul.f32 v42, v40;
	_ =	sdelay $0x1  }
0x2e3: {  	v41 =	vadd.f32 v42, v41;
	_ =	sdelay $0x1  }
0x2e4: {  	[tilespmem:s29+$0xFFFFFFC0] =	vst v41  }
0x2e5: {  	v41 =	vld [tilespmem:s31+$0xFFFFFFD0];
	_ =	sdelay $0x4  }
0x2e6: {  	v42 =	vperm.xlane v41, v32;
	_ =	sdelay $0x1  }
0x2e7: {  	v41 =	vmul.f32 v41, v33;
	v42 =	vmul.f32 v42, v34;
	_ =	sdelay $0x1  }
0x2e8: {  	v41 =	vadd.f32 v42, v41;
	_ =	sdelay $0x1  }
0x2e9: {  	[tilespmem:s29+$0xFFFFFFD0] =	vst v41  }
0x2ea: {  	v41 =	vld [tilespmem:s31+$0xFFFFFFE0];
	_ =	sdelay $0x4  }
0x2eb: {  	v42 =	vperm.xlane v41, v32;
	_ =	sdelay $0x1  }
0x2ec: {  	v41 =	vmul.f32 v41, v35;
	v42 =	vmul.f32 v42, v38;
	_ =	sdelay $0x1  }
0x2ed: {  	v41 =	vadd.f32 v42, v41;
	_ =	sdelay $0x1  }
0x2ee: {  	[tilespmem:s29+$0xFFFFFFE0] =	vst v41  }
0x2ef: {  	v41 =	vld [tilespmem:s31+$0xFFFFFFF0];
	_ =	sdelay $0x4  }
0x2f0: {  	v42 =	vperm.xlane v41, v32;
	_ =	sdelay $0x1  }
0x2f1: {  	v41 =	vmul.f32 v41, v36;
	v42 =	vmul.f32 v42, v39;
	_ =	sdelay $0x1  }
0x2f2: {  	v41 =	vadd.f32 v42, v41;
	_ =	sdelay $0x1  }
0x2f3: {  	[tilespmem:s29+$0xFFFFFFF0] =	vst v41  }
0x2f4: {  	v41 =	vld [tilespmem:s31+$0x0];
	_ =	sdelay $0x4  }
0x2f5: {  	v42 =	vperm.xlane v41, v32;
	_ =	sdelay $0x1  }
.Ltmp8:
0x2f6: {  	v41 =	vmul.f32 v41, v37;
	v42 =	vmul.f32 v42, v40;
	(pc) =	sbr.rel @p0 .LBB2_15-.Ltmp8, $3  }
0x2f7: {  	_ = 	snop  }
0x2f8: {  	v41 =	vadd.f32 v42, v41;
	_ =	sdelay $0x1  }
0x2f9: {  	s31 =	sadd.s32 $0x80, s31;
	[tilespmem:s29+$0x0] =	vst v41  }
0x2fa: {  	s29 =	simm.s32 $0xB970  }
0x2fb: {  	v38 =	vld [tilespmem:s29+$0xFFFFFF90]  }
0x2fc: {  	v33 =	vld [tilespmem:s28+$0x1DC0]  }
0x2fd: {  	v34 =	vld [tilespmem:s28+$0x4FC0];
	_ =	sdelay $0x2  }
0x2fe: {  	v35 =	vld [tilespmem:s28+$0x1DD0];
	v39 =	vperm.xlane v38, v32  }
0x2ff: {  	v36 =	vld [tilespmem:s28+$0x1DE0]  }
0x300: {  	v37 =	vld [tilespmem:s28+$0x1DF0];
	v40 =	vmul.f32 v38, v33;
	v41 =	vmul.f32 v39, v34  }
0x301: {  	v38 =	vld [tilespmem:s28+$0x4FD0]  }
0x302: {  	v39 =	vld [tilespmem:s28+$0x4FE0];
	v41 =	vadd.f32 v41, v40  }
0x303: {  	v40 =	vld [tilespmem:s28+$0x4FF0];
	s28 =	simm.s32 $0xF970  }
0x304: {  	[tilespmem:s28+$0xFFFFFF90] =	vst v41  }
0x305: {  	v41 =	vld [tilespmem:s29+$0xFFFFFFA0];
	_ =	sdelay $0x4  }
0x306: {  	v42 =	vperm.xlane v41, v32;
	_ =	sdelay $0x1  }
0x307: {  	v41 =	vmul.f32 v41, v35;
	v42 =	vmul.f32 v42, v38;
	_ =	sdelay $0x1  }
0x308: {  	v41 =	vadd.f32 v42, v41;
	_ =	sdelay $0x1  }
0x309: {  	[tilespmem:s28+$0xFFFFFFA0] =	vst v41  }
0x30a: {  	v41 =	vld [tilespmem:s29+$0xFFFFFFB0];
	_ =	sdelay $0x4  }
0x30b: {  	v58 =	vperm.xlane v41, v32;
	_ =	sdelay $0x1  }
0x30c: {  	v41 =	vmul.f32 v41, v36;
	v42 =	vmul.f32 v58, v39;
	_ =	sdelay $0x1  }
0x30d: {  	v41 =	vadd.f32 v42, v41;
	_ =	sdelay $0x1  }
0x30e: {  	[tilespmem:s28+$0xFFFFFFB0] =	vst v41  }
0x30f: {  	v41 =	vld [tilespmem:s29+$0xFFFFFFC0];
	_ =	sdelay $0x4  }
0x310: {  	v59 =	vperm.xlane v41, v32;
	_ =	sdelay $0x1  }
0x311: {  	v41 =	vmul.f32 v41, v37;
	v42 =	vmul.f32 v59, v40;
	_ =	sdelay $0x1  }
0x312: {  	v41 =	vadd.f32 v42, v41;
	_ =	sdelay $0x1  }
0x313: {  	[tilespmem:s28+$0xFFFFFFC0] =	vst v41  }
0x314: {  	v41 =	vld [tilespmem:s29+$0xFFFFFFD0];
	_ =	sdelay $0x4  }
0x315: {  	v60 =	vperm.xlane v41, v32;
	_ =	sdelay $0x1  }
0x316: {  	v41 =	vmul.f32 v41, v33;
	v42 =	vmul.f32 v60, v34;
	_ =	sdelay $0x1  }
0x317: {  	v41 =	vadd.f32 v42, v41;
	_ =	sdelay $0x1  }
0x318: {  	[tilespmem:s28+$0xFFFFFFD0] =	vst v41  }
0x319: {  	v41 =	vld [tilespmem:s29+$0xFFFFFFE0];
	_ =	sdelay $0x4  }
0x31a: {  	v61 =	vperm.xlane v41, v32;
	_ =	sdelay $0x1  }
0x31b: {  	v41 =	vmul.f32 v41, v35;
	v42 =	vmul.f32 v61, v38;
	_ =	sdelay $0x1  }
0x31c: {  	v41 =	vadd.f32 v42, v41;
	_ =	sdelay $0x1  }
0x31d: {  	[tilespmem:s28+$0xFFFFFFE0] =	vst v41  }
0x31e: {  	v41 =	vld [tilespmem:s29+$0xFFFFFFF0];
	_ =	sdelay $0x4  }
0x31f: {  	v62 =	vperm.xlane v41, v32;
	_ =	sdelay $0x1  }
0x320: {  	v41 =	vmul.f32 v41, v36;
	v42 =	vmul.f32 v62, v39;
	_ =	sdelay $0x1  }
0x321: {  	v41 =	vadd.f32 v42, v41;
	_ =	sdelay $0x1  }
0x322: {  	[tilespmem:s28+$0xFFFFFFF0] =	vst v41  }
0x323: {  	v41 =	vld [tilespmem:s29+$0x0];
	_ =	sdelay $0x4  }
0x324: {  	v63 =	vperm.xlane v41, v32;
	_ =	sdelay $0x1  }
0x325: {  	v41 =	vmul.f32 v41, v37;
	v42 =	vmul.f32 v63, v40;
	_ =	sdelay $0x1  }
0x326: {  	v41 =	vadd.f32 v42, v41;
	_ =	sdelay $0x1  }
0x327: {  	s30 =	simm.s32 $0xB9F0;
	s29 =	simm.s32 $0x0;
	[tilespmem:s28+$0x0] =	vst v41  }
.LBB2_17:
0x328: {  	v41 =	vld [tilespmem:s30+$0xFFFFFF90];
	s29 =	sadd.s32 $0x2, s29  }
0x329: {  	p0 =	slt.u32 s29, $0x1E;
	_ =	sdelay $0x3  }
0x32a: {  	v42 =	vperm.xlane v41, v32;
	_ =	sdelay $0x1  }
0x32b: {  	v41 =	vmul.f32 v41, v33;
	v42 =	vmul.f32 v42, v34;
	_ =	sdelay $0x1  }
0x32c: {  	v41 =	vadd.f32 v42, v41  }
0x32d: {  	s28 =	sadd.s32 $0x80, s28  }
0x32e: {  	[tilespmem:s28+$0xFFFFFF90] =	vst v41  }
0x32f: {  	v41 =	vld [tilespmem:s30+$0xFFFFFFA0];
	_ =	sdelay $0x4  }
0x330: {  	v42 =	vperm.xlane v41, v32;
	_ =	sdelay $0x1  }
0x331: {  	v41 =	vmul.f32 v41, v35;
	v42 =	vmul.f32 v42, v38;
	_ =	sdelay $0x1  }
0x332: {  	v41 =	vadd.f32 v42, v41;
	_ =	sdelay $0x1  }
0x333: {  	[tilespmem:s28+$0xFFFFFFA0] =	vst v41  }
0x334: {  	v41 =	vld [tilespmem:s30+$0xFFFFFFB0];
	_ =	sdelay $0x4  }
0x335: {  	v42 =	vperm.xlane v41, v32;
	_ =	sdelay $0x1  }
0x336: {  	v41 =	vmul.f32 v41, v36;
	v42 =	vmul.f32 v42, v39;
	_ =	sdelay $0x1  }
0x337: {  	v41 =	vadd.f32 v42, v41;
	_ =	sdelay $0x1  }
0x338: {  	[tilespmem:s28+$0xFFFFFFB0] =	vst v41  }
0x339: {  	v41 =	vld [tilespmem:s30+$0xFFFFFFC0];
	_ =	sdelay $0x4  }
0x33a: {  	v42 =	vperm.xlane v41, v32;
	_ =	sdelay $0x1  }
0x33b: {  	v41 =	vmul.f32 v41, v37;
	v42 =	vmul.f32 v42, v40;
	_ =	sdelay $0x1  }
0x33c: {  	v41 =	vadd.f32 v42, v41;
	_ =	sdelay $0x1  }
0x33d: {  	[tilespmem:s28+$0xFFFFFFC0] =	vst v41  }
0x33e: {  	v41 =	vld [tilespmem:s30+$0xFFFFFFD0];
	_ =	sdelay $0x4  }
0x33f: {  	v42 =	vperm.xlane v41, v32;
	_ =	sdelay $0x1  }
0x340: {  	v41 =	vmul.f32 v41, v33;
	v42 =	vmul.f32 v42, v34;
	_ =	sdelay $0x1  }
0x341: {  	v41 =	vadd.f32 v42, v41;
	_ =	sdelay $0x1  }
0x342: {  	[tilespmem:s28+$0xFFFFFFD0] =	vst v41  }
0x343: {  	v41 =	vld [tilespmem:s30+$0xFFFFFFE0];
	_ =	sdelay $0x4  }
0x344: {  	v42 =	vperm.xlane v41, v32;
	_ =	sdelay $0x1  }
0x345: {  	v41 =	vmul.f32 v41, v35;
	v42 =	vmul.f32 v42, v38;
	_ =	sdelay $0x1  }
0x346: {  	v41 =	vadd.f32 v42, v41;
	_ =	sdelay $0x1  }
0x347: {  	[tilespmem:s28+$0xFFFFFFE0] =	vst v41  }
0x348: {  	v41 =	vld [tilespmem:s30+$0xFFFFFFF0];
	_ =	sdelay $0x4  }
0x349: {  	v42 =	vperm.xlane v41, v32;
	_ =	sdelay $0x1  }
0x34a: {  	v41 =	vmul.f32 v41, v36;
	v42 =	vmul.f32 v42, v39;
	_ =	sdelay $0x1  }
0x34b: {  	v41 =	vadd.f32 v42, v41;
	_ =	sdelay $0x1  }
0x34c: {  	[tilespmem:s28+$0xFFFFFFF0] =	vst v41  }
0x34d: {  	v41 =	vld [tilespmem:s30+$0x0];
	_ =	sdelay $0x4  }
0x34e: {  	v42 =	vperm.xlane v41, v32;
	_ =	sdelay $0x1  }
.Ltmp9:
0x34f: {  	v41 =	vmul.f32 v41, v37;
	v42 =	vmul.f32 v42, v40;
	(pc) =	sbr.rel @p0 .LBB2_17-.Ltmp9, $3  }
0x350: {  	_ = 	snop  }
0x351: {  	v41 =	vadd.f32 v42, v41;
	_ =	sdelay $0x1  }
0x352: {  	s30 =	sadd.s32 $0x80, s30;
	[tilespmem:s28+$0x0] =	vst v41  }
.Ltmp10:
0x353: {  	(pc) =	sbr.rel @p1 .LBB2_20-.Ltmp10, $4  }
0x354: {  	s26 =	sshll.u32 s26, $0x7  }
0x355: {  	s26 =	sand.u32 $0x180, s26  }
0x356: {  	s26 =	sadd.s32 $0x1B00, s26  }
0x357: {  	[hbm4b:s2+s12] =	stream.indirect.scatter [tilespmem:s20], [sflag:$0x4], $0x40, s26, s12, $0xb8;
	[tilespmem:$0x10100] =	vst v63  }
0x358: {  	s25 =	sadd.s32 $0x3, s25  }
0x359: {  	s26 =	sshll.u32 s25, $0x2  }
0x35a: {  	v33 =	vmov s26  }
0x35b: {  	v33 =	vand.u32 $0x1F8, v33  }
0x35c: {  	v34 =	vadd.s32 v16, v33;
	_ =	sdelay $0x4  }
0x35d: {  	v34 =	vld.idx.msk [tilespmem:v34+s3+$0x0], $0xffff  }
0x35e: {  	v33 =	vadd.s32 v17, v33  }
0x35f: {  	s28 =	sshll.u32 s25, $0x7  }
0x360: {  	s28 =	sand.u32 $0x180, s28;
	v51 =	vadd.s32 s26, v2  }
0x361: {  	s29 =	sor.u32 $0x1, s26;
	[tilespmem:s28+$0x1B00] =	vst v51  }
0x362: {  	v52 =	vmov s29;
	[tilespmem:s28+$0x1900] =	vst v34  }
0x363: {  	v34 =	vand.u32 $0x7FFFFFF8, v52;
	v33 =	vld.idx.msk [tilespmem:v33+s3+$0x0], $0xffff  }
0x364: {  	v35 =	vadd.s32 v20, v34;
	_ =	sdelay $0x1  }
0x365: {  	v53 =	vadd.s32 s26, v3  }
0x366: {  	[tilespmem:s28+$0x1B10] =	vst v53  }
0x367: {  	[tilespmem:s28+$0x1910] =	vst v33  }
0x368: {  	v33 =	vld.idx.msk [tilespmem:v35+s3+$0x0], $0xffff  }
0x369: {  	v34 =	vadd.s32 v21, v34;
	_ =	sdelay $0x1  }
0x36a: {  	v54 =	vadd.s32 s29, v2  }
0x36b: {  	s26 =	sor.u32 $0x2, s26;
	[tilespmem:s28+$0x1B20] =	vst v54  }
0x36c: {  	v55 =	vmov s26;
	[tilespmem:s28+$0x1920] =	vst v33  }
0x36d: {  	v33 =	vld.idx.msk [tilespmem:v34+s3+$0x0], $0xffff;
	v34 =	vand.u32 $0x7FFFFFF8, v55  }
0x36e: {  	v56 =	vadd.s32 v24, v34;
	_ =	sdelay $0x1  }
0x36f: {  	v57 =	vadd.s32 s29, v3  }
0x370: {  	[tilespmem:s28+$0x1B30] =	vst v57  }
0x371: {  	[tilespmem:s28+$0x1930] =	vst v33  }
0x372: {  	v33 =	vld.idx.msk [tilespmem:v56+s3+$0x0], $0xffff  }
0x373: {  	v34 =	vadd.s32 v26, v34;
	_ =	sdelay $0x1  }
0x374: {  	v58 =	vadd.s32 s26, v2  }
0x375: {  	s25 =	sshllo.u32 s25, $0x2;
	[tilespmem:s28+$0x1B40] =	vst v58  }
0x376: {  	v59 =	vmov s25;
	[tilespmem:s28+$0x1940] =	vst v33  }
0x377: {  	v33 =	vld.idx.msk [tilespmem:v34+s3+$0x0], $0xffff;
	v34 =	vand.u32 $0x7FFFFFF8, v59  }
0x378: {  	v60 =	vadd.s32 v28, v34;
	_ =	sdelay $0x1  }
0x379: {  	v61 =	vadd.s32 s26, v3  }
0x37a: {  	[tilespmem:s28+$0x1B50] =	vst v61  }
0x37b: {  	[tilespmem:s28+$0x1950] =	vst v33  }
0x37c: {  	v33 =	vld.idx.msk [tilespmem:v60+s3+$0x0], $0xffff  }
0x37d: {  	v34 =	vadd.s32 v29, v34;
	_ =	sdelay $0x1  }
0x37e: {  	v62 =	vadd.s32 s25, v2  }
0x37f: {  	[tilespmem:s28+$0x1B60] =	vst v62  }
0x380: {  	[tilespmem:s28+$0x1960] =	vst v33  }
0x381: {  	v33 =	vld.idx.msk [tilespmem:v34+s3+$0x0], $0xffff;
	_ =	sdelay $0x1  }
.Ltmp11:
0x382: {  	_ = 	snop;
	(pc) =	sbr.rel .LBB2_2-.Ltmp11, $4  }
0x383: {  	v63 =	vadd.s32 s25, v3  }
0x384: {  	[tilespmem:s28+$0x1B70] =	vst v63  }
0x385: {  	s24 =	sadd.s32 $0x1, s24;
	s31 =	sadd.s32 $0x1900, s28;
	[tilespmem:s28+$0x1970] =	vst v33  }
0x386: {  	[tilespmem:s16], [sflag:$0x2] =	stream.indirect.gather [hbm4b:s6+s12], $0x40, s31, s12, $0xb8;
	[tilespmem:$0x10100] =	vst v63  }
.LBB2_21:
0x387: {  	_ =	sfence.sel $0x180000  }
0x388: {  	[bflag:$0x0] =	sbarrier.arrive $0xFFFF  }
0x389: {  	p0 =	sne.s32 s0, $0x0;
	_ =	strace $0x90000047  }
0x38a: {  	s0 =	sadd.s32 @!p0 $0x100000, s1;
	[bflag:$0x2] =	sbarrier.arrive $0xFFFF  }
0x38b: {  	[sflag:s0] =	ssyncadd.tile.s32 @!p0 $0x1;
	_ =	shalt  }
.Lfunc_end2:
_tile_overlayer_lowered:
.L_overlay_start_2:
0x38c: {  	(tag) =	ssettag $0x2  }
0x38d: {  	s0 =	rddreg [dreg:$0x0];
	s2 =	stileid.u32  }
0x38e: {  	s1 =	rddreg [dreg:$0x1];
	p0 =	sne.s32 s2, $0x0  }
0x38f: {  	s3 =	rddreg [dreg:$0x2];
	[bflag:$0x3] =	sbarrier.arrive $0xFFFF;
	s2 =	simm.s32 @!p0 $0x1C05  }
0x390: {  	[timem:s3], [sflag:s2] =	dma.local @!p0 [hbm:s0], s1  }
0x391: {  	s0 =	simm.s32 @!p0 $0x5  }
0x392: {  	_ =	swait.ge @!p0 [sflag:s0], s1  }
0x393: {  	s1 =	ssub.s32 @!p0 $0x0, s1;
	[sflag:s0] =	ssyncset.done @!p0 $0x0  }
0x394: {  	[sflag:s0] =	ssyncadd.s32 @!p0 s1  }
0x395: {  	[bflag:$0x3] =	sbarrier.arrive $0xFFFF  }
0x396: {  	_ =	shalt  }

// kernel: sparse-core-data-format-call.cloned.1.call-start
scs
called_computation_lowered:
.L_overlay_start_0:
0x0: {  	s2 =	sld [smem:$0x3FD9]  }
0x1: {  	s3 =	sld [smem:$0x3FFE];
	_ =	sdelay $0x1  }
0x2: {  	s1 =	srdreg.scid  }
0x3: {  	s0 =	sand.u32 $0x1, s1  }
0x4: {  	s18 =	sshll.u32 s0, $0xA;
	s2 =	sadd.s32 s3, s2  }
0x5: {  	s2 =	sadd.s32 s2, s18  }
0x6: {  	[smem:$0x3FC6] =	sst s2  }
0x7: {  	_ = 	snop  }
0x8: {  	s2 =	sld [smem:$0x3FD0];
	(tm) =	ssettm $0x1  }
0x9: {  	s19 =	sld [smem:$0x3FFB];
	_ =	sdelay $0x3  }
0xa: {  	_ =	strace s19  }
0xb: {  	s3 =	sld [smem:$0x3FFC];
	_ =	sdelay $0x3  }
0xc: {  	_ =	strace s3  }
0xd: {  	s3 =	sld [smem:$0x3FFD];
	_ =	sdelay $0x3  }
0xe: {  	_ =	strace s3  }
0xf: {  	_ =	strace $0x8FFFFFFF  }
0x10: {  	s20 =	sld [smem:$0x3FDB];
	_ =	sdelay $0x1  }
0x11: {  	s4 =	simm.s32 $_scs_section_size  }
0x12: {  	s5 =	simm.s32 $_size__tile_overlayer_lowered;
	s6 =	simm.s32 $_tile_overlayer_lowered  }
0x13: {  	s23 =	simm.s32 $0x1BFF;
	s22 =	sshll.u32 s6, $0x1;
	s3 =	sadd.s32 s4, s20  }
0x14: {  	s7 =	simm.s32 $0x0;
	s21 =	sshll.u32 s5, $0x1;
	s5 =	sadd.s32 s22, s3  }
0x15: {  	[timem:s7], [sflag:s23] =	dma.local [hbm:s5], s21  }
0x16: {  	_ =	swait.ge [sflag:s23], s21  }
0x17: {  	s4 =	ssub.s32 $0x0, s21;
	[sflag:s23] =	ssyncset.done $0x0  }
0x18: {  	[sflag:s23] =	ssyncadd.s32 s4;
	_ =	sdelay $0x1  }
0x19: {  	s24 =	simm.s32 $0x1B8B  }
0x1a: {  	_ =	swait.ge [sflag:s24], $0x1  }
0x1b: {  	[sflag:s24] =	ssyncset.done $0x0  }
0x1c: {  	s26 =	simm.s32 $0x1B8E;
	s25 =	sld [smem:$0x3FFE];
	[sflag:s24] =	ssyncadd.s32 $0xFFFFFFFF  }
0x1d: {  	s27 =	simm.s32 $execute0_lowered;
	[smem:$0x3FD2] =	sst s26  }
0x1e: {  	s5 =	sshll.u32 s27, $0x1;
	_ =	strace $0x80000049;
	[dreg:$0x1] =	wrdreg $0xFFFFFFFF  }
0x1f: {  	s28 =	simm.s32 $_size_execute0_lowered;
	s3 =	sadd.s32 s3, s5;
	[dreg:$0x0] =	wrdreg $0x0  }
0x20: {  	s5 =	sshll.u32 s28, $0x1;
	[dreg:$0x2] =	wrdreg s3  }
0x21: {  	[dreg:$0x3] =	wrdreg s5  }
0x22: {  	[dreg:$0x4] =	wrdreg $0xC0  }
0x23: {  	_ =	task [dreg:s7], $0x5FFFF  }
0x24: {  	[dreg:$0x1] =	wrdreg $0xFFFFFFFF  }
0x25: {  	[dreg:$0x0] =	wrdreg $0x60  }
0x26: {  	[dreg:$0x2] =	wrdreg s25  }
0x27: {  	[dreg:$0x3] =	wrdreg s2  }
0x28: {  	[dreg:$0x4] =	wrdreg $0x9  }
0x29: {  	_ =	task.clear_ibuf [dreg:s7], $0x5FFFF;
	_ =	strace $0x90000049  }
0x2a: {  	s29 =	simm.s32 $0x9;
	_ =	strace $0x8000004B  }
0x2b: {  	_ =	swait.ge [sflag:s29], $0x1  }
0x2c: {  	[sflag:s29] =	ssyncadd.s32 $0xFFFFFFFF  }
0x2d: {  	_ =	strace $0x9000004B  }
0x2e: {  	_ =	sfence  }
0x2f: {  	s30 =	sld [smem:$0x0];
	_ =	sdelay $0x2  }
0x30: {  	s31 =	sshll.u32 s1, $0xD;
	s1 =	sshrl.u32 s1, $0x2  }
0x31: {  	s3 =	sand.u32 $0x4000, s31;
	s1 =	sadd.s32 s1, s30  }
0x32: {  	s0 =	sor.u32 s3, s0;
	s1 =	sshll.u32 s1, $0x11  }
0x33: {  	s0 =	sor.u32 s1, s0  }
0x34: {  	s0 =	sadd.s32 $0x8F2B, s0  }
0x35: {  	[sflag:s0] =	ssyncadd.remote.s32 $0x1  }
0x36: {  	_ =	sfence.sel $0xFFFF  }
0x37: {  	[dreg:$0x0] =	wrdreg $0xFFFFFFFF;
	(pc) =	sbr.abs _section_cstart, $3  }
0x38: {  	[dreg:$0x1] =	wrdreg $0xFFFFFFFF  }
0x39: {  	_ =	task.clear_ibuf [dreg:s7], $0x2FFFF;
	_ =	strace $0x9FFFFFFF  }
0x3a: {  	(tm) =	ssettm $0x7FFFFFFF  }
0x3b: {  	_ =	shalt  }
tec
execute0_lowered:
.L_overlay_start_1:
0x0: {  	(tag) =	ssettag $0x1  }
0x1: {  	s0 =	stileid.u32;
	s6 =	rddreg [dreg:$0x0]  }
0x2: {  	s2 =	rddreg [dreg:$0x1];
	s5 =	srdreg.scid  }
0x3: {  	s31 =	simm.s32 $0x2;
	s13 =	simm.s32 $0x0;
	s1 =	sshll.u32 s0, $0x7  }
0x4: {  	s14 =	simm.s32 $0x0;
	s12 =	simm.s32 $0x0;
	s3 =	sand.u32 $0x380, s1  }
0x5: {  	s5 =	sshll.u32 s5, $0x4;
	s6 =	sadd.s32 $0xC00, s6;
	s4 =	ssub.s32 $0x400, s3  }
0x6: {  	s1 =	rddreg [dreg:$0x2];
	_ =	strace $0x8000004A;
	s7 =	sand.u32 $0x380, s4  }
0x7: {  	s5 =	sand.u32 $0x10, s5;
	p0 =	sne.s32 s7, $0x0;
	s7 =	simm.s32 $0x1  }
.Ltmp0:
0x8: {  	s8 =	sshrl.u32 s4, $0xA;
	s7 =	simm.s32 @!p0 $0x0;
	(pc) =	sbr.rel .LBB1_1-.Ltmp0, $4  }
0x9: {  	s9 =	sor.u32 s0, s5;
	s4 =	simm.s32 $0x1;
	s30 =	sadd.s32 s7, s8  }
0xa: {  	s11 =	smov.u32 s3;
	[sflag:s4] =	ssyncpa.u1 $0x0;
	s5 =	smul.u32 $0x32, s30  }
0xb: {  	[sflag:s31] =	ssyncpa.u1 $0x0;
	p0 =	por $0x0, $0x0;
	s7 =	sshrl.u32 s9, $0x3  }
0xc: {  	s9 =	simm.s32 $0x2000;
	s10 =	smov.u32 s7;
	s8 =	sor.u32 $0x1, s5  }
.LBB1_4:
0xd: {  	s17 =	sand.u32 $0x1F80, s14;
	s13 =	sshll.u32 s13, $0xD  }
0xe: {  	[tilespmem:s16+$0x810 ss:$0x81] =	vst.msk $0xffff, v2;
	s18 =	sshrl.u32 s14, $0x3;
	s31 =	sand.u32 $0x7, s14;
	s17 =	sadd.s32 s2, s17  }
0xf: {  	[tilespmem:s16+$0x1020 ss:$0x81] =	vst.msk $0xffff, v0;
	s18 =	sand.u32 $0xF, s18;
	s14 =	sshll.u32 s31, $0x12;
	s13 =	sadd.s32 s13, s17  }
0x10: {  	[tilespmem:s16+$0x0 ss:$0x81] =	vst.msk $0xffff, v1;
	s14 =	sor.u32 $0x400, s14;
	s13 =	sadd.s32 s18, s13  }
0x11: {  	[hbm4b:s13+s14] =	stream.strided.scatter [tilespmem:s15], [sflag:$0x2], $0x2000, s9, s14, $0x20;
	[tilespmem:$0x8080] =	vst v63  }
.LBB1_5:
0x12: {  	s15 =	sadd.s32 $0x4, s10  }
0x13: {  	s13 =	sadd.s32 $0x400, s11;
	s17 =	smov.u32 s11;
	p2 =	sgt.s32 s15, $0xC7  }
0x14: {  	s17 =	smov.u32 @p2 s13  }
0x15: {  	s15 =	smov.u32 @p2 s7;
	p2 =	sgt.s32 s17, $0x3FF  }
0x16: {  	s17 =	smov.u32 @p2 s3;
	p2 =	sne.s32 s12, s8  }
.Ltmp1:
0x17: {  	p1 =	slt.u32 s12, $0x2;
	(pc) =	sbr.rel @!p2 .LBB1_6-.Ltmp1, $4  }
0x18: {  	s16 =	simm.s32 @!p1 $0x2  }
0x19: {  	s14 =	smov.u32 s11;
	p0 =	por !p0, !p0;
	_ =	swait.ge @!p1 [sflag:s16], $0x2000  }
0x1a: {  	s13 =	smov.u32 s10;
	[sflag:s16] =	ssyncset.done @!p1 $0x0;
	s10 =	smov.u32 s15  }
0x1b: {  	s12 =	sadd.s32 $0x1, s12;
	[sflag:s16] =	ssyncadd.s32 @!p1 $0xFFFFE000;
	s11 =	smov.u32 s17  }
.LBB1_1:
0x1c: {  	p1 =	sge.u32 s12, s5  }
0x1d: {  	s15 =	sand.u32 @!p1 $0x1FFFFFF, s10  }
0x1e: {  	s16 =	smulhi.u32 @!p1 $0x147AE15, s15;
	_ =	sdelay $0x1  }
0x1f: {  	s16 =	smul.u32 @!p1 $0xC8, s16  }
0x20: {  	s17 =	sxor.u32 @!p1 $0xFFFFFFFF, s12;
	s18 =	smul.u32 @!p1 $0xC80, s11  }
0x21: {  	s31 =	sadd.s32 $0xFFFFFFFF, s12;
	s17 =	sshll.u32 @!p1 s17, $0xD;
	s15 =	ssub.s32 @!p1 s15, s16  }
0x22: {  	s16 =	sand.u32 @!p1 $0x2000, s17;
	s17 =	sadd.s32 @!p1 s6, s18;
	s15 =	sshll.u32 @!p1 s15, $0x4  }
0x23: {  	s18 =	simm.s32 @!p1 $0x6400;
	s15 =	sadd.s32 @!p1 s15, s17;
	s17 =	simm.s32 @!p1 $0x40  }
0x24: {  	[tilespmem:s16], [sflag:$0x1] =	stream.strided.gather @!p1 [hbm4b:s15+s17], $0x2000, s18, s17, $0x38;
	[tilespmem:$0x8080] =	vst v63  }
0x25: {  	p1 =	sge.u32 s31, s5  }
.Ltmp2:
0x26: {  	_ = 	snop;
	(pc) =	sbr.rel @p1 .LBB1_5-.Ltmp2, $1  }
0x27: {  	_ =	sdelay $0x3  }
0x28: {  	s15 =	simm.s32 $0x1  }
0x29: {  	_ =	swait.ge [sflag:s4], $0x2000;
	s15 =	simm.s32 @!p0 $0x0  }
0x2a: {  	[sflag:s4] =	ssyncset.done $0x0;
	s16 =	sshll.u32 s15, $0xD  }
0x2b: {  	[sflag:s4] =	ssyncadd.s32 $0xFFFFE000;
	s19 =	sor.u32 $0x20, s16  }
0x2c: {  	s15 =	smul.u32 $0x8100, s15;
	v3 =	vld [tilespmem:s19+$0x10]  }
0x2d: {  	s30 =	sand.u32 $0x1, s12;
	v2 =	vld [tilespmem:s19+$0xFFFFFFF0]  }
0x2e: {  	s16 =	smul.u32 $0x8100, s30;
	s15 =	sshrl.u32 s15, $0x2;
	v0 =	vld [tilespmem:s19+$0x0]  }
0x2f: {  	v1 =	vld [tilespmem:s19+$0xFFFFFFE0];
	s17 =	sor.u32 $0x4000, s15  }
0x30: {  	s31 =	sshrl.u32 s16, $0x2;
	s16 =	sadd.s32 $0x0, s17  }
0x31: {  	s18 =	simm.s32 $0x4;
	s19 =	sadd.s32 $0x40, s19;
	s15 =	sor.u32 $0x4000, s31;
	[tilespmem:s16+$0x1830 ss:$0x81] =	vst.msk $0xffff, v3  }
.LBB1_3:
0x32: {  	v3 =	vld [tilespmem:s19+$0x10];
	p1 =	sne.s32 s18, $0x1FC;
	[tilespmem:s16+$0x810 ss:$0x81] =	vst.msk $0xffff, v2;
	s20 =	smov.u32 s18;
	s18 =	sadd.s32 $0x4, s18  }
.Ltmp3:
0x33: {  	v2 =	vld [tilespmem:s19+$0xFFFFFFF0];
	[tilespmem:s16+$0x1020 ss:$0x81] =	vst.msk $0xffff, v0;
	(pc) =	sbr.rel @p1 .LBB1_3-.Ltmp3, $4  }
0x34: {  	v0 =	vld [tilespmem:s19+$0x0];
	[tilespmem:s16+$0x0 ss:$0x81] =	vst.msk $0xffff, v1  }
0x35: {  	s16 =	sshra.s32 s20, $0x2;
	v1 =	vld [tilespmem:s19+$0xFFFFFFE0]  }
0x36: {  	s16 =	sadd.s32 s16, s17  }
0x37: {  	s19 =	sadd.s32 $0x40, s19;
	[tilespmem:s16+$0x1830 ss:$0x81] =	vst.msk $0xffff, v3  }
.Ltmp4:
0x38: {  	_ = 	snop;
	(pc) =	sbr.rel .LBB1_4-.Ltmp4, $1  }
0x39: {  	_ =	sdelay $0x3  }
.LBB1_6:
0x3a: {  	_ =	sfence.sel $0x180000  }
0x3b: {  	s2 =	simm.s32 $0x1;
	[bflag:$0x0] =	sbarrier.arrive $0xFFFF  }
0x3c: {  	s31 =	simm.s32 $0x2;
	[sflag:s2] =	ssyncpa.u1 $0x1  }
0x3d: {  	[sflag:s31] =	ssyncpa.u1 $0x1  }
0x3e: {  	p0 =	sne.s32 s0, $0x0;
	_ =	strace $0x9000004A  }
0x3f: {  	s0 =	sadd.s32 @!p0 $0x100000, s1;
	[bflag:$0x2] =	sbarrier.arrive $0xFFFF  }
0x40: {  	[sflag:s0] =	ssyncadd.tile.s32 @!p0 $0x1;
	_ =	shalt  }
.Lfunc_end1:
_tile_overlayer_lowered:
.L_overlay_start_2:
0x41: {  	(tag) =	ssettag $0x2  }
0x42: {  	s0 =	rddreg [dreg:$0x0];
	s2 =	stileid.u32  }
0x43: {  	s1 =	rddreg [dreg:$0x1];
	p0 =	sne.s32 s2, $0x0  }
0x44: {  	s3 =	rddreg [dreg:$0x2];
	[bflag:$0x3] =	sbarrier.arrive $0xFFFF;
	s2 =	simm.s32 @!p0 $0x1C01  }
0x45: {  	[timem:s3], [sflag:s2] =	dma.local @!p0 [hbm:s0], s1  }
0x46: {  	s0 =	simm.s32 @!p0 $0x1  }
0x47: {  	_ =	swait.ge @!p0 [sflag:s0], s1  }
0x48: {  	s1 =	ssub.s32 @!p0 $0x0, s1;
	[sflag:s0] =	ssyncset.done @!p0 $0x0  }
0x49: {  	[sflag:s0] =	ssyncadd.s32 @!p0 s1  }
0x4a: {  	[bflag:$0x3] =	sbarrier.arrive $0xFFFF  }
0x4b: {  	_ =	shalt  }

</sc_bundles>
